<compile_context>
chip_gen: v7x
topology: tpu7x:2x2x1
jax: 0.10.2.dev20260603
libtpu: 0.0.44.dev20260713+nightly
codegen_flags: <defaults>
</compile_context>

<pallas_src>
import functools

import jax
import jax.numpy as jnp
from jax import lax
from jax.experimental import pallas as pl
from jax.experimental.pallas import tpu as pltpu
from jax.experimental.pallas import tpu_sc as plsc

_NC = 2
_NS = 16
_NW = _NC * _NS
_CH = 32


def kernel(x, pos_table):
    batch, seq, dim = x.shape
    rows_per_w = seq // _NW
    n_ch = rows_per_w // _CH
    n_it = n_ch * batch
    lanes = dim // 16

    x2 = x.reshape(batch * seq, dim)
    mesh = plsc.VectorSubcoreMesh(core_axis_name="c", subcore_axis_name="s")

    @functools.partial(
        pl.kernel,
        out_type=jax.ShapeDtypeStruct((batch * seq, dim), jnp.float32),
        mesh=mesh,
        scratch_types=[
            pltpu.VMEM((_CH, dim), jnp.float32),
            pltpu.VMEM((2, _CH, dim), jnp.float32),
            pltpu.VMEM((2, _CH, dim), jnp.float32),
            pltpu.SemaphoreType.DMA,
            pltpu.SemaphoreType.DMA,
            pltpu.SemaphoreType.DMA,
            pltpu.SemaphoreType.DMA,
            pltpu.SemaphoreType.DMA,
        ],
    )
    def sc_add(x_hbm, pos_hbm, out_hbm, pbuf, xbuf, obuf,
               sx0, sx1, sp, so0, so1):
        wid = lax.axis_index("s") * _NC + lax.axis_index("c")
        base = wid * rows_per_w
        sx = (sx0, sx1)
        so = (so0, so1)

        def x_row(it):
            j = lax.shift_right_logical(it, 2)
            b = lax.bitwise_and(it, 3)
            return b * seq + base + j * _CH

        def fire_in(it, slot):
            pltpu.async_copy(x_hbm.at[pl.ds(x_row(it), _CH), :],
                             xbuf.at[slot], sx[slot])

        def fire_pos(j):
            pltpu.async_copy(pos_hbm.at[pl.ds(base + j * _CH, _CH), :],
                             pbuf, sp)

        def wait_pos(j):
            pltpu.make_async_copy(pos_hbm.at[pl.ds(base + j * _CH, _CH), :],
                                  pbuf, sp).wait()

        fire_in(0, 0)
        fire_in(1, 1)
        fire_pos(0)

        @pl.loop(0, n_it // 2)
        def _pipe(g):
            for ph in range(2):
                it = g * 2 + ph
                j = lax.shift_right_logical(it, 2)
                b = lax.bitwise_and(it, 3)
                xrow = x_row(it)

                pltpu.make_async_copy(x_hbm.at[pl.ds(xrow, _CH), :],
                                      xbuf.at[ph], sx[ph]).wait()

                @pl.when(b == 0)
                def _():
                    wait_pos(j)

                @pl.when(it >= 2)
                def _():
                    orow = x_row(it - 2)
                    pltpu.make_async_copy(obuf.at[ph],
                                          out_hbm.at[pl.ds(orow, _CH), :],
                                          so[ph]).wait()

                @pl.loop(0, _CH)
                def _rows(r):
                    for i in range(lanes):
                        sl = pl.ds(i * 16, 16)
                        obuf[ph, r, sl] = xbuf[ph, r, sl] + pbuf[r, sl]

                @pl.when(jnp.logical_and(b == 3, j + 1 < n_ch))
                def _():
                    fire_pos(j + 1)

                pltpu.async_copy(obuf.at[ph],
                                 out_hbm.at[pl.ds(xrow, _CH), :], so[ph])

                @pl.when(it + 2 < n_it)
                def _():
                    fire_in(it + 2, ph)

        for ph in range(2):
            it = n_it - 2 + ph
            xrow = x_row(it)
            pltpu.make_async_copy(obuf.at[ph],
                                  out_hbm.at[pl.ds(xrow, _CH), :],
                                  so[ph]).wait()

    out = sc_add(x2, pos_table)
    return out.reshape(batch, seq, dim)

# --- scband reference (transcript-rebuilt; emitter-appended) ---
"""Pipeline reference for scband-positional-embedding-42365557408175 (READ-ONLY COPY).

The authoritative reference and input builder live on the scoring server;
editing this copy changes nothing except your own understanding.
"""

import jax, jax.numpy as jnp
import numpy as np

SEQ_LEN = 8192
OUT_DIM = 768
BATCH = 4

def setup_inputs(seed: int = 0) -> dict:
    key = jax.random.key(seed)
    k1, k2 = jax.random.split(key)
    x = jax.random.normal(k1, (BATCH, SEQ_LEN, OUT_DIM), dtype=jnp.float32)
    # learned position embedding table, sized per init_kwargs (sequence_length, output_dim)
    pos_table = jax.random.normal(k2, (SEQ_LEN, OUT_DIM), dtype=jnp.float32) * 0.02
    return {"x": x, "pos_table": pos_table}

def reference(x, pos_table):
    # positions = range(0, x.shape[1])
    positions = jnp.arange(x.shape[1])
    # embedding lookup: gather rows of the table
    embedded_positions = jnp.take(pos_table, positions, axis=0)  # [S, D]
    # broadcast add over batch dim, matching keras `x + embedded_positions`
    return x + embedded_positions[None, :, :]

if __name__ == "__main__":
    import jax
    _d = setup_inputs()
    print(jax.jit(kernel)(*tuple(_d.values())))

</pallas_src>

<mosaic_0001>
#map = affine_map<(d0, d1) -> (0, 0)>
module attributes {stable_mosaic.version = 14 : i64} {
  func.func @sc_add(%arg0: i32, %arg1: i32, %arg2: memref<32768x768xf32, #tpu.memory_space<hbm>>, %arg3: memref<8192x768xf32, #tpu.memory_space<hbm>>, %arg4: memref<32768x768xf32, #tpu.memory_space<hbm>>, %arg5: memref<32x768xf32, #tpu.memory_space<vmem>>, %arg6: memref<2x32x768xf32, #tpu.memory_space<vmem>>, %arg7: memref<2x32x768xf32, #tpu.memory_space<vmem>>, %arg8: memref<!tpu.dma_semaphore, #tpu.memory_space<semaphore_mem>>, %arg9: memref<!tpu.dma_semaphore, #tpu.memory_space<semaphore_mem>>, %arg10: memref<!tpu.dma_semaphore, #tpu.memory_space<semaphore_mem>>, %arg11: memref<!tpu.dma_semaphore, #tpu.memory_space<semaphore_mem>>, %arg12: memref<!tpu.dma_semaphore, #tpu.memory_space<semaphore_mem>>) attributes {dimension_semantics = [#tpu.dimension_semantics<core_parallel>, #tpu.dimension_semantics<subcore_parallel>], iteration_bounds = array<i64: 2, 16>, scalar_prefetch = 0 : i64, scratch_operands = 8 : i64, tpu.core_type = #tpu.core_type<sc_vector_subcore>, window_params = [{transform_indices = #map}, {transform_indices = #map}, {transform_indices = #map}]} {
    %mul3A = arith.constant 2 : i32
    %mul3A_0 = arith.muli %arg1, %mul3A : i32
    %add3A = arith.addi %mul3A_0, %arg0 : i32
    %mul3A_1 = arith.constant 256 : i32
    %mul3A_2 = arith.muli %add3A, %mul3A_1 : i32
    %shift_right_logical3A = arith.constant 0 : i32
    %shift_right_logical3A_3 = arith.constant 2 : i32
    %shift_right_logical3A_4 = arith.shrui %shift_right_logical3A, %shift_right_logical3A_3 : i32
    %and3A = arith.constant 0 : i32
    %and3A_5 = arith.constant 3 : i32
    %and3A_6 = arith.andi %and3A, %and3A_5 : i32
    %mul3A_7 = arith.constant 8192 : i32
    %mul3A_8 = arith.muli %and3A_6, %mul3A_7 : i32
    %add3A_9 = arith.addi %mul3A_8, %mul3A_2 : i32
    %mul3A_10 = arith.constant 32 : i32
    %mul3A_11 = arith.muli %shift_right_logical3A_4, %mul3A_10 : i32
    %add3A_12 = arith.addi %add3A_9, %mul3A_11 : i32
    %dma_start3A = arith.constant 0 : i32
    %dma_start3A_13 = arith.constant 0 : i32
    %dma_start3A_14 = arith.constant 0 : i32
    %dma_start3A_15 = tpu.memref_slice %arg6[%dma_start3A, %dma_start3A_13, %dma_start3A_14] : memref<2x32x768xf32, #tpu.memory_space<vmem>> -> memref<1x32x768xf32, #tpu.memory_space<vmem>>
    %dma_start3A_16 = tpu.memref_squeeze %dma_start3A_15 : memref<1x32x768xf32, #tpu.memory_space<vmem>> -> memref<32x768xf32, #tpu.memory_space<vmem>>
    %dma_start3A_17 = arith.constant 0 : i32
    %dma_start3A_18 = tpu.memref_slice %arg2[%add3A_12, %dma_start3A_17] : memref<32768x768xf32, #tpu.memory_space<hbm>> -> memref<32x768xf32, #tpu.memory_space<hbm>>
    %dma_start3A_19 = arith.constant 0 : i32
    %dma_start3A_20 = arith.constant 0 : i32
    %dma_start3A_21 = tpu.memref_slice %arg6[%dma_start3A, %dma_start3A_19, %dma_start3A_20] : memref<2x32x768xf32, #tpu.memory_space<vmem>> -> memref<1x32x768xf32, #tpu.memory_space<vmem>>
    %dma_start3A_22 = tpu.memref_squeeze %dma_start3A_21 : memref<1x32x768xf32, #tpu.memory_space<vmem>> -> memref<32x768xf32, #tpu.memory_space<vmem>>
    %dma_start3A_23 = arith.constant 0 : i32
    %dma_start3A_24 = tpu.memref_slice %arg2[%add3A_12, %dma_start3A_23] : memref<32768x768xf32, #tpu.memory_space<hbm>> -> memref<32x768xf32, #tpu.memory_space<hbm>>
    tpu.enqueue_dma source(%dma_start3A_24 : memref<32x768xf32, #tpu.memory_space<hbm>>) target(%dma_start3A_22 : memref<32x768xf32, #tpu.memory_space<vmem>>) target_semaphore(%arg8 : memref<!tpu.dma_semaphore, #tpu.memory_space<semaphore_mem>>)
    %shift_right_logical3A_25 = arith.constant 1 : i32
    %shift_right_logical3A_26 = arith.constant 2 : i32
    %shift_right_logical3A_27 = arith.shrui %shift_right_logical3A_25, %shift_right_logical3A_26 : i32
    %and3A_28 = arith.constant 1 : i32
    %and3A_29 = arith.constant 3 : i32
    %and3A_30 = arith.andi %and3A_28, %and3A_29 : i32
    %mul3A_31 = arith.constant 8192 : i32
    %mul3A_32 = arith.muli %and3A_30, %mul3A_31 : i32
    %add3A_33 = arith.addi %mul3A_32, %mul3A_2 : i32
    %mul3A_34 = arith.constant 32 : i32
    %mul3A_35 = arith.muli %shift_right_logical3A_27, %mul3A_34 : i32
    %add3A_36 = arith.addi %add3A_33, %mul3A_35 : i32
    %dma_start3A_37 = arith.constant 1 : i32
    %dma_start3A_38 = arith.constant 0 : i32
    %dma_start3A_39 = arith.constant 0 : i32
    %dma_start3A_40 = tpu.memref_slice %arg6[%dma_start3A_37, %dma_start3A_38, %dma_start3A_39] : memref<2x32x768xf32, #tpu.memory_space<vmem>> -> memref<1x32x768xf32, #tpu.memory_space<vmem>>
    %dma_start3A_41 = tpu.memref_squeeze %dma_start3A_40 : memref<1x32x768xf32, #tpu.memory_space<vmem>> -> memref<32x768xf32, #tpu.memory_space<vmem>>
    %dma_start3A_42 = arith.constant 0 : i32
    %dma_start3A_43 = tpu.memref_slice %arg2[%add3A_36, %dma_start3A_42] : memref<32768x768xf32, #tpu.memory_space<hbm>> -> memref<32x768xf32, #tpu.memory_space<hbm>>
    %dma_start3A_44 = arith.constant 0 : i32
    %dma_start3A_45 = arith.constant 0 : i32
    %dma_start3A_46 = tpu.memref_slice %arg6[%dma_start3A_37, %dma_start3A_44, %dma_start3A_45] : memref<2x32x768xf32, #tpu.memory_space<vmem>> -> memref<1x32x768xf32, #tpu.memory_space<vmem>>
    %dma_start3A_47 = tpu.memref_squeeze %dma_start3A_46 : memref<1x32x768xf32, #tpu.memory_space<vmem>> -> memref<32x768xf32, #tpu.memory_space<vmem>>
    %dma_start3A_48 = arith.constant 0 : i32
    %dma_start3A_49 = tpu.memref_slice %arg2[%add3A_36, %dma_start3A_48] : memref<32768x768xf32, #tpu.memory_space<hbm>> -> memref<32x768xf32, #tpu.memory_space<hbm>>
    tpu.enqueue_dma source(%dma_start3A_49 : memref<32x768xf32, #tpu.memory_space<hbm>>) target(%dma_start3A_47 : memref<32x768xf32, #tpu.memory_space<vmem>>) target_semaphore(%arg9 : memref<!tpu.dma_semaphore, #tpu.memory_space<semaphore_mem>>)
    %add3A_50 = arith.constant 0 : i32
    %add3A_51 = arith.addi %mul3A_2, %add3A_50 : i32
    %dma_start3A_52 = arith.constant 0 : i32
    %dma_start3A_53 = tpu.memref_slice %arg3[%add3A_51, %dma_start3A_52] : memref<8192x768xf32, #tpu.memory_space<hbm>> -> memref<32x768xf32, #tpu.memory_space<hbm>>
    %dma_start3A_54 = arith.constant 0 : i32
    %dma_start3A_55 = tpu.memref_slice %arg3[%add3A_51, %dma_start3A_54] : memref<8192x768xf32, #tpu.memory_space<hbm>> -> memref<32x768xf32, #tpu.memory_space<hbm>>
    tpu.enqueue_dma source(%dma_start3A_55 : memref<32x768xf32, #tpu.memory_space<hbm>>) target(%arg5 : memref<32x768xf32, #tpu.memory_space<vmem>>) target_semaphore(%arg10 : memref<!tpu.dma_semaphore, #tpu.memory_space<semaphore_mem>>)
    %scan3A = arith.constant 0 : i32
    %scan3A_56 = arith.constant 16 : i32
    %scan3A_57 = arith.addi %scan3A, %scan3A_56 : i32
    %scan3A_58 = arith.constant 1 : i32
    scf.for %scan3A_109 = %scan3A to %scan3A_57 step %scan3A_58  : i32 {
      %mul3A_110 = arith.constant 1 : i32
      %mul3A_111 = arith.muli %scan3A_109, %mul3A_110 : i32
      %add3A_112 = arith.constant 0 : i32
      %add3A_113 = arith.addi %add3A_112, %mul3A_111 : i32
      %mul3A_114 = arith.constant 2 : i32
      %mul3A_115 = arith.muli %add3A_113, %mul3A_114 : i32
      %add3A_116 = arith.constant 0 : i32
      %add3A_117 = arith.addi %mul3A_115, %add3A_116 : i32
      %shift_right_logical3A_118 = arith.constant 2 : i32
      %shift_right_logical3A_119 = arith.shrui %add3A_117, %shift_right_logical3A_118 : i32
      %and3A_120 = arith.constant 3 : i32
      %and3A_121 = arith.andi %add3A_117, %and3A_120 : i32
      %shift_right_logical3A_122 = arith.constant 2 : i32
      %shift_right_logical3A_123 = arith.shrui %add3A_117, %shift_right_logical3A_122 : i32
      %and3A_124 = arith.constant 3 : i32
      %and3A_125 = arith.andi %add3A_117, %and3A_124 : i32
      %mul3A_126 = arith.constant 8192 : i32
      %mul3A_127 = arith.muli %and3A_125, %mul3A_126 : i32
      %add3A_128 = arith.addi %mul3A_127, %mul3A_2 : i32
      %mul3A_129 = arith.constant 32 : i32
      %mul3A_130 = arith.muli %shift_right_logical3A_123, %mul3A_129 : i32
      %add3A_131 = arith.addi %add3A_128, %mul3A_130 : i32
      %dma_wait3A_132 = arith.constant 0 : i32
      %dma_wait3A_133 = arith.constant 0 : i32
      %dma_wait3A_134 = arith.constant 0 : i32
      %dma_wait3A_135 = tpu.memref_slice %arg6[%dma_wait3A_132, %dma_wait3A_133, %dma_wait3A_134] : memref<2x32x768xf32, #tpu.memory_space<vmem>> -> memref<1x32x768xf32, #tpu.memory_space<vmem>>
      %dma_wait3A_136 = tpu.memref_squeeze %dma_wait3A_135 : memref<1x32x768xf32, #tpu.memory_space<vmem>> -> memref<32x768xf32, #tpu.memory_space<vmem>>
      %dma_wait3A_137 = arith.constant 0 : i32
      %dma_wait3A_138 = tpu.memref_slice %arg2[%add3A_131, %dma_wait3A_137] : memref<32768x768xf32, #tpu.memory_space<hbm>> -> memref<32x768xf32, #tpu.memory_space<hbm>>
      %dma_wait3A_139 = arith.constant 0 : i32
      %dma_wait3A_140 = arith.constant 0 : i32
      %dma_wait3A_141 = tpu.memref_slice %arg6[%dma_wait3A_132, %dma_wait3A_139, %dma_wait3A_140] : memref<2x32x768xf32, #tpu.memory_space<vmem>> -> memref<1x32x768xf32, #tpu.memory_space<vmem>>
      %dma_wait3A_142 = tpu.memref_squeeze %dma_wait3A_141 : memref<1x32x768xf32, #tpu.memory_space<vmem>> -> memref<32x768xf32, #tpu.memory_space<vmem>>
      %dma_wait3A_143 = arith.constant 0 : i32
      %dma_wait3A_144 = tpu.memref_slice %arg2[%add3A_131, %dma_wait3A_143] : memref<32768x768xf32, #tpu.memory_space<hbm>> -> memref<32x768xf32, #tpu.memory_space<hbm>>
      tpu.wait_dma2 semaphore(%arg8 : memref<!tpu.dma_semaphore, #tpu.memory_space<semaphore_mem>>) src(%dma_wait3A_144 : memref<32x768xf32, #tpu.memory_space<hbm>>) dst(%dma_wait3A_142 : memref<32x768xf32, #tpu.memory_space<vmem>>)
      %eq3A = arith.constant 0 : i32
      %eq3A_145 = arith.cmpi eq, %and3A_121, %eq3A : i32
      %convert_element_type3A = arith.extui %eq3A_145 : i1 to i32
      %cond3A = arith.constant 0 : i32
      %cond3A_146 = arith.cmpi ne, %convert_element_type3A, %cond3A : i32
      scf.if %cond3A_146 {
        %mul3A_261 = arith.constant 32 : i32
        %mul3A_262 = arith.muli %shift_right_logical3A_119, %mul3A_261 : i32
        %add3A_263 = arith.addi %mul3A_2, %mul3A_262 : i32
        %dma_wait3A_264 = arith.constant 0 : i32
        %dma_wait3A_265 = tpu.memref_slice %arg3[%add3A_263, %dma_wait3A_264] : memref<8192x768xf32, #tpu.memory_space<hbm>> -> memref<32x768xf32, #tpu.memory_space<hbm>>
        %dma_wait3A_266 = arith.constant 0 : i32
        %dma_wait3A_267 = tpu.memref_slice %arg3[%add3A_263, %dma_wait3A_266] : memref<8192x768xf32, #tpu.memory_space<hbm>> -> memref<32x768xf32, #tpu.memory_space<hbm>>
        tpu.wait_dma2 semaphore(%arg10 : memref<!tpu.dma_semaphore, #tpu.memory_space<semaphore_mem>>) src(%dma_wait3A_267 : memref<32x768xf32, #tpu.memory_space<hbm>>) dst(%arg5 : memref<32x768xf32, #tpu.memory_space<vmem>>)
      } else {
      }
      %ge3A = arith.constant 2 : i32
      %ge3A_147 = arith.cmpi sge, %add3A_117, %ge3A : i32
      %convert_element_type3A_148 = arith.extui %ge3A_147 : i1 to i32
      %cond3A_149 = arith.constant 0 : i32
      %cond3A_150 = arith.cmpi ne, %convert_element_type3A_148, %cond3A_149 : i32
      scf.if %cond3A_150 {
        %sub3A = arith.constant 2 : i32
        %sub3A_261 = arith.subi %add3A_117, %sub3A : i32
        %shift_right_logical3A_262 = arith.constant 2 : i32
        %shift_right_logical3A_263 = arith.shrui %sub3A_261, %shift_right_logical3A_262 : i32
        %and3A_264 = arith.constant 3 : i32
        %and3A_265 = arith.andi %sub3A_261, %and3A_264 : i32
        %mul3A_266 = arith.constant 8192 : i32
        %mul3A_267 = arith.muli %and3A_265, %mul3A_266 : i32
        %add3A_268 = arith.addi %mul3A_267, %mul3A_2 : i32
        %mul3A_269 = arith.constant 32 : i32
        %mul3A_270 = arith.muli %shift_right_logical3A_263, %mul3A_269 : i32
        %add3A_271 = arith.addi %add3A_268, %mul3A_270 : i32
        %dma_wait3A_272 = arith.constant 0 : i32
        %dma_wait3A_273 = arith.constant 0 : i32
        %dma_wait3A_274 = arith.constant 0 : i32
        %dma_wait3A_275 = tpu.memref_slice %arg7[%dma_wait3A_272, %dma_wait3A_273, %dma_wait3A_274] : memref<2x32x768xf32, #tpu.memory_space<vmem>> -> memref<1x32x768xf32, #tpu.memory_space<vmem>>
        %dma_wait3A_276 = tpu.memref_squeeze %dma_wait3A_275 : memref<1x32x768xf32, #tpu.memory_space<vmem>> -> memref<32x768xf32, #tpu.memory_space<vmem>>
        %dma_wait3A_277 = arith.constant 0 : i32
        %dma_wait3A_278 = tpu.memref_slice %arg4[%add3A_271, %dma_wait3A_277] : memref<32768x768xf32, #tpu.memory_space<hbm>> -> memref<32x768xf32, #tpu.memory_space<hbm>>
        %dma_wait3A_279 = arith.constant 0 : i32
        %dma_wait3A_280 = tpu.memref_slice %arg4[%add3A_271, %dma_wait3A_279] : memref<32768x768xf32, #tpu.memory_space<hbm>> -> memref<32x768xf32, #tpu.memory_space<hbm>>
        %dma_wait3A_281 = arith.constant 0 : i32
        %dma_wait3A_282 = arith.constant 0 : i32
        %dma_wait3A_283 = tpu.memref_slice %arg7[%dma_wait3A_272, %dma_wait3A_281, %dma_wait3A_282] : memref<2x32x768xf32, #tpu.memory_space<vmem>> -> memref<1x32x768xf32, #tpu.memory_space<vmem>>
        %dma_wait3A_284 = tpu.memref_squeeze %dma_wait3A_283 : memref<1x32x768xf32, #tpu.memory_space<vmem>> -> memref<32x768xf32, #tpu.memory_space<vmem>>
        tpu.wait_dma2 semaphore(%arg11 : memref<!tpu.dma_semaphore, #tpu.memory_space<semaphore_mem>>) src(%dma_wait3A_284 : memref<32x768xf32, #tpu.memory_space<vmem>>) dst(%dma_wait3A_280 : memref<32x768xf32, #tpu.memory_space<hbm>>)
      } else {
      }
      %scan3A_151 = arith.constant 0 : i32
      %scan3A_152 = arith.constant 32 : i32
      %scan3A_153 = arith.addi %scan3A_151, %scan3A_152 : i32
      %scan3A_154 = arith.constant 1 : i32
      scf.for %scan3A_261 = %scan3A_151 to %scan3A_153 step %scan3A_154  : i32 {
        %mul3A_262 = arith.constant 1 : i32
        %mul3A_263 = arith.muli %scan3A_261, %mul3A_262 : i32
        %add3A_264 = arith.constant 0 : i32
        %add3A_265 = arith.addi %add3A_264, %mul3A_263 : i32
        %get3A = arith.constant 0 : i32
        %get3A_266 = arith.index_cast %get3A : i32 to index
        %get3A_267 = arith.index_cast %add3A_265 : i32 to index
        %get3A_268 = arith.constant 0 : index
        %get3A_269 = tpu.vector_load %arg6[%get3A_266, %get3A_267, %get3A_268] {strides = array<i32>} : memref<2x32x768xf32, #tpu.memory_space<vmem>>, vector<1x1x16xf32>,
        %get3A_270 = vector.shape_cast %get3A_269 : vector<1x1x16xf32> to vector<16xf32>
        %get3A_271 = arith.index_cast %add3A_265 : i32 to index
        %get3A_272 = arith.constant 0 : index
        %get3A_273 = tpu.vector_load %arg5[%get3A_271, %get3A_272] {strides = array<i32>} : memref<32x768xf32, #tpu.memory_space<vmem>>, vector<1x16xf32>,
        %get3A_274 = vector.shape_cast %get3A_273 : vector<1x16xf32> to vector<16xf32>
        %add3A_275 = arith.addf %get3A_270, %get3A_274 : vector<16xf32>
        %swap3A = arith.constant 0 : i32
        %swap3A_276 = arith.index_cast %swap3A : i32 to index
        %swap3A_277 = arith.index_cast %add3A_265 : i32 to index
        %swap3A_278 = arith.constant 0 : index
        %swap3A_279 = tpu.vector_load %arg7[%swap3A_276, %swap3A_277, %swap3A_278] {strides = array<i32>} : memref<2x32x768xf32, #tpu.memory_space<vmem>>, vector<1x1x16xf32>,
        %swap3A_280 = vector.shape_cast %swap3A_279 : vector<1x1x16xf32> to vector<16xf32>
        %swap3A_281 = vector.shape_cast %add3A_275 : vector<16xf32> to vector<1x1x16xf32>
        tpu.vector_store %arg7[%swap3A_276, %swap3A_277, %swap3A_278], %swap3A_281 {strides = array<i32>} : memref<2x32x768xf32, #tpu.memory_space<vmem>>, vector<1x1x16xf32>,
        %get3A_282 = arith.constant 0 : i32
        %get3A_283 = arith.index_cast %get3A_282 : i32 to index
        %get3A_284 = arith.index_cast %add3A_265 : i32 to index
        %get3A_285 = arith.constant 16 : index
        %get3A_286 = tpu.vector_load %arg6[%get3A_283, %get3A_284, %get3A_285] {strides = array<i32>} : memref<2x32x768xf32, #tpu.memory_space<vmem>>, vector<1x1x16xf32>,
        %get3A_287 = vector.shape_cast %get3A_286 : vector<1x1x16xf32> to vector<16xf32>
        %get3A_288 = arith.index_cast %add3A_265 : i32 to index
        %get3A_289 = arith.constant 16 : index
        %get3A_290 = tpu.vector_load %arg5[%get3A_288, %get3A_289] {strides = array<i32>} : memref<32x768xf32, #tpu.memory_space<vmem>>, vector<1x16xf32>,
        %get3A_291 = vector.shape_cast %get3A_290 : vector<1x16xf32> to vector<16xf32>
        %add3A_292 = arith.addf %get3A_287, %get3A_291 : vector<16xf32>
        %swap3A_293 = arith.constant 0 : i32
        %swap3A_294 = arith.index_cast %swap3A_293 : i32 to index
        %swap3A_295 = arith.index_cast %add3A_265 : i32 to index
        %swap3A_296 = arith.constant 16 : index
        %swap3A_297 = tpu.vector_load %arg7[%swap3A_294, %swap3A_295, %swap3A_296] {strides = array<i32>} : memref<2x32x768xf32, #tpu.memory_space<vmem>>, vector<1x1x16xf32>,
        %swap3A_298 = vector.shape_cast %swap3A_297 : vector<1x1x16xf32> to vector<16xf32>
        %swap3A_299 = vector.shape_cast %add3A_292 : vector<16xf32> to vector<1x1x16xf32>
        tpu.vector_store %arg7[%swap3A_294, %swap3A_295, %swap3A_296], %swap3A_299 {strides = array<i32>} : memref<2x32x768xf32, #tpu.memory_space<vmem>>, vector<1x1x16xf32>,
        %get3A_300 = arith.constant 0 : i32
        %get3A_301 = arith.index_cast %get3A_300 : i32 to index
        %get3A_302 = arith.index_cast %add3A_265 : i32 to index
        %get3A_303 = arith.constant 32 : index
        %get3A_304 = tpu.vector_load %arg6[%get3A_301, %get3A_302, %get3A_303] {strides = array<i32>} : memref<2x32x768xf32, #tpu.memory_space<vmem>>, vector<1x1x16xf32>,
        %get3A_305 = vector.shape_cast %get3A_304 : vector<1x1x16xf32> to vector<16xf32>
        %get3A_306 = arith.index_cast %add3A_265 : i32 to index
        %get3A_307 = arith.constant 32 : index
        %get3A_308 = tpu.vector_load %arg5[%get3A_306, %get3A_307] {strides = array<i32>} : memref<32x768xf32, #tpu.memory_space<vmem>>, vector<1x16xf32>,
        %get3A_309 = vector.shape_cast %get3A_308 : vector<1x16xf32> to vector<16xf32>
        %add3A_310 = arith.addf %get3A_305, %get3A_309 : vector<16xf32>
        %swap3A_311 = arith.constant 0 : i32
        %swap3A_312 = arith.index_cast %swap3A_311 : i32 to index
        %swap3A_313 = arith.index_cast %add3A_265 : i32 to index
        %swap3A_314 = arith.constant 32 : index
        %swap3A_315 = tpu.vector_load %arg7[%swap3A_312, %swap3A_313, %swap3A_314] {strides = array<i32>} : memref<2x32x768xf32, #tpu.memory_space<vmem>>, vector<1x1x16xf32>,
        %swap3A_316 = vector.shape_cast %swap3A_315 : vector<1x1x16xf32> to vector<16xf32>
        %swap3A_317 = vector.shape_cast %add3A_310 : vector<16xf32> to vector<1x1x16xf32>
        tpu.vector_store %arg7[%swap3A_312, %swap3A_313, %swap3A_314], %swap3A_317 {strides = array<i32>} : memref<2x32x768xf32, #tpu.memory_space<vmem>>, vector<1x1x16xf32>,
        %get3A_318 = arith.constant 0 : i32
        %get3A_319 = arith.index_cast %get3A_318 : i32 to index
        %get3A_320 = arith.index_cast %add3A_265 : i32 to index
        %get3A_321 = arith.constant 48 : index
        %get3A_322 = tpu.vector_load %arg6[%get3A_319, %get3A_320, %get3A_321] {strides = array<i32>} : memref<2x32x768xf32, #tpu.memory_space<vmem>>, vector<1x1x16xf32>,
        %get3A_323 = vector.shape_cast %get3A_322 : vector<1x1x16xf32> to vector<16xf32>
        %get3A_324 = arith.index_cast %add3A_265 : i32 to index
        %get3A_325 = arith.constant 48 : index
        %get3A_326 = tpu.vector_load %arg5[%get3A_324, %get3A_325] {strides = array<i32>} : memref<32x768xf32, #tpu.memory_space<vmem>>, vector<1x16xf32>,
        %get3A_327 = vector.shape_cast %get3A_326 : vector<1x16xf32> to vector<16xf32>
        %add3A_328 = arith.addf %get3A_323, %get3A_327 : vector<16xf32>
        %swap3A_329 = arith.constant 0 : i32
        %swap3A_330 = arith.index_cast %swap3A_329 : i32 to index
        %swap3A_331 = arith.index_cast %add3A_265 : i32 to index
        %swap3A_332 = arith.constant 48 : index
        %swap3A_333 = tpu.vector_load %arg7[%swap3A_330, %swap3A_331, %swap3A_332] {strides = array<i32>} : memref<2x32x768xf32, #tpu.memory_space<vmem>>, vector<1x1x16xf32>,
        %swap3A_334 = vector.shape_cast %swap3A_333 : vector<1x1x16xf32> to vector<16xf32>
        %swap3A_335 = vector.shape_cast %add3A_328 : vector<16xf32> to vector<1x1x16xf32>
        tpu.vector_store %arg7[%swap3A_330, %swap3A_331, %swap3A_332], %swap3A_335 {strides = array<i32>} : memref<2x32x768xf32, #tpu.memory_space<vmem>>, vector<1x1x16xf32>,
        %get3A_336 = arith.constant 0 : i32
        %get3A_337 = arith.index_cast %get3A_336 : i32 to index
        %get3A_338 = arith.index_cast %add3A_265 : i32 to index
        %get3A_339 = arith.constant 64 : index
        %get3A_340 = tpu.vector_load %arg6[%get3A_337, %get3A_338, %get3A_339] {strides = array<i32>} : memref<2x32x768xf32, #tpu.memory_space<vmem>>, vector<1x1x16xf32>,
        %get3A_341 = vector.shape_cast %get3A_340 : vector<1x1x16xf32> to vector<16xf32>
        %get3A_342 = arith.index_cast %add3A_265 : i32 to index
        %get3A_343 = arith.constant 64 : index
        %get3A_344 = tpu.vector_load %arg5[%get3A_342, %get3A_343] {strides = array<i32>} : memref<32x768xf32, #tpu.memory_space<vmem>>, vector<1x16xf32>,
        %get3A_345 = vector.shape_cast %get3A_344 : vector<1x16xf32> to vector<16xf32>
        %add3A_346 = arith.addf %get3A_341, %get3A_345 : vector<16xf32>
        %swap3A_347 = arith.constant 0 : i32
        %swap3A_348 = arith.index_cast %swap3A_347 : i32 to index
        %swap3A_349 = arith.index_cast %add3A_265 : i32 to index
        %swap3A_350 = arith.constant 64 : index
        %swap3A_351 = tpu.vector_load %arg7[%swap3A_348, %swap3A_349, %swap3A_350] {strides = array<i32>} : memref<2x32x768xf32, #tpu.memory_space<vmem>>, vector<1x1x16xf32>,
        %swap3A_352 = vector.shape_cast %swap3A_351 : vector<1x1x16xf32> to vector<16xf32>
        %swap3A_353 = vector.shape_cast %add3A_346 : vector<16xf32> to vector<1x1x16xf32>
        tpu.vector_store %arg7[%swap3A_348, %swap3A_349, %swap3A_350], %swap3A_353 {strides = array<i32>} : memref<2x32x768xf32, #tpu.memory_space<vmem>>, vector<1x1x16xf32>,
        %get3A_354 = arith.constant 0 : i32
        %get3A_355 = arith.index_cast %get3A_354 : i32 to index
        %get3A_356 = arith.index_cast %add3A_265 : i32 to index
        %get3A_357 = arith.constant 80 : index
        %get3A_358 = tpu.vector_load %arg6[%get3A_355, %get3A_356, %get3A_357] {strides = array<i32>} : memref<2x32x768xf32, #tpu.memory_space<vmem>>, vector<1x1x16xf32>,
        %get3A_359 = vector.shape_cast %get3A_358 : vector<1x1x16xf32> to vector<16xf32>
        %get3A_360 = arith.index_cast %add3A_265 : i32 to index
        %get3A_361 = arith.constant 80 : index
        %get3A_362 = tpu.vector_load %arg5[%get3A_360, %get3A_361] {strides = array<i32>} : memref<32x768xf32, #tpu.memory_space<vmem>>, vector<1x16xf32>,
        %get3A_363 = vector.shape_cast %get3A_362 : vector<1x16xf32> to vector<16xf32>
        %add3A_364 = arith.addf %get3A_359, %get3A_363 : vector<16xf32>
        %swap3A_365 = arith.constant 0 : i32
        %swap3A_366 = arith.index_cast %swap3A_365 : i32 to index
        %swap3A_367 = arith.index_cast %add3A_265 : i32 to index
        %swap3A_368 = arith.constant 80 : index
        %swap3A_369 = tpu.vector_load %arg7[%swap3A_366, %swap3A_367, %swap3A_368] {strides = array<i32>} : memref<2x32x768xf32, #tpu.memory_space<vmem>>, vector<1x1x16xf32>,
        %swap3A_370 = vector.shape_cast %swap3A_369 : vector<1x1x16xf32> to vector<16xf32>
        %swap3A_371 = vector.shape_cast %add3A_364 : vector<16xf32> to vector<1x1x16xf32>
        tpu.vector_store %arg7[%swap3A_366, %swap3A_367, %swap3A_368], %swap3A_371 {strides = array<i32>} : memref<2x32x768xf32, #tpu.memory_space<vmem>>, vector<1x1x16xf32>,
        %get3A_372 = arith.constant 0 : i32
        %get3A_373 = arith.index_cast %get3A_372 : i32 to index
        %get3A_374 = arith.index_cast %add3A_265 : i32 to index
        %get3A_375 = arith.constant 96 : index
        %get3A_376 = tpu.vector_load %arg6[%get3A_373, %get3A_374, %get3A_375] {strides = array<i32>} : memref<2x32x768xf32, #tpu.memory_space<vmem>>, vector<1x1x16xf32>,
        %get3A_377 = vector.shape_cast %get3A_376 : vector<1x1x16xf32> to vector<16xf32>
        %get3A_378 = arith.index_cast %add3A_265 : i32 to index
        %get3A_379 = arith.constant 96 : index
        %get3A_380 = tpu.vector_load %arg5[%get3A_378, %get3A_379] {strides = array<i32>} : memref<32x768xf32, #tpu.memory_space<vmem>>, vector<1x16xf32>,
        %get3A_381 = vector.shape_cast %get3A_380 : vector<1x16xf32> to vector<16xf32>
        %add3A_382 = arith.addf %get3A_377, %get3A_381 : vector<16xf32>
        %swap3A_383 = arith.constant 0 : i32
        %swap3A_384 = arith.index_cast %swap3A_383 : i32 to index
        %swap3A_385 = arith.index_cast %add3A_265 : i32 to index
        %swap3A_386 = arith.constant 96 : index
        %swap3A_387 = tpu.vector_load %arg7[%swap3A_384, %swap3A_385, %swap3A_386] {strides = array<i32>} : memref<2x32x768xf32, #tpu.memory_space<vmem>>, vector<1x1x16xf32>,
        %swap3A_388 = vector.shape_cast %swap3A_387 : vector<1x1x16xf32> to vector<16xf32>
        %swap3A_389 = vector.shape_cast %add3A_382 : vector<16xf32> to vector<1x1x16xf32>
        tpu.vector_store %arg7[%swap3A_384, %swap3A_385, %swap3A_386], %swap3A_389 {strides = array<i32>} : memref<2x32x768xf32, #tpu.memory_space<vmem>>, vector<1x1x16xf32>,
        %get3A_390 = arith.constant 0 : i32
        %get3A_391 = arith.index_cast %get3A_390 : i32 to index
        %get3A_392 = arith.index_cast %add3A_265 : i32 to index
        %get3A_393 = arith.constant 112 : index
        %get3A_394 = tpu.vector_load %arg6[%get3A_391, %get3A_392, %get3A_393] {strides = array<i32>} : memref<2x32x768xf32, #tpu.memory_space<vmem>>, vector<1x1x16xf32>,
        %get3A_395 = vector.shape_cast %get3A_394 : vector<1x1x16xf32> to vector<16xf32>
        %get3A_396 = arith.index_cast %add3A_265 : i32 to index
        %get3A_397 = arith.constant 112 : index
        %get3A_398 = tpu.vector_load %arg5[%get3A_396, %get3A_397] {strides = array<i32>} : memref<32x768xf32, #tpu.memory_space<vmem>>, vector<1x16xf32>,
        %get3A_399 = vector.shape_cast %get3A_398 : vector<1x16xf32> to vector<16xf32>
        %add3A_400 = arith.addf %get3A_395, %get3A_399 : vector<16xf32>
        %swap3A_401 = arith.constant 0 : i32
        %swap3A_402 = arith.index_cast %swap3A_401 : i32 to index
        %swap3A_403 = arith.index_cast %add3A_265 : i32 to index
        %swap3A_404 = arith.constant 112 : index
        %swap3A_405 = tpu.vector_load %arg7[%swap3A_402, %swap3A_403, %swap3A_404] {strides = array<i32>} : memref<2x32x768xf32, #tpu.memory_space<vmem>>, vector<1x1x16xf32>,
        %swap3A_406 = vector.shape_cast %swap3A_405 : vector<1x1x16xf32> to vector<16xf32>
        %swap3A_407 = vector.shape_cast %add3A_400 : vector<16xf32> to vector<1x1x16xf32>
        tpu.vector_store %arg7[%swap3A_402, %swap3A_403, %swap3A_404], %swap3A_407 {strides = array<i32>} : memref<2x32x768xf32, #tpu.memory_space<vmem>>, vector<1x1x16xf32>,
        %get3A_408 = arith.constant 0 : i32
        %get3A_409 = arith.index_cast %get3A_408 : i32 to index
        %get3A_410 = arith.index_cast %add3A_265 : i32 to index
        %get3A_411 = arith.constant 128 : index
        %get3A_412 = tpu.vector_load %arg6[%get3A_409, %get3A_410, %get3A_411] {strides = array<i32>} : memref<2x32x768xf32, #tpu.memory_space<vmem>>, vector<1x1x16xf32>,
        %get3A_413 = vector.shape_cast %get3A_412 : vector<1x1x16xf32> to vector<16xf32>
        %get3A_414 = arith.index_cast %add3A_265 : i32 to index
        %get3A_415 = arith.constant 128 : index
        %get3A_416 = tpu.vector_load %arg5[%get3A_414, %get3A_415] {strides = array<i32>} : memref<32x768xf32, #tpu.memory_space<vmem>>, vector<1x16xf32>,
        %get3A_417 = vector.shape_cast %get3A_416 : vector<1x16xf32> to vector<16xf32>
        %add3A_418 = arith.addf %get3A_413, %get3A_417 : vector<16xf32>
        %swap3A_419 = arith.constant 0 : i32
        %swap3A_420 = arith.index_cast %swap3A_419 : i32 to index
        %swap3A_421 = arith.index_cast %add3A_265 : i32 to index
        %swap3A_422 = arith.constant 128 : index
        %swap3A_423 = tpu.vector_load %arg7[%swap3A_420, %swap3A_421, %swap3A_422] {strides = array<i32>} : memref<2x32x768xf32, #tpu.memory_space<vmem>>, vector<1x1x16xf32>,
        %swap3A_424 = vector.shape_cast %swap3A_423 : vector<1x1x16xf32> to vector<16xf32>
        %swap3A_425 = vector.shape_cast %add3A_418 : vector<16xf32> to vector<1x1x16xf32>
        tpu.vector_store %arg7[%swap3A_420, %swap3A_421, %swap3A_422], %swap3A_425 {strides = array<i32>} : memref<2x32x768xf32, #tpu.memory_space<vmem>>, vector<1x1x16xf32>,
        %get3A_426 = arith.constant 0 : i32
        %get3A_427 = arith.index_cast %get3A_426 : i32 to index
        %get3A_428 = arith.index_cast %add3A_265 : i32 to index
        %get3A_429 = arith.constant 144 : index
        %get3A_430 = tpu.vector_load %arg6[%get3A_427, %get3A_428, %get3A_429] {strides = array<i32>} : memref<2x32x768xf32, #tpu.memory_space<vmem>>, vector<1x1x16xf32>,
        %get3A_431 = vector.shape_cast %get3A_430 : vector<1x1x16xf32> to vector<16xf32>
        %get3A_432 = arith.index_cast %add3A_265 : i32 to index
        %get3A_433 = arith.constant 144 : index
        %get3A_434 = tpu.vector_load %arg5[%get3A_432, %get3A_433] {strides = array<i32>} : memref<32x768xf32, #tpu.memory_space<vmem>>, vector<1x16xf32>,
        %get3A_435 = vector.shape_cast %get3A_434 : vector<1x16xf32> to vector<16xf32>
        %add3A_436 = arith.addf %get3A_431, %get3A_435 : vector<16xf32>
        %swap3A_437 = arith.constant 0 : i32
        %swap3A_438 = arith.index_cast %swap3A_437 : i32 to index
        %swap3A_439 = arith.index_cast %add3A_265 : i32 to index
        %swap3A_440 = arith.constant 144 : index
        %swap3A_441 = tpu.vector_load %arg7[%swap3A_438, %swap3A_439, %swap3A_440] {strides = array<i32>} : memref<2x32x768xf32, #tpu.memory_space<vmem>>, vector<1x1x16xf32>,
        %swap3A_442 = vector.shape_cast %swap3A_441 : vector<1x1x16xf32> to vector<16xf32>
        %swap3A_443 = vector.shape_cast %add3A_436 : vector<16xf32> to vector<1x1x16xf32>
        tpu.vector_store %arg7[%swap3A_438, %swap3A_439, %swap3A_440], %swap3A_443 {strides = array<i32>} : memref<2x32x768xf32, #tpu.memory_space<vmem>>, vector<1x1x16xf32>,
        %get3A_444 = arith.constant 0 : i32
        %get3A_445 = arith.index_cast %get3A_444 : i32 to index
        %get3A_446 = arith.index_cast %add3A_265 : i32 to index
        %get3A_447 = arith.constant 160 : index
        %get3A_448 = tpu.vector_load %arg6[%get3A_445, %get3A_446, %get3A_447] {strides = array<i32>} : memref<2x32x768xf32, #tpu.memory_space<vmem>>, vector<1x1x16xf32>,
        %get3A_449 = vector.shape_cast %get3A_448 : vector<1x1x16xf32> to vector<16xf32>
        %get3A_450 = arith.index_cast %add3A_265 : i32 to index
        %get3A_451 = arith.constant 160 : index
        %get3A_452 = tpu.vector_load %arg5[%get3A_450, %get3A_451] {strides = array<i32>} : memref<32x768xf32, #tpu.memory_space<vmem>>, vector<1x16xf32>,
        %get3A_453 = vector.shape_cast %get3A_452 : vector<1x16xf32> to vector<16xf32>
        %add3A_454 = arith.addf %get3A_449, %get3A_453 : vector<16xf32>
        %swap3A_455 = arith.constant 0 : i32
        %swap3A_456 = arith.index_cast %swap3A_455 : i32 to index
        %swap3A_457 = arith.index_cast %add3A_265 : i32 to index
        %swap3A_458 = arith.constant 160 : index
        %swap3A_459 = tpu.vector_load %arg7[%swap3A_456, %swap3A_457, %swap3A_458] {strides = array<i32>} : memref<2x32x768xf32, #tpu.memory_space<vmem>>, vector<1x1x16xf32>,
        %swap3A_460 = vector.shape_cast %swap3A_459 : vector<1x1x16xf32> to vector<16xf32>
        %swap3A_461 = vector.shape_cast %add3A_454 : vector<16xf32> to vector<1x1x16xf32>
        tpu.vector_store %arg7[%swap3A_456, %swap3A_457, %swap3A_458], %swap3A_461 {strides = array<i32>} : memref<2x32x768xf32, #tpu.memory_space<vmem>>, vector<1x1x16xf32>,
        %get3A_462 = arith.constant 0 : i32
        %get3A_463 = arith.index_cast %get3A_462 : i32 to index
        %get3A_464 = arith.index_cast %add3A_265 : i32 to index
        %get3A_465 = arith.constant 176 : index
        %get3A_466 = tpu.vector_load %arg6[%get3A_463, %get3A_464, %get3A_465] {strides = array<i32>} : memref<2x32x768xf32, #tpu.memory_space<vmem>>, vector<1x1x16xf32>,
        %get3A_467 = vector.shape_cast %get3A_466 : vector<1x1x16xf32> to vector<16xf32>
        %get3A_468 = arith.index_cast %add3A_265 : i32 to index
        %get3A_469 = arith.constant 176 : index
        %get3A_470 = tpu.vector_load %arg5[%get3A_468, %get3A_469] {strides = array<i32>} : memref<32x768xf32, #tpu.memory_space<vmem>>, vector<1x16xf32>,
        %get3A_471 = vector.shape_cast %get3A_470 : vector<1x16xf32> to vector<16xf32>
        %add3A_472 = arith.addf %get3A_467, %get3A_471 : vector<16xf32>
        %swap3A_473 = arith.constant 0 : i32
        %swap3A_474 = arith.index_cast %swap3A_473 : i32 to index
        %swap3A_475 = arith.index_cast %add3A_265 : i32 to index
        %swap3A_476 = arith.constant 176 : index
        %swap3A_477 = tpu.vector_load %arg7[%swap3A_474, %swap3A_475, %swap3A_476] {strides = array<i32>} : memref<2x32x768xf32, #tpu.memory_space<vmem>>, vector<1x1x16xf32>,
        %swap3A_478 = vector.shape_cast %swap3A_477 : vector<1x1x16xf32> to vector<16xf32>
        %swap3A_479 = vector.shape_cast %add3A_472 : vector<16xf32> to vector<1x1x16xf32>
        tpu.vector_store %arg7[%swap3A_474, %swap3A_475, %swap3A_476], %swap3A_479 {strides = array<i32>} : memref<2x32x768xf32, #tpu.memory_space<vmem>>, vector<1x1x16xf32>,
        %get3A_480 = arith.constant 0 : i32
        %get3A_481 = arith.index_cast %get3A_480 : i32 to index
        %get3A_482 = arith.index_cast %add3A_265 : i32 to index
        %get3A_483 = arith.constant 192 : index
        %get3A_484 = tpu.vector_load %arg6[%get3A_481, %get3A_482, %get3A_483] {strides = array<i32>} : memref<2x32x768xf32, #tpu.memory_space<vmem>>, vector<1x1x16xf32>,
        %get3A_485 = vector.shape_cast %get3A_484 : vector<1x1x16xf32> to vector<16xf32>
        %get3A_486 = arith.index_cast %add3A_265 : i32 to index
        %get3A_487 = arith.constant 192 : index
        %get3A_488 = tpu.vector_load %arg5[%get3A_486, %get3A_487] {strides = array<i32>} : memref<32x768xf32, #tpu.memory_space<vmem>>, vector<1x16xf32>,
        %get3A_489 = vector.shape_cast %get3A_488 : vector<1x16xf32> to vector<16xf32>
        %add3A_490 = arith.addf %get3A_485, %get3A_489 : vector<16xf32>
        %swap3A_491 = arith.constant 0 : i32
        %swap3A_492 = arith.index_cast %swap3A_491 : i32 to index
        %swap3A_493 = arith.index_cast %add3A_265 : i32 to index
        %swap3A_494 = arith.constant 192 : index
        %swap3A_495 = tpu.vector_load %arg7[%swap3A_492, %swap3A_493, %swap3A_494] {strides = array<i32>} : memref<2x32x768xf32, #tpu.memory_space<vmem>>, vector<1x1x16xf32>,
        %swap3A_496 = vector.shape_cast %swap3A_495 : vector<1x1x16xf32> to vector<16xf32>
        %swap3A_497 = vector.shape_cast %add3A_490 : vector<16xf32> to vector<1x1x16xf32>
        tpu.vector_store %arg7[%swap3A_492, %swap3A_493, %swap3A_494], %swap3A_497 {strides = array<i32>} : memref<2x32x768xf32, #tpu.memory_space<vmem>>, vector<1x1x16xf32>,
        %get3A_498 = arith.constant 0 : i32
        %get3A_499 = arith.index_cast %get3A_498 : i32 to index
        %get3A_500 = arith.index_cast %add3A_265 : i32 to index
        %get3A_501 = arith.constant 208 : index
        %get3A_502 = tpu.vector_load %arg6[%get3A_499, %get3A_500, %get3A_501] {strides = array<i32>} : memref<2x32x768xf32, #tpu.memory_space<vmem>>, vector<1x1x16xf32>,
        %get3A_503 = vector.shape_cast %get3A_502 : vector<1x1x16xf32> to vector<16xf32>
        %get3A_504 = arith.index_cast %add3A_265 : i32 to index
        %get3A_505 = arith.constant 208 : index
        %get3A_506 = tpu.vector_load %arg5[%get3A_504, %get3A_505] {strides = array<i32>} : memref<32x768xf32, #tpu.memory_space<vmem>>, vector<1x16xf32>,
        %get3A_507 = vector.shape_cast %get3A_506 : vector<1x16xf32> to vector<16xf32>
        %add3A_508 = arith.addf %get3A_503, %get3A_507 : vector<16xf32>
        %swap3A_509 = arith.constant 0 : i32
        %swap3A_510 = arith.index_cast %swap3A_509 : i32 to index
        %swap3A_511 = arith.index_cast %add3A_265 : i32 to index
        %swap3A_512 = arith.constant 208 : index
        %swap3A_513 = tpu.vector_load %arg7[%swap3A_510, %swap3A_511, %swap3A_512] {strides = array<i32>} : memref<2x32x768xf32, #tpu.memory_space<vmem>>, vector<1x1x16xf32>,
        %swap3A_514 = vector.shape_cast %swap3A_513 : vector<1x1x16xf32> to vector<16xf32>
        %swap3A_515 = vector.shape_cast %add3A_508 : vector<16xf32> to vector<1x1x16xf32>
        tpu.vector_store %arg7[%swap3A_510, %swap3A_511, %swap3A_512], %swap3A_515 {strides = array<i32>} : memref<2x32x768xf32, #tpu.memory_space<vmem>>, vector<1x1x16xf32>,
        %get3A_516 = arith.constant 0 : i32
        %get3A_517 = arith.index_cast %get3A_516 : i32 to index
        %get3A_518 = arith.index_cast %add3A_265 : i32 to index
        %get3A_519 = arith.constant 224 : index
        %get3A_520 = tpu.vector_load %arg6[%get3A_517, %get3A_518, %get3A_519] {strides = array<i32>} : memref<2x32x768xf32, #tpu.memory_space<vmem>>, vector<1x1x16xf32>,
        %get3A_521 = vector.shape_cast %get3A_520 : vector<1x1x16xf32> to vector<16xf32>
        %get3A_522 = arith.index_cast %add3A_265 : i32 to index
        %get3A_523 = arith.constant 224 : index
        %get3A_524 = tpu.vector_load %arg5[%get3A_522, %get3A_523] {strides = array<i32>} : memref<32x768xf32, #tpu.memory_space<vmem>>, vector<1x16xf32>,
        %get3A_525 = vector.shape_cast %get3A_524 : vector<1x16xf32> to vector<16xf32>
        %add3A_526 = arith.addf %get3A_521, %get3A_525 : vector<16xf32>
        %swap3A_527 = arith.constant 0 : i32
        %swap3A_528 = arith.index_cast %swap3A_527 : i32 to index
        %swap3A_529 = arith.index_cast %add3A_265 : i32 to index
        %swap3A_530 = arith.constant 224 : index
        %swap3A_531 = tpu.vector_load %arg7[%swap3A_528, %swap3A_529, %swap3A_530] {strides = array<i32>} : memref<2x32x768xf32, #tpu.memory_space<vmem>>, vector<1x1x16xf32>,
        %swap3A_532 = vector.shape_cast %swap3A_531 : vector<1x1x16xf32> to vector<16xf32>
        %swap3A_533 = vector.shape_cast %add3A_526 : vector<16xf32> to vector<1x1x16xf32>
        tpu.vector_store %arg7[%swap3A_528, %swap3A_529, %swap3A_530], %swap3A_533 {strides = array<i32>} : memref<2x32x768xf32, #tpu.memory_space<vmem>>, vector<1x1x16xf32>,
        %get3A_534 = arith.constant 0 : i32
        %get3A_535 = arith.index_cast %get3A_534 : i32 to index
        %get3A_536 = arith.index_cast %add3A_265 : i32 to index
        %get3A_537 = arith.constant 240 : index
        %get3A_538 = tpu.vector_load %arg6[%get3A_535, %get3A_536, %get3A_537] {strides = array<i32>} : memref<2x32x768xf32, #tpu.memory_space<vmem>>, vector<1x1x16xf32>,
        %get3A_539 = vector.shape_cast %get3A_538 : vector<1x1x16xf32> to vector<16xf32>
        %get3A_540 = arith.index_cast %add3A_265 : i32 to index
        %get3A_541 = arith.constant 240 : index
        %get3A_542 = tpu.vector_load %arg5[%get3A_540, %get3A_541] {strides = array<i32>} : memref<32x768xf32, #tpu.memory_space<vmem>>, vector<1x16xf32>,
        %get3A_543 = vector.shape_cast %get3A_542 : vector<1x16xf32> to vector<16xf32>
        %add3A_544 = arith.addf %get3A_539, %get3A_543 : vector<16xf32>
        %swap3A_545 = arith.constant 0 : i32
        %swap3A_546 = arith.index_cast %swap3A_545 : i32 to index
        %swap3A_547 = arith.index_cast %add3A_265 : i32 to index
        %swap3A_548 = arith.constant 240 : index
        %swap3A_549 = tpu.vector_load %arg7[%swap3A_546, %swap3A_547, %swap3A_548] {strides = array<i32>} : memref<2x32x768xf32, #tpu.memory_space<vmem>>, vector<1x1x16xf32>,
        %swap3A_550 = vector.shape_cast %swap3A_549 : vector<1x1x16xf32> to vector<16xf32>
        %swap3A_551 = vector.shape_cast %add3A_544 : vector<16xf32> to vector<1x1x16xf32>
        tpu.vector_store %arg7[%swap3A_546, %swap3A_547, %swap3A_548], %swap3A_551 {strides = array<i32>} : memref<2x32x768xf32, #tpu.memory_space<vmem>>, vector<1x1x16xf32>,
        %get3A_552 = arith.constant 0 : i32
        %get3A_553 = arith.index_cast %get3A_552 : i32 to index
        %get3A_554 = arith.index_cast %add3A_265 : i32 to index
        %get3A_555 = arith.constant 256 : index
        %get3A_556 = tpu.vector_load %arg6[%get3A_553, %get3A_554, %get3A_555] {strides = array<i32>} : memref<2x32x768xf32, #tpu.memory_space<vmem>>, vector<1x1x16xf32>,
        %get3A_557 = vector.shape_cast %get3A_556 : vector<1x1x16xf32> to vector<16xf32>
        %get3A_558 = arith.index_cast %add3A_265 : i32 to index
        %get3A_559 = arith.constant 256 : index
        %get3A_560 = tpu.vector_load %arg5[%get3A_558, %get3A_559] {strides = array<i32>} : memref<32x768xf32, #tpu.memory_space<vmem>>, vector<1x16xf32>,
        %get3A_561 = vector.shape_cast %get3A_560 : vector<1x16xf32> to vector<16xf32>
        %add3A_562 = arith.addf %get3A_557, %get3A_561 : vector<16xf32>
        %swap3A_563 = arith.constant 0 : i32
        %swap3A_564 = arith.index_cast %swap3A_563 : i32 to index
        %swap3A_565 = arith.index_cast %add3A_265 : i32 to index
        %swap3A_566 = arith.constant 256 : index
        %swap3A_567 = tpu.vector_load %arg7[%swap3A_564, %swap3A_565, %swap3A_566] {strides = array<i32>} : memref<2x32x768xf32, #tpu.memory_space<vmem>>, vector<1x1x16xf32>,
        %swap3A_568 = vector.shape_cast %swap3A_567 : vector<1x1x16xf32> to vector<16xf32>
        %swap3A_569 = vector.shape_cast %add3A_562 : vector<16xf32> to vector<1x1x16xf32>
        tpu.vector_store %arg7[%swap3A_564, %swap3A_565, %swap3A_566], %swap3A_569 {strides = array<i32>} : memref<2x32x768xf32, #tpu.memory_space<vmem>>, vector<1x1x16xf32>,
        %get3A_570 = arith.constant 0 : i32
        %get3A_571 = arith.index_cast %get3A_570 : i32 to index
        %get3A_572 = arith.index_cast %add3A_265 : i32 to index
        %get3A_573 = arith.constant 272 : index
        %get3A_574 = tpu.vector_load %arg6[%get3A_571, %get3A_572, %get3A_573] {strides = array<i32>} : memref<2x32x768xf32, #tpu.memory_space<vmem>>, vector<1x1x16xf32>,
        %get3A_575 = vector.shape_cast %get3A_574 : vector<1x1x16xf32> to vector<16xf32>
        %get3A_576 = arith.index_cast %add3A_265 : i32 to index
        %get3A_577 = arith.constant 272 : index
        %get3A_578 = tpu.vector_load %arg5[%get3A_576, %get3A_577] {strides = array<i32>} : memref<32x768xf32, #tpu.memory_space<vmem>>, vector<1x16xf32>,
        %get3A_579 = vector.shape_cast %get3A_578 : vector<1x16xf32> to vector<16xf32>
        %add3A_580 = arith.addf %get3A_575, %get3A_579 : vector<16xf32>
        %swap3A_581 = arith.constant 0 : i32
        %swap3A_582 = arith.index_cast %swap3A_581 : i32 to index
        %swap3A_583 = arith.index_cast %add3A_265 : i32 to index
        %swap3A_584 = arith.constant 272 : index
        %swap3A_585 = tpu.vector_load %arg7[%swap3A_582, %swap3A_583, %swap3A_584] {strides = array<i32>} : memref<2x32x768xf32, #tpu.memory_space<vmem>>, vector<1x1x16xf32>,
        %swap3A_586 = vector.shape_cast %swap3A_585 : vector<1x1x16xf32> to vector<16xf32>
        %swap3A_587 = vector.shape_cast %add3A_580 : vector<16xf32> to vector<1x1x16xf32>
        tpu.vector_store %arg7[%swap3A_582, %swap3A_583, %swap3A_584], %swap3A_587 {strides = array<i32>} : memref<2x32x768xf32, #tpu.memory_space<vmem>>, vector<1x1x16xf32>,
        %get3A_588 = arith.constant 0 : i32
        %get3A_589 = arith.index_cast %get3A_588 : i32 to index
        %get3A_590 = arith.index_cast %add3A_265 : i32 to index
        %get3A_591 = arith.constant 288 : index
        %get3A_592 = tpu.vector_load %arg6[%get3A_589, %get3A_590, %get3A_591] {strides = array<i32>} : memref<2x32x768xf32, #tpu.memory_space<vmem>>, vector<1x1x16xf32>,
        %get3A_593 = vector.shape_cast %get3A_592 : vector<1x1x16xf32> to vector<16xf32>
        %get3A_594 = arith.index_cast %add3A_265 : i32 to index
        %get3A_595 = arith.constant 288 : index
        %get3A_596 = tpu.vector_load %arg5[%get3A_594, %get3A_595] {strides = array<i32>} : memref<32x768xf32, #tpu.memory_space<vmem>>, vector<1x16xf32>,
        %get3A_597 = vector.shape_cast %get3A_596 : vector<1x16xf32> to vector<16xf32>
        %add3A_598 = arith.addf %get3A_593, %get3A_597 : vector<16xf32>
        %swap3A_599 = arith.constant 0 : i32
        %swap3A_600 = arith.index_cast %swap3A_599 : i32 to index
        %swap3A_601 = arith.index_cast %add3A_265 : i32 to index
        %swap3A_602 = arith.constant 288 : index
        %swap3A_603 = tpu.vector_load %arg7[%swap3A_600, %swap3A_601, %swap3A_602] {strides = array<i32>} : memref<2x32x768xf32, #tpu.memory_space<vmem>>, vector<1x1x16xf32>,
        %swap3A_604 = vector.shape_cast %swap3A_603 : vector<1x1x16xf32> to vector<16xf32>
        %swap3A_605 = vector.shape_cast %add3A_598 : vector<16xf32> to vector<1x1x16xf32>
        tpu.vector_store %arg7[%swap3A_600, %swap3A_601, %swap3A_602], %swap3A_605 {strides = array<i32>} : memref<2x32x768xf32, #tpu.memory_space<vmem>>, vector<1x1x16xf32>,
        %get3A_606 = arith.constant 0 : i32
        %get3A_607 = arith.index_cast %get3A_606 : i32 to index
        %get3A_608 = arith.index_cast %add3A_265 : i32 to index
        %get3A_609 = arith.constant 304 : index
        %get3A_610 = tpu.vector_load %arg6[%get3A_607, %get3A_608, %get3A_609] {strides = array<i32>} : memref<2x32x768xf32, #tpu.memory_space<vmem>>, vector<1x1x16xf32>,
        %get3A_611 = vector.shape_cast %get3A_610 : vector<1x1x16xf32> to vector<16xf32>
        %get3A_612 = arith.index_cast %add3A_265 : i32 to index
        %get3A_613 = arith.constant 304 : index
        %get3A_614 = tpu.vector_load %arg5[%get3A_612, %get3A_613] {strides = array<i32>} : memref<32x768xf32, #tpu.memory_space<vmem>>, vector<1x16xf32>,
        %get3A_615 = vector.shape_cast %get3A_614 : vector<1x16xf32> to vector<16xf32>
        %add3A_616 = arith.addf %get3A_611, %get3A_615 : vector<16xf32>
        %swap3A_617 = arith.constant 0 : i32
        %swap3A_618 = arith.index_cast %swap3A_617 : i32 to index
        %swap3A_619 = arith.index_cast %add3A_265 : i32 to index
        %swap3A_620 = arith.constant 304 : index
        %swap3A_621 = tpu.vector_load %arg7[%swap3A_618, %swap3A_619, %swap3A_620] {strides = array<i32>} : memref<2x32x768xf32, #tpu.memory_space<vmem>>, vector<1x1x16xf32>,
        %swap3A_622 = vector.shape_cast %swap3A_621 : vector<1x1x16xf32> to vector<16xf32>
        %swap3A_623 = vector.shape_cast %add3A_616 : vector<16xf32> to vector<1x1x16xf32>
        tpu.vector_store %arg7[%swap3A_618, %swap3A_619, %swap3A_620], %swap3A_623 {strides = array<i32>} : memref<2x32x768xf32, #tpu.memory_space<vmem>>, vector<1x1x16xf32>,
        %get3A_624 = arith.constant 0 : i32
        %get3A_625 = arith.index_cast %get3A_624 : i32 to index
        %get3A_626 = arith.index_cast %add3A_265 : i32 to index
        %get3A_627 = arith.constant 320 : index
        %get3A_628 = tpu.vector_load %arg6[%get3A_625, %get3A_626, %get3A_627] {strides = array<i32>} : memref<2x32x768xf32, #tpu.memory_space<vmem>>, vector<1x1x16xf32>,
        %get3A_629 = vector.shape_cast %get3A_628 : vector<1x1x16xf32> to vector<16xf32>
        %get3A_630 = arith.index_cast %add3A_265 : i32 to index
        %get3A_631 = arith.constant 320 : index
        %get3A_632 = tpu.vector_load %arg5[%get3A_630, %get3A_631] {strides = array<i32>} : memref<32x768xf32, #tpu.memory_space<vmem>>, vector<1x16xf32>,
        %get3A_633 = vector.shape_cast %get3A_632 : vector<1x16xf32> to vector<16xf32>
        %add3A_634 = arith.addf %get3A_629, %get3A_633 : vector<16xf32>
        %swap3A_635 = arith.constant 0 : i32
        %swap3A_636 = arith.index_cast %swap3A_635 : i32 to index
        %swap3A_637 = arith.index_cast %add3A_265 : i32 to index
        %swap3A_638 = arith.constant 320 : index
        %swap3A_639 = tpu.vector_load %arg7[%swap3A_636, %swap3A_637, %swap3A_638] {strides = array<i32>} : memref<2x32x768xf32, #tpu.memory_space<vmem>>, vector<1x1x16xf32>,
        %swap3A_640 = vector.shape_cast %swap3A_639 : vector<1x1x16xf32> to vector<16xf32>
        %swap3A_641 = vector.shape_cast %add3A_634 : vector<16xf32> to vector<1x1x16xf32>
        tpu.vector_store %arg7[%swap3A_636, %swap3A_637, %swap3A_638], %swap3A_641 {strides = array<i32>} : memref<2x32x768xf32, #tpu.memory_space<vmem>>, vector<1x1x16xf32>,
        %get3A_642 = arith.constant 0 : i32
        %get3A_643 = arith.index_cast %get3A_642 : i32 to index
        %get3A_644 = arith.index_cast %add3A_265 : i32 to index
        %get3A_645 = arith.constant 336 : index
        %get3A_646 = tpu.vector_load %arg6[%get3A_643, %get3A_644, %get3A_645] {strides = array<i32>} : memref<2x32x768xf32, #tpu.memory_space<vmem>>, vector<1x1x16xf32>,
        %get3A_647 = vector.shape_cast %get3A_646 : vector<1x1x16xf32> to vector<16xf32>
        %get3A_648 = arith.index_cast %add3A_265 : i32 to index
        %get3A_649 = arith.constant 336 : index
        %get3A_650 = tpu.vector_load %arg5[%get3A_648, %get3A_649] {strides = array<i32>} : memref<32x768xf32, #tpu.memory_space<vmem>>, vector<1x16xf32>,
        %get3A_651 = vector.shape_cast %get3A_650 : vector<1x16xf32> to vector<16xf32>
        %add3A_652 = arith.addf %get3A_647, %get3A_651 : vector<16xf32>
        %swap3A_653 = arith.constant 0 : i32
        %swap3A_654 = arith.index_cast %swap3A_653 : i32 to index
        %swap3A_655 = arith.index_cast %add3A_265 : i32 to index
        %swap3A_656 = arith.constant 336 : index
        %swap3A_657 = tpu.vector_load %arg7[%swap3A_654, %swap3A_655, %swap3A_656] {strides = array<i32>} : memref<2x32x768xf32, #tpu.memory_space<vmem>>, vector<1x1x16xf32>,
        %swap3A_658 = vector.shape_cast %swap3A_657 : vector<1x1x16xf32> to vector<16xf32>
        %swap3A_659 = vector.shape_cast %add3A_652 : vector<16xf32> to vector<1x1x16xf32>
        tpu.vector_store %arg7[%swap3A_654, %swap3A_655, %swap3A_656], %swap3A_659 {strides = array<i32>} : memref<2x32x768xf32, #tpu.memory_space<vmem>>, vector<1x1x16xf32>,
        %get3A_660 = arith.constant 0 : i32
        %get3A_661 = arith.index_cast %get3A_660 : i32 to index
        %get3A_662 = arith.index_cast %add3A_265 : i32 to index
        %get3A_663 = arith.constant 352 : index
        %get3A_664 = tpu.vector_load %arg6[%get3A_661, %get3A_662, %get3A_663] {strides = array<i32>} : memref<2x32x768xf32, #tpu.memory_space<vmem>>, vector<1x1x16xf32>,
        %get3A_665 = vector.shape_cast %get3A_664 : vector<1x1x16xf32> to vector<16xf32>
        %get3A_666 = arith.index_cast %add3A_265 : i32 to index
        %get3A_667 = arith.constant 352 : index
        %get3A_668 = tpu.vector_load %arg5[%get3A_666, %get3A_667] {strides = array<i32>} : memref<32x768xf32, #tpu.memory_space<vmem>>, vector<1x16xf32>,
        %get3A_669 = vector.shape_cast %get3A_668 : vector<1x16xf32> to vector<16xf32>
        %add3A_670 = arith.addf %get3A_665, %get3A_669 : vector<16xf32>
        %swap3A_671 = arith.constant 0 : i32
        %swap3A_672 = arith.index_cast %swap3A_671 : i32 to index
        %swap3A_673 = arith.index_cast %add3A_265 : i32 to index
        %swap3A_674 = arith.constant 352 : index
        %swap3A_675 = tpu.vector_load %arg7[%swap3A_672, %swap3A_673, %swap3A_674] {strides = array<i32>} : memref<2x32x768xf32, #tpu.memory_space<vmem>>, vector<1x1x16xf32>,
        %swap3A_676 = vector.shape_cast %swap3A_675 : vector<1x1x16xf32> to vector<16xf32>
        %swap3A_677 = vector.shape_cast %add3A_670 : vector<16xf32> to vector<1x1x16xf32>
        tpu.vector_store %arg7[%swap3A_672, %swap3A_673, %swap3A_674], %swap3A_677 {strides = array<i32>} : memref<2x32x768xf32, #tpu.memory_space<vmem>>, vector<1x1x16xf32>,
        %get3A_678 = arith.constant 0 : i32
        %get3A_679 = arith.index_cast %get3A_678 : i32 to index
        %get3A_680 = arith.index_cast %add3A_265 : i32 to index
        %get3A_681 = arith.constant 368 : index
        %get3A_682 = tpu.vector_load %arg6[%get3A_679, %get3A_680, %get3A_681] {strides = array<i32>} : memref<2x32x768xf32, #tpu.memory_space<vmem>>, vector<1x1x16xf32>,
        %get3A_683 = vector.shape_cast %get3A_682 : vector<1x1x16xf32> to vector<16xf32>
        %get3A_684 = arith.index_cast %add3A_265 : i32 to index
        %get3A_685 = arith.constant 368 : index
        %get3A_686 = tpu.vector_load %arg5[%get3A_684, %get3A_685] {strides = array<i32>} : memref<32x768xf32, #tpu.memory_space<vmem>>, vector<1x16xf32>,
        %get3A_687 = vector.shape_cast %get3A_686 : vector<1x16xf32> to vector<16xf32>
        %add3A_688 = arith.addf %get3A_683, %get3A_687 : vector<16xf32>
        %swap3A_689 = arith.constant 0 : i32
        %swap3A_690 = arith.index_cast %swap3A_689 : i32 to index
        %swap3A_691 = arith.index_cast %add3A_265 : i32 to index
        %swap3A_692 = arith.constant 368 : index
        %swap3A_693 = tpu.vector_load %arg7[%swap3A_690, %swap3A_691, %swap3A_692] {strides = array<i32>} : memref<2x32x768xf32, #tpu.memory_space<vmem>>, vector<1x1x16xf32>,
        %swap3A_694 = vector.shape_cast %swap3A_693 : vector<1x1x16xf32> to vector<16xf32>
        %swap3A_695 = vector.shape_cast %add3A_688 : vector<16xf32> to vector<1x1x16xf32>
        tpu.vector_store %arg7[%swap3A_690, %swap3A_691, %swap3A_692], %swap3A_695 {strides = array<i32>} : memref<2x32x768xf32, #tpu.memory_space<vmem>>, vector<1x1x16xf32>,
        %get3A_696 = arith.constant 0 : i32
        %get3A_697 = arith.index_cast %get3A_696 : i32 to index
        %get3A_698 = arith.index_cast %add3A_265 : i32 to index
        %get3A_699 = arith.constant 384 : index
        %get3A_700 = tpu.vector_load %arg6[%get3A_697, %get3A_698, %get3A_699] {strides = array<i32>} : memref<2x32x768xf32, #tpu.memory_space<vmem>>, vector<1x1x16xf32>,
        %get3A_701 = vector.shape_cast %get3A_700 : vector<1x1x16xf32> to vector<16xf32>
        %get3A_702 = arith.index_cast %add3A_265 : i32 to index
        %get3A_703 = arith.constant 384 : index
        %get3A_704 = tpu.vector_load %arg5[%get3A_702, %get3A_703] {strides = array<i32>} : memref<32x768xf32, #tpu.memory_space<vmem>>, vector<1x16xf32>,
        %get3A_705 = vector.shape_cast %get3A_704 : vector<1x16xf32> to vector<16xf32>
        %add3A_706 = arith.addf %get3A_701, %get3A_705 : vector<16xf32>
        %swap3A_707 = arith.constant 0 : i32
        %swap3A_708 = arith.index_cast %swap3A_707 : i32 to index
        %swap3A_709 = arith.index_cast %add3A_265 : i32 to index
        %swap3A_710 = arith.constant 384 : index
        %swap3A_711 = tpu.vector_load %arg7[%swap3A_708, %swap3A_709, %swap3A_710] {strides = array<i32>} : memref<2x32x768xf32, #tpu.memory_space<vmem>>, vector<1x1x16xf32>,
        %swap3A_712 = vector.shape_cast %swap3A_711 : vector<1x1x16xf32> to vector<16xf32>
        %swap3A_713 = vector.shape_cast %add3A_706 : vector<16xf32> to vector<1x1x16xf32>
        tpu.vector_store %arg7[%swap3A_708, %swap3A_709, %swap3A_710], %swap3A_713 {strides = array<i32>} : memref<2x32x768xf32, #tpu.memory_space<vmem>>, vector<1x1x16xf32>,
        %get3A_714 = arith.constant 0 : i32
        %get3A_715 = arith.index_cast %get3A_714 : i32 to index
        %get3A_716 = arith.index_cast %add3A_265 : i32 to index
        %get3A_717 = arith.constant 400 : index
        %get3A_718 = tpu.vector_load %arg6[%get3A_715, %get3A_716, %get3A_717] {strides = array<i32>} : memref<2x32x768xf32, #tpu.memory_space<vmem>>, vector<1x1x16xf32>,
        %get3A_719 = vector.shape_cast %get3A_718 : vector<1x1x16xf32> to vector<16xf32>
        %get3A_720 = arith.index_cast %add3A_265 : i32 to index
        %get3A_721 = arith.constant 400 : index
        %get3A_722 = tpu.vector_load %arg5[%get3A_720, %get3A_721] {strides = array<i32>} : memref<32x768xf32, #tpu.memory_space<vmem>>, vector<1x16xf32>,
        %get3A_723 = vector.shape_cast %get3A_722 : vector<1x16xf32> to vector<16xf32>
        %add3A_724 = arith.addf %get3A_719, %get3A_723 : vector<16xf32>
        %swap3A_725 = arith.constant 0 : i32
        %swap3A_726 = arith.index_cast %swap3A_725 : i32 to index
        %swap3A_727 = arith.index_cast %add3A_265 : i32 to index
        %swap3A_728 = arith.constant 400 : index
        %swap3A_729 = tpu.vector_load %arg7[%swap3A_726, %swap3A_727, %swap3A_728] {strides = array<i32>} : memref<2x32x768xf32, #tpu.memory_space<vmem>>, vector<1x1x16xf32>,
        %swap3A_730 = vector.shape_cast %swap3A_729 : vector<1x1x16xf32> to vector<16xf32>
        %swap3A_731 = vector.shape_cast %add3A_724 : vector<16xf32> to vector<1x1x16xf32>
        tpu.vector_store %arg7[%swap3A_726, %swap3A_727, %swap3A_728], %swap3A_731 {strides = array<i32>} : memref<2x32x768xf32, #tpu.memory_space<vmem>>, vector<1x1x16xf32>,
        %get3A_732 = arith.constant 0 : i32
        %get3A_733 = arith.index_cast %get3A_732 : i32 to index
        %get3A_734 = arith.index_cast %add3A_265 : i32 to index
        %get3A_735 = arith.constant 416 : index
        %get3A_736 = tpu.vector_load %arg6[%get3A_733, %get3A_734, %get3A_735] {strides = array<i32>} : memref<2x32x768xf32, #tpu.memory_space<vmem>>, vector<1x1x16xf32>,
        %get3A_737 = vector.shape_cast %get3A_736 : vector<1x1x16xf32> to vector<16xf32>
        %get3A_738 = arith.index_cast %add3A_265 : i32 to index
        %get3A_739 = arith.constant 416 : index
        %get3A_740 = tpu.vector_load %arg5[%get3A_738, %get3A_739] {strides = array<i32>} : memref<32x768xf32, #tpu.memory_space<vmem>>, vector<1x16xf32>,
        %get3A_741 = vector.shape_cast %get3A_740 : vector<1x16xf32> to vector<16xf32>
        %add3A_742 = arith.addf %get3A_737, %get3A_741 : vector<16xf32>
        %swap3A_743 = arith.constant 0 : i32
        %swap3A_744 = arith.index_cast %swap3A_743 : i32 to index
        %swap3A_745 = arith.index_cast %add3A_265 : i32 to index
        %swap3A_746 = arith.constant 416 : index
        %swap3A_747 = tpu.vector_load %arg7[%swap3A_744, %swap3A_745, %swap3A_746] {strides = array<i32>} : memref<2x32x768xf32, #tpu.memory_space<vmem>>, vector<1x1x16xf32>,
        %swap3A_748 = vector.shape_cast %swap3A_747 : vector<1x1x16xf32> to vector<16xf32>
        %swap3A_749 = vector.shape_cast %add3A_742 : vector<16xf32> to vector<1x1x16xf32>
        tpu.vector_store %arg7[%swap3A_744, %swap3A_745, %swap3A_746], %swap3A_749 {strides = array<i32>} : memref<2x32x768xf32, #tpu.memory_space<vmem>>, vector<1x1x16xf32>,
        %get3A_750 = arith.constant 0 : i32
        %get3A_751 = arith.index_cast %get3A_750 : i32 to index
        %get3A_752 = arith.index_cast %add3A_265 : i32 to index
        %get3A_753 = arith.constant 432 : index
        %get3A_754 = tpu.vector_load %arg6[%get3A_751, %get3A_752, %get3A_753] {strides = array<i32>} : memref<2x32x768xf32, #tpu.memory_space<vmem>>, vector<1x1x16xf32>,
        %get3A_755 = vector.shape_cast %get3A_754 : vector<1x1x16xf32> to vector<16xf32>
        %get3A_756 = arith.index_cast %add3A_265 : i32 to index
        %get3A_757 = arith.constant 432 : index
        %get3A_758 = tpu.vector_load %arg5[%get3A_756, %get3A_757] {strides = array<i32>} : memref<32x768xf32, #tpu.memory_space<vmem>>, vector<1x16xf32>,
        %get3A_759 = vector.shape_cast %get3A_758 : vector<1x16xf32> to vector<16xf32>
        %add3A_760 = arith.addf %get3A_755, %get3A_759 : vector<16xf32>
        %swap3A_761 = arith.constant 0 : i32
        %swap3A_762 = arith.index_cast %swap3A_761 : i32 to index
        %swap3A_763 = arith.index_cast %add3A_265 : i32 to index
        %swap3A_764 = arith.constant 432 : index
        %swap3A_765 = tpu.vector_load %arg7[%swap3A_762, %swap3A_763, %swap3A_764] {strides = array<i32>} : memref<2x32x768xf32, #tpu.memory_space<vmem>>, vector<1x1x16xf32>,
        %swap3A_766 = vector.shape_cast %swap3A_765 : vector<1x1x16xf32> to vector<16xf32>
        %swap3A_767 = vector.shape_cast %add3A_760 : vector<16xf32> to vector<1x1x16xf32>
        tpu.vector_store %arg7[%swap3A_762, %swap3A_763, %swap3A_764], %swap3A_767 {strides = array<i32>} : memref<2x32x768xf32, #tpu.memory_space<vmem>>, vector<1x1x16xf32>,
        %get3A_768 = arith.constant 0 : i32
        %get3A_769 = arith.index_cast %get3A_768 : i32 to index
        %get3A_770 = arith.index_cast %add3A_265 : i32 to index
        %get3A_771 = arith.constant 448 : index
        %get3A_772 = tpu.vector_load %arg6[%get3A_769, %get3A_770, %get3A_771] {strides = array<i32>} : memref<2x32x768xf32, #tpu.memory_space<vmem>>, vector<1x1x16xf32>,
        %get3A_773 = vector.shape_cast %get3A_772 : vector<1x1x16xf32> to vector<16xf32>
        %get3A_774 = arith.index_cast %add3A_265 : i32 to index
        %get3A_775 = arith.constant 448 : index
        %get3A_776 = tpu.vector_load %arg5[%get3A_774, %get3A_775] {strides = array<i32>} : memref<32x768xf32, #tpu.memory_space<vmem>>, vector<1x16xf32>,
        %get3A_777 = vector.shape_cast %get3A_776 : vector<1x16xf32> to vector<16xf32>
        %add3A_778 = arith.addf %get3A_773, %get3A_777 : vector<16xf32>
        %swap3A_779 = arith.constant 0 : i32
        %swap3A_780 = arith.index_cast %swap3A_779 : i32 to index
        %swap3A_781 = arith.index_cast %add3A_265 : i32 to index
        %swap3A_782 = arith.constant 448 : index
        %swap3A_783 = tpu.vector_load %arg7[%swap3A_780, %swap3A_781, %swap3A_782] {strides = array<i32>} : memref<2x32x768xf32, #tpu.memory_space<vmem>>, vector<1x1x16xf32>,
        %swap3A_784 = vector.shape_cast %swap3A_783 : vector<1x1x16xf32> to vector<16xf32>
        %swap3A_785 = vector.shape_cast %add3A_778 : vector<16xf32> to vector<1x1x16xf32>
        tpu.vector_store %arg7[%swap3A_780, %swap3A_781, %swap3A_782], %swap3A_785 {strides = array<i32>} : memref<2x32x768xf32, #tpu.memory_space<vmem>>, vector<1x1x16xf32>,
        %get3A_786 = arith.constant 0 : i32
        %get3A_787 = arith.index_cast %get3A_786 : i32 to index
        %get3A_788 = arith.index_cast %add3A_265 : i32 to index
        %get3A_789 = arith.constant 464 : index
        %get3A_790 = tpu.vector_load %arg6[%get3A_787, %get3A_788, %get3A_789] {strides = array<i32>} : memref<2x32x768xf32, #tpu.memory_space<vmem>>, vector<1x1x16xf32>,
        %get3A_791 = vector.shape_cast %get3A_790 : vector<1x1x16xf32> to vector<16xf32>
        %get3A_792 = arith.index_cast %add3A_265 : i32 to index
        %get3A_793 = arith.constant 464 : index
        %get3A_794 = tpu.vector_load %arg5[%get3A_792, %get3A_793] {strides = array<i32>} : memref<32x768xf32, #tpu.memory_space<vmem>>, vector<1x16xf32>,
        %get3A_795 = vector.shape_cast %get3A_794 : vector<1x16xf32> to vector<16xf32>
        %add3A_796 = arith.addf %get3A_791, %get3A_795 : vector<16xf32>
        %swap3A_797 = arith.constant 0 : i32
        %swap3A_798 = arith.index_cast %swap3A_797 : i32 to index
        %swap3A_799 = arith.index_cast %add3A_265 : i32 to index
        %swap3A_800 = arith.constant 464 : index
        %swap3A_801 = tpu.vector_load %arg7[%swap3A_798, %swap3A_799, %swap3A_800] {strides = array<i32>} : memref<2x32x768xf32, #tpu.memory_space<vmem>>, vector<1x1x16xf32>,
        %swap3A_802 = vector.shape_cast %swap3A_801 : vector<1x1x16xf32> to vector<16xf32>
        %swap3A_803 = vector.shape_cast %add3A_796 : vector<16xf32> to vector<1x1x16xf32>
        tpu.vector_store %arg7[%swap3A_798, %swap3A_799, %swap3A_800], %swap3A_803 {strides = array<i32>} : memref<2x32x768xf32, #tpu.memory_space<vmem>>, vector<1x1x16xf32>,
        %get3A_804 = arith.constant 0 : i32
        %get3A_805 = arith.index_cast %get3A_804 : i32 to index
        %get3A_806 = arith.index_cast %add3A_265 : i32 to index
        %get3A_807 = arith.constant 480 : index
        %get3A_808 = tpu.vector_load %arg6[%get3A_805, %get3A_806, %get3A_807] {strides = array<i32>} : memref<2x32x768xf32, #tpu.memory_space<vmem>>, vector<1x1x16xf32>,
        %get3A_809 = vector.shape_cast %get3A_808 : vector<1x1x16xf32> to vector<16xf32>
        %get3A_810 = arith.index_cast %add3A_265 : i32 to index
        %get3A_811 = arith.constant 480 : index
        %get3A_812 = tpu.vector_load %arg5[%get3A_810, %get3A_811] {strides = array<i32>} : memref<32x768xf32, #tpu.memory_space<vmem>>, vector<1x16xf32>,
        %get3A_813 = vector.shape_cast %get3A_812 : vector<1x16xf32> to vector<16xf32>
        %add3A_814 = arith.addf %get3A_809, %get3A_813 : vector<16xf32>
        %swap3A_815 = arith.constant 0 : i32
        %swap3A_816 = arith.index_cast %swap3A_815 : i32 to index
        %swap3A_817 = arith.index_cast %add3A_265 : i32 to index
        %swap3A_818 = arith.constant 480 : index
        %swap3A_819 = tpu.vector_load %arg7[%swap3A_816, %swap3A_817, %swap3A_818] {strides = array<i32>} : memref<2x32x768xf32, #tpu.memory_space<vmem>>, vector<1x1x16xf32>,
        %swap3A_820 = vector.shape_cast %swap3A_819 : vector<1x1x16xf32> to vector<16xf32>
        %swap3A_821 = vector.shape_cast %add3A_814 : vector<16xf32> to vector<1x1x16xf32>
        tpu.vector_store %arg7[%swap3A_816, %swap3A_817, %swap3A_818], %swap3A_821 {strides = array<i32>} : memref<2x32x768xf32, #tpu.memory_space<vmem>>, vector<1x1x16xf32>,
        %get3A_822 = arith.constant 0 : i32
        %get3A_823 = arith.index_cast %get3A_822 : i32 to index
        %get3A_824 = arith.index_cast %add3A_265 : i32 to index
        %get3A_825 = arith.constant 496 : index
        %get3A_826 = tpu.vector_load %arg6[%get3A_823, %get3A_824, %get3A_825] {strides = array<i32>} : memref<2x32x768xf32, #tpu.memory_space<vmem>>, vector<1x1x16xf32>,
        %get3A_827 = vector.shape_cast %get3A_826 : vector<1x1x16xf32> to vector<16xf32>
        %get3A_828 = arith.index_cast %add3A_265 : i32 to index
        %get3A_829 = arith.constant 496 : index
        %get3A_830 = tpu.vector_load %arg5[%get3A_828, %get3A_829] {strides = array<i32>} : memref<32x768xf32, #tpu.memory_space<vmem>>, vector<1x16xf32>,
        %get3A_831 = vector.shape_cast %get3A_830 : vector<1x16xf32> to vector<16xf32>
        %add3A_832 = arith.addf %get3A_827, %get3A_831 : vector<16xf32>
        %swap3A_833 = arith.constant 0 : i32
        %swap3A_834 = arith.index_cast %swap3A_833 : i32 to index
        %swap3A_835 = arith.index_cast %add3A_265 : i32 to index
        %swap3A_836 = arith.constant 496 : index
        %swap3A_837 = tpu.vector_load %arg7[%swap3A_834, %swap3A_835, %swap3A_836] {strides = array<i32>} : memref<2x32x768xf32, #tpu.memory_space<vmem>>, vector<1x1x16xf32>,
        %swap3A_838 = vector.shape_cast %swap3A_837 : vector<1x1x16xf32> to vector<16xf32>
        %swap3A_839 = vector.shape_cast %add3A_832 : vector<16xf32> to vector<1x1x16xf32>
        tpu.vector_store %arg7[%swap3A_834, %swap3A_835, %swap3A_836], %swap3A_839 {strides = array<i32>} : memref<2x32x768xf32, #tpu.memory_space<vmem>>, vector<1x1x16xf32>,
        %get3A_840 = arith.constant 0 : i32
        %get3A_841 = arith.index_cast %get3A_840 : i32 to index
        %get3A_842 = arith.index_cast %add3A_265 : i32 to index
        %get3A_843 = arith.constant 512 : index
        %get3A_844 = tpu.vector_load %arg6[%get3A_841, %get3A_842, %get3A_843] {strides = array<i32>} : memref<2x32x768xf32, #tpu.memory_space<vmem>>, vector<1x1x16xf32>,
        %get3A_845 = vector.shape_cast %get3A_844 : vector<1x1x16xf32> to vector<16xf32>
        %get3A_846 = arith.index_cast %add3A_265 : i32 to index
        %get3A_847 = arith.constant 512 : index
        %get3A_848 = tpu.vector_load %arg5[%get3A_846, %get3A_847] {strides = array<i32>} : memref<32x768xf32, #tpu.memory_space<vmem>>, vector<1x16xf32>,
        %get3A_849 = vector.shape_cast %get3A_848 : vector<1x16xf32> to vector<16xf32>
        %add3A_850 = arith.addf %get3A_845, %get3A_849 : vector<16xf32>
        %swap3A_851 = arith.constant 0 : i32
        %swap3A_852 = arith.index_cast %swap3A_851 : i32 to index
        %swap3A_853 = arith.index_cast %add3A_265 : i32 to index
        %swap3A_854 = arith.constant 512 : index
        %swap3A_855 = tpu.vector_load %arg7[%swap3A_852, %swap3A_853, %swap3A_854] {strides = array<i32>} : memref<2x32x768xf32, #tpu.memory_space<vmem>>, vector<1x1x16xf32>,
        %swap3A_856 = vector.shape_cast %swap3A_855 : vector<1x1x16xf32> to vector<16xf32>
        %swap3A_857 = vector.shape_cast %add3A_850 : vector<16xf32> to vector<1x1x16xf32>
        tpu.vector_store %arg7[%swap3A_852, %swap3A_853, %swap3A_854], %swap3A_857 {strides = array<i32>} : memref<2x32x768xf32, #tpu.memory_space<vmem>>, vector<1x1x16xf32>,
        %get3A_858 = arith.constant 0 : i32
        %get3A_859 = arith.index_cast %get3A_858 : i32 to index
        %get3A_860 = arith.index_cast %add3A_265 : i32 to index
        %get3A_861 = arith.constant 528 : index
        %get3A_862 = tpu.vector_load %arg6[%get3A_859, %get3A_860, %get3A_861] {strides = array<i32>} : memref<2x32x768xf32, #tpu.memory_space<vmem>>, vector<1x1x16xf32>,
        %get3A_863 = vector.shape_cast %get3A_862 : vector<1x1x16xf32> to vector<16xf32>
        %get3A_864 = arith.index_cast %add3A_265 : i32 to index
        %get3A_865 = arith.constant 528 : index
        %get3A_866 = tpu.vector_load %arg5[%get3A_864, %get3A_865] {strides = array<i32>} : memref<32x768xf32, #tpu.memory_space<vmem>>, vector<1x16xf32>,
        %get3A_867 = vector.shape_cast %get3A_866 : vector<1x16xf32> to vector<16xf32>
        %add3A_868 = arith.addf %get3A_863, %get3A_867 : vector<16xf32>
        %swap3A_869 = arith.constant 0 : i32
        %swap3A_870 = arith.index_cast %swap3A_869 : i32 to index
        %swap3A_871 = arith.index_cast %add3A_265 : i32 to index
        %swap3A_872 = arith.constant 528 : index
        %swap3A_873 = tpu.vector_load %arg7[%swap3A_870, %swap3A_871, %swap3A_872] {strides = array<i32>} : memref<2x32x768xf32, #tpu.memory_space<vmem>>, vector<1x1x16xf32>,
        %swap3A_874 = vector.shape_cast %swap3A_873 : vector<1x1x16xf32> to vector<16xf32>
        %swap3A_875 = vector.shape_cast %add3A_868 : vector<16xf32> to vector<1x1x16xf32>
        tpu.vector_store %arg7[%swap3A_870, %swap3A_871, %swap3A_872], %swap3A_875 {strides = array<i32>} : memref<2x32x768xf32, #tpu.memory_space<vmem>>, vector<1x1x16xf32>,
        %get3A_876 = arith.constant 0 : i32
        %get3A_877 = arith.index_cast %get3A_876 : i32 to index
        %get3A_878 = arith.index_cast %add3A_265 : i32 to index
        %get3A_879 = arith.constant 544 : index
        %get3A_880 = tpu.vector_load %arg6[%get3A_877, %get3A_878, %get3A_879] {strides = array<i32>} : memref<2x32x768xf32, #tpu.memory_space<vmem>>, vector<1x1x16xf32>,
        %get3A_881 = vector.shape_cast %get3A_880 : vector<1x1x16xf32> to vector<16xf32>
        %get3A_882 = arith.index_cast %add3A_265 : i32 to index
        %get3A_883 = arith.constant 544 : index
        %get3A_884 = tpu.vector_load %arg5[%get3A_882, %get3A_883] {strides = array<i32>} : memref<32x768xf32, #tpu.memory_space<vmem>>, vector<1x16xf32>,
        %get3A_885 = vector.shape_cast %get3A_884 : vector<1x16xf32> to vector<16xf32>
        %add3A_886 = arith.addf %get3A_881, %get3A_885 : vector<16xf32>
        %swap3A_887 = arith.constant 0 : i32
        %swap3A_888 = arith.index_cast %swap3A_887 : i32 to index
        %swap3A_889 = arith.index_cast %add3A_265 : i32 to index
        %swap3A_890 = arith.constant 544 : index
        %swap3A_891 = tpu.vector_load %arg7[%swap3A_888, %swap3A_889, %swap3A_890] {strides = array<i32>} : memref<2x32x768xf32, #tpu.memory_space<vmem>>, vector<1x1x16xf32>,
        %swap3A_892 = vector.shape_cast %swap3A_891 : vector<1x1x16xf32> to vector<16xf32>
        %swap3A_893 = vector.shape_cast %add3A_886 : vector<16xf32> to vector<1x1x16xf32>
        tpu.vector_store %arg7[%swap3A_888, %swap3A_889, %swap3A_890], %swap3A_893 {strides = array<i32>} : memref<2x32x768xf32, #tpu.memory_space<vmem>>, vector<1x1x16xf32>,
        %get3A_894 = arith.constant 0 : i32
        %get3A_895 = arith.index_cast %get3A_894 : i32 to index
        %get3A_896 = arith.index_cast %add3A_265 : i32 to index
        %get3A_897 = arith.constant 560 : index
        %get3A_898 = tpu.vector_load %arg6[%get3A_895, %get3A_896, %get3A_897] {strides = array<i32>} : memref<2x32x768xf32, #tpu.memory_space<vmem>>, vector<1x1x16xf32>,
        %get3A_899 = vector.shape_cast %get3A_898 : vector<1x1x16xf32> to vector<16xf32>
        %get3A_900 = arith.index_cast %add3A_265 : i32 to index
        %get3A_901 = arith.constant 560 : index
        %get3A_902 = tpu.vector_load %arg5[%get3A_900, %get3A_901] {strides = array<i32>} : memref<32x768xf32, #tpu.memory_space<vmem>>, vector<1x16xf32>,
        %get3A_903 = vector.shape_cast %get3A_902 : vector<1x16xf32> to vector<16xf32>
        %add3A_904 = arith.addf %get3A_899, %get3A_903 : vector<16xf32>
        %swap3A_905 = arith.constant 0 : i32
        %swap3A_906 = arith.index_cast %swap3A_905 : i32 to index
        %swap3A_907 = arith.index_cast %add3A_265 : i32 to index
        %swap3A_908 = arith.constant 560 : index
        %swap3A_909 = tpu.vector_load %arg7[%swap3A_906, %swap3A_907, %swap3A_908] {strides = array<i32>} : memref<2x32x768xf32, #tpu.memory_space<vmem>>, vector<1x1x16xf32>,
        %swap3A_910 = vector.shape_cast %swap3A_909 : vector<1x1x16xf32> to vector<16xf32>
        %swap3A_911 = vector.shape_cast %add3A_904 : vector<16xf32> to vector<1x1x16xf32>
        tpu.vector_store %arg7[%swap3A_906, %swap3A_907, %swap3A_908], %swap3A_911 {strides = array<i32>} : memref<2x32x768xf32, #tpu.memory_space<vmem>>, vector<1x1x16xf32>,
        %get3A_912 = arith.constant 0 : i32
        %get3A_913 = arith.index_cast %get3A_912 : i32 to index
        %get3A_914 = arith.index_cast %add3A_265 : i32 to index
        %get3A_915 = arith.constant 576 : index
        %get3A_916 = tpu.vector_load %arg6[%get3A_913, %get3A_914, %get3A_915] {strides = array<i32>} : memref<2x32x768xf32, #tpu.memory_space<vmem>>, vector<1x1x16xf32>,
        %get3A_917 = vector.shape_cast %get3A_916 : vector<1x1x16xf32> to vector<16xf32>
        %get3A_918 = arith.index_cast %add3A_265 : i32 to index
        %get3A_919 = arith.constant 576 : index
        %get3A_920 = tpu.vector_load %arg5[%get3A_918, %get3A_919] {strides = array<i32>} : memref<32x768xf32, #tpu.memory_space<vmem>>, vector<1x16xf32>,
        %get3A_921 = vector.shape_cast %get3A_920 : vector<1x16xf32> to vector<16xf32>
        %add3A_922 = arith.addf %get3A_917, %get3A_921 : vector<16xf32>
        %swap3A_923 = arith.constant 0 : i32
        %swap3A_924 = arith.index_cast %swap3A_923 : i32 to index
        %swap3A_925 = arith.index_cast %add3A_265 : i32 to index
        %swap3A_926 = arith.constant 576 : index
        %swap3A_927 = tpu.vector_load %arg7[%swap3A_924, %swap3A_925, %swap3A_926] {strides = array<i32>} : memref<2x32x768xf32, #tpu.memory_space<vmem>>, vector<1x1x16xf32>,
        %swap3A_928 = vector.shape_cast %swap3A_927 : vector<1x1x16xf32> to vector<16xf32>
        %swap3A_929 = vector.shape_cast %add3A_922 : vector<16xf32> to vector<1x1x16xf32>
        tpu.vector_store %arg7[%swap3A_924, %swap3A_925, %swap3A_926], %swap3A_929 {strides = array<i32>} : memref<2x32x768xf32, #tpu.memory_space<vmem>>, vector<1x1x16xf32>,
        %get3A_930 = arith.constant 0 : i32
        %get3A_931 = arith.index_cast %get3A_930 : i32 to index
        %get3A_932 = arith.index_cast %add3A_265 : i32 to index
        %get3A_933 = arith.constant 592 : index
        %get3A_934 = tpu.vector_load %arg6[%get3A_931, %get3A_932, %get3A_933] {strides = array<i32>} : memref<2x32x768xf32, #tpu.memory_space<vmem>>, vector<1x1x16xf32>,
        %get3A_935 = vector.shape_cast %get3A_934 : vector<1x1x16xf32> to vector<16xf32>
        %get3A_936 = arith.index_cast %add3A_265 : i32 to index
        %get3A_937 = arith.constant 592 : index
        %get3A_938 = tpu.vector_load %arg5[%get3A_936, %get3A_937] {strides = array<i32>} : memref<32x768xf32, #tpu.memory_space<vmem>>, vector<1x16xf32>,
        %get3A_939 = vector.shape_cast %get3A_938 : vector<1x16xf32> to vector<16xf32>
        %add3A_940 = arith.addf %get3A_935, %get3A_939 : vector<16xf32>
        %swap3A_941 = arith.constant 0 : i32
        %swap3A_942 = arith.index_cast %swap3A_941 : i32 to index
        %swap3A_943 = arith.index_cast %add3A_265 : i32 to index
        %swap3A_944 = arith.constant 592 : index
        %swap3A_945 = tpu.vector_load %arg7[%swap3A_942, %swap3A_943, %swap3A_944] {strides = array<i32>} : memref<2x32x768xf32, #tpu.memory_space<vmem>>, vector<1x1x16xf32>,
        %swap3A_946 = vector.shape_cast %swap3A_945 : vector<1x1x16xf32> to vector<16xf32>
        %swap3A_947 = vector.shape_cast %add3A_940 : vector<16xf32> to vector<1x1x16xf32>
        tpu.vector_store %arg7[%swap3A_942, %swap3A_943, %swap3A_944], %swap3A_947 {strides = array<i32>} : memref<2x32x768xf32, #tpu.memory_space<vmem>>, vector<1x1x16xf32>,
        %get3A_948 = arith.constant 0 : i32
        %get3A_949 = arith.index_cast %get3A_948 : i32 to index
        %get3A_950 = arith.index_cast %add3A_265 : i32 to index
        %get3A_951 = arith.constant 608 : index
        %get3A_952 = tpu.vector_load %arg6[%get3A_949, %get3A_950, %get3A_951] {strides = array<i32>} : memref<2x32x768xf32, #tpu.memory_space<vmem>>, vector<1x1x16xf32>,
        %get3A_953 = vector.shape_cast %get3A_952 : vector<1x1x16xf32> to vector<16xf32>
        %get3A_954 = arith.index_cast %add3A_265 : i32 to index
        %get3A_955 = arith.constant 608 : index
        %get3A_956 = tpu.vector_load %arg5[%get3A_954, %get3A_955] {strides = array<i32>} : memref<32x768xf32, #tpu.memory_space<vmem>>, vector<1x16xf32>,
        %get3A_957 = vector.shape_cast %get3A_956 : vector<1x16xf32> to vector<16xf32>
        %add3A_958 = arith.addf %get3A_953, %get3A_957 : vector<16xf32>
        %swap3A_959 = arith.constant 0 : i32
        %swap3A_960 = arith.index_cast %swap3A_959 : i32 to index
        %swap3A_961 = arith.index_cast %add3A_265 : i32 to index
        %swap3A_962 = arith.constant 608 : index
        %swap3A_963 = tpu.vector_load %arg7[%swap3A_960, %swap3A_961, %swap3A_962] {strides = array<i32>} : memref<2x32x768xf32, #tpu.memory_space<vmem>>, vector<1x1x16xf32>,
        %swap3A_964 = vector.shape_cast %swap3A_963 : vector<1x1x16xf32> to vector<16xf32>
        %swap3A_965 = vector.shape_cast %add3A_958 : vector<16xf32> to vector<1x1x16xf32>
        tpu.vector_store %arg7[%swap3A_960, %swap3A_961, %swap3A_962], %swap3A_965 {strides = array<i32>} : memref<2x32x768xf32, #tpu.memory_space<vmem>>, vector<1x1x16xf32>,
        %get3A_966 = arith.constant 0 : i32
        %get3A_967 = arith.index_cast %get3A_966 : i32 to index
        %get3A_968 = arith.index_cast %add3A_265 : i32 to index
        %get3A_969 = arith.constant 624 : index
        %get3A_970 = tpu.vector_load %arg6[%get3A_967, %get3A_968, %get3A_969] {strides = array<i32>} : memref<2x32x768xf32, #tpu.memory_space<vmem>>, vector<1x1x16xf32>,
        %get3A_971 = vector.shape_cast %get3A_970 : vector<1x1x16xf32> to vector<16xf32>
        %get3A_972 = arith.index_cast %add3A_265 : i32 to index
        %get3A_973 = arith.constant 624 : index
        %get3A_974 = tpu.vector_load %arg5[%get3A_972, %get3A_973] {strides = array<i32>} : memref<32x768xf32, #tpu.memory_space<vmem>>, vector<1x16xf32>,
        %get3A_975 = vector.shape_cast %get3A_974 : vector<1x16xf32> to vector<16xf32>
        %add3A_976 = arith.addf %get3A_971, %get3A_975 : vector<16xf32>
        %swap3A_977 = arith.constant 0 : i32
        %swap3A_978 = arith.index_cast %swap3A_977 : i32 to index
        %swap3A_979 = arith.index_cast %add3A_265 : i32 to index
        %swap3A_980 = arith.constant 624 : index
        %swap3A_981 = tpu.vector_load %arg7[%swap3A_978, %swap3A_979, %swap3A_980] {strides = array<i32>} : memref<2x32x768xf32, #tpu.memory_space<vmem>>, vector<1x1x16xf32>,
        %swap3A_982 = vector.shape_cast %swap3A_981 : vector<1x1x16xf32> to vector<16xf32>
        %swap3A_983 = vector.shape_cast %add3A_976 : vector<16xf32> to vector<1x1x16xf32>
        tpu.vector_store %arg7[%swap3A_978, %swap3A_979, %swap3A_980], %swap3A_983 {strides = array<i32>} : memref<2x32x768xf32, #tpu.memory_space<vmem>>, vector<1x1x16xf32>,
        %get3A_984 = arith.constant 0 : i32
        %get3A_985 = arith.index_cast %get3A_984 : i32 to index
        %get3A_986 = arith.index_cast %add3A_265 : i32 to index
        %get3A_987 = arith.constant 640 : index
        %get3A_988 = tpu.vector_load %arg6[%get3A_985, %get3A_986, %get3A_987] {strides = array<i32>} : memref<2x32x768xf32, #tpu.memory_space<vmem>>, vector<1x1x16xf32>,
        %get3A_989 = vector.shape_cast %get3A_988 : vector<1x1x16xf32> to vector<16xf32>
        %get3A_990 = arith.index_cast %add3A_265 : i32 to index
        %get3A_991 = arith.constant 640 : index
        %get3A_992 = tpu.vector_load %arg5[%get3A_990, %get3A_991] {strides = array<i32>} : memref<32x768xf32, #tpu.memory_space<vmem>>, vector<1x16xf32>,
        %get3A_993 = vector.shape_cast %get3A_992 : vector<1x16xf32> to vector<16xf32>
        %add3A_994 = arith.addf %get3A_989, %get3A_993 : vector<16xf32>
        %swap3A_995 = arith.constant 0 : i32
        %swap3A_996 = arith.index_cast %swap3A_995 : i32 to index
        %swap3A_997 = arith.index_cast %add3A_265 : i32 to index
        %swap3A_998 = arith.constant 640 : index
        %swap3A_999 = tpu.vector_load %arg7[%swap3A_996, %swap3A_997, %swap3A_998] {strides = array<i32>} : memref<2x32x768xf32, #tpu.memory_space<vmem>>, vector<1x1x16xf32>,
        %swap3A_1000 = vector.shape_cast %swap3A_999 : vector<1x1x16xf32> to vector<16xf32>
        %swap3A_1001 = vector.shape_cast %add3A_994 : vector<16xf32> to vector<1x1x16xf32>
        tpu.vector_store %arg7[%swap3A_996, %swap3A_997, %swap3A_998], %swap3A_1001 {strides = array<i32>} : memref<2x32x768xf32, #tpu.memory_space<vmem>>, vector<1x1x16xf32>,
        %get3A_1002 = arith.constant 0 : i32
        %get3A_1003 = arith.index_cast %get3A_1002 : i32 to index
        %get3A_1004 = arith.index_cast %add3A_265 : i32 to index
        %get3A_1005 = arith.constant 656 : index
        %get3A_1006 = tpu.vector_load %arg6[%get3A_1003, %get3A_1004, %get3A_1005] {strides = array<i32>} : memref<2x32x768xf32, #tpu.memory_space<vmem>>, vector<1x1x16xf32>,
        %get3A_1007 = vector.shape_cast %get3A_1006 : vector<1x1x16xf32> to vector<16xf32>
        %get3A_1008 = arith.index_cast %add3A_265 : i32 to index
        %get3A_1009 = arith.constant 656 : index
        %get3A_1010 = tpu.vector_load %arg5[%get3A_1008, %get3A_1009] {strides = array<i32>} : memref<32x768xf32, #tpu.memory_space<vmem>>, vector<1x16xf32>,
        %get3A_1011 = vector.shape_cast %get3A_1010 : vector<1x16xf32> to vector<16xf32>
        %add3A_1012 = arith.addf %get3A_1007, %get3A_1011 : vector<16xf32>
        %swap3A_1013 = arith.constant 0 : i32
        %swap3A_1014 = arith.index_cast %swap3A_1013 : i32 to index
        %swap3A_1015 = arith.index_cast %add3A_265 : i32 to index
        %swap3A_1016 = arith.constant 656 : index
        %swap3A_1017 = tpu.vector_load %arg7[%swap3A_1014, %swap3A_1015, %swap3A_1016] {strides = array<i32>} : memref<2x32x768xf32, #tpu.memory_space<vmem>>, vector<1x1x16xf32>,
        %swap3A_1018 = vector.shape_cast %swap3A_1017 : vector<1x1x16xf32> to vector<16xf32>
        %swap3A_1019 = vector.shape_cast %add3A_1012 : vector<16xf32> to vector<1x1x16xf32>
        tpu.vector_store %arg7[%swap3A_1014, %swap3A_1015, %swap3A_1016], %swap3A_1019 {strides = array<i32>} : memref<2x32x768xf32, #tpu.memory_space<vmem>>, vector<1x1x16xf32>,
        %get3A_1020 = arith.constant 0 : i32
        %get3A_1021 = arith.index_cast %get3A_1020 : i32 to index
        %get3A_1022 = arith.index_cast %add3A_265 : i32 to index
        %get3A_1023 = arith.constant 672 : index
        %get3A_1024 = tpu.vector_load %arg6[%get3A_1021, %get3A_1022, %get3A_1023] {strides = array<i32>} : memref<2x32x768xf32, #tpu.memory_space<vmem>>, vector<1x1x16xf32>,
        %get3A_1025 = vector.shape_cast %get3A_1024 : vector<1x1x16xf32> to vector<16xf32>
        %get3A_1026 = arith.index_cast %add3A_265 : i32 to index
        %get3A_1027 = arith.constant 672 : index
        %get3A_1028 = tpu.vector_load %arg5[%get3A_1026, %get3A_1027] {strides = array<i32>} : memref<32x768xf32, #tpu.memory_space<vmem>>, vector<1x16xf32>,
        %get3A_1029 = vector.shape_cast %get3A_1028 : vector<1x16xf32> to vector<16xf32>
        %add3A_1030 = arith.addf %get3A_1025, %get3A_1029 : vector<16xf32>
        %swap3A_1031 = arith.constant 0 : i32
        %swap3A_1032 = arith.index_cast %swap3A_1031 : i32 to index
        %swap3A_1033 = arith.index_cast %add3A_265 : i32 to index
        %swap3A_1034 = arith.constant 672 : index
        %swap3A_1035 = tpu.vector_load %arg7[%swap3A_1032, %swap3A_1033, %swap3A_1034] {strides = array<i32>} : memref<2x32x768xf32, #tpu.memory_space<vmem>>, vector<1x1x16xf32>,
        %swap3A_1036 = vector.shape_cast %swap3A_1035 : vector<1x1x16xf32> to vector<16xf32>
        %swap3A_1037 = vector.shape_cast %add3A_1030 : vector<16xf32> to vector<1x1x16xf32>
        tpu.vector_store %arg7[%swap3A_1032, %swap3A_1033, %swap3A_1034], %swap3A_1037 {strides = array<i32>} : memref<2x32x768xf32, #tpu.memory_space<vmem>>, vector<1x1x16xf32>,
        %get3A_1038 = arith.constant 0 : i32
        %get3A_1039 = arith.index_cast %get3A_1038 : i32 to index
        %get3A_1040 = arith.index_cast %add3A_265 : i32 to index
        %get3A_1041 = arith.constant 688 : index
        %get3A_1042 = tpu.vector_load %arg6[%get3A_1039, %get3A_1040, %get3A_1041] {strides = array<i32>} : memref<2x32x768xf32, #tpu.memory_space<vmem>>, vector<1x1x16xf32>,
        %get3A_1043 = vector.shape_cast %get3A_1042 : vector<1x1x16xf32> to vector<16xf32>
        %get3A_1044 = arith.index_cast %add3A_265 : i32 to index
        %get3A_1045 = arith.constant 688 : index
        %get3A_1046 = tpu.vector_load %arg5[%get3A_1044, %get3A_1045] {strides = array<i32>} : memref<32x768xf32, #tpu.memory_space<vmem>>, vector<1x16xf32>,
        %get3A_1047 = vector.shape_cast %get3A_1046 : vector<1x16xf32> to vector<16xf32>
        %add3A_1048 = arith.addf %get3A_1043, %get3A_1047 : vector<16xf32>
        %swap3A_1049 = arith.constant 0 : i32
        %swap3A_1050 = arith.index_cast %swap3A_1049 : i32 to index
        %swap3A_1051 = arith.index_cast %add3A_265 : i32 to index
        %swap3A_1052 = arith.constant 688 : index
        %swap3A_1053 = tpu.vector_load %arg7[%swap3A_1050, %swap3A_1051, %swap3A_1052] {strides = array<i32>} : memref<2x32x768xf32, #tpu.memory_space<vmem>>, vector<1x1x16xf32>,
        %swap3A_1054 = vector.shape_cast %swap3A_1053 : vector<1x1x16xf32> to vector<16xf32>
        %swap3A_1055 = vector.shape_cast %add3A_1048 : vector<16xf32> to vector<1x1x16xf32>
        tpu.vector_store %arg7[%swap3A_1050, %swap3A_1051, %swap3A_1052], %swap3A_1055 {strides = array<i32>} : memref<2x32x768xf32, #tpu.memory_space<vmem>>, vector<1x1x16xf32>,
        %get3A_1056 = arith.constant 0 : i32
        %get3A_1057 = arith.index_cast %get3A_1056 : i32 to index
        %get3A_1058 = arith.index_cast %add3A_265 : i32 to index
        %get3A_1059 = arith.constant 704 : index
        %get3A_1060 = tpu.vector_load %arg6[%get3A_1057, %get3A_1058, %get3A_1059] {strides = array<i32>} : memref<2x32x768xf32, #tpu.memory_space<vmem>>, vector<1x1x16xf32>,
        %get3A_1061 = vector.shape_cast %get3A_1060 : vector<1x1x16xf32> to vector<16xf32>
        %get3A_1062 = arith.index_cast %add3A_265 : i32 to index
        %get3A_1063 = arith.constant 704 : index
        %get3A_1064 = tpu.vector_load %arg5[%get3A_1062, %get3A_1063] {strides = array<i32>} : memref<32x768xf32, #tpu.memory_space<vmem>>, vector<1x16xf32>,
        %get3A_1065 = vector.shape_cast %get3A_1064 : vector<1x16xf32> to vector<16xf32>
        %add3A_1066 = arith.addf %get3A_1061, %get3A_1065 : vector<16xf32>
        %swap3A_1067 = arith.constant 0 : i32
        %swap3A_1068 = arith.index_cast %swap3A_1067 : i32 to index
        %swap3A_1069 = arith.index_cast %add3A_265 : i32 to index
        %swap3A_1070 = arith.constant 704 : index
        %swap3A_1071 = tpu.vector_load %arg7[%swap3A_1068, %swap3A_1069, %swap3A_1070] {strides = array<i32>} : memref<2x32x768xf32, #tpu.memory_space<vmem>>, vector<1x1x16xf32>,
        %swap3A_1072 = vector.shape_cast %swap3A_1071 : vector<1x1x16xf32> to vector<16xf32>
        %swap3A_1073 = vector.shape_cast %add3A_1066 : vector<16xf32> to vector<1x1x16xf32>
        tpu.vector_store %arg7[%swap3A_1068, %swap3A_1069, %swap3A_1070], %swap3A_1073 {strides = array<i32>} : memref<2x32x768xf32, #tpu.memory_space<vmem>>, vector<1x1x16xf32>,
        %get3A_1074 = arith.constant 0 : i32
        %get3A_1075 = arith.index_cast %get3A_1074 : i32 to index
        %get3A_1076 = arith.index_cast %add3A_265 : i32 to index
        %get3A_1077 = arith.constant 720 : index
        %get3A_1078 = tpu.vector_load %arg6[%get3A_1075, %get3A_1076, %get3A_1077] {strides = array<i32>} : memref<2x32x768xf32, #tpu.memory_space<vmem>>, vector<1x1x16xf32>,
        %get3A_1079 = vector.shape_cast %get3A_1078 : vector<1x1x16xf32> to vector<16xf32>
        %get3A_1080 = arith.index_cast %add3A_265 : i32 to index
        %get3A_1081 = arith.constant 720 : index
        %get3A_1082 = tpu.vector_load %arg5[%get3A_1080, %get3A_1081] {strides = array<i32>} : memref<32x768xf32, #tpu.memory_space<vmem>>, vector<1x16xf32>,
        %get3A_1083 = vector.shape_cast %get3A_1082 : vector<1x16xf32> to vector<16xf32>
        %add3A_1084 = arith.addf %get3A_1079, %get3A_1083 : vector<16xf32>
        %swap3A_1085 = arith.constant 0 : i32
        %swap3A_1086 = arith.index_cast %swap3A_1085 : i32 to index
        %swap3A_1087 = arith.index_cast %add3A_265 : i32 to index
        %swap3A_1088 = arith.constant 720 : index
        %swap3A_1089 = tpu.vector_load %arg7[%swap3A_1086, %swap3A_1087, %swap3A_1088] {strides = array<i32>} : memref<2x32x768xf32, #tpu.memory_space<vmem>>, vector<1x1x16xf32>,
        %swap3A_1090 = vector.shape_cast %swap3A_1089 : vector<1x1x16xf32> to vector<16xf32>
        %swap3A_1091 = vector.shape_cast %add3A_1084 : vector<16xf32> to vector<1x1x16xf32>
        tpu.vector_store %arg7[%swap3A_1086, %swap3A_1087, %swap3A_1088], %swap3A_1091 {strides = array<i32>} : memref<2x32x768xf32, #tpu.memory_space<vmem>>, vector<1x1x16xf32>,
        %get3A_1092 = arith.constant 0 : i32
        %get3A_1093 = arith.index_cast %get3A_1092 : i32 to index
        %get3A_1094 = arith.index_cast %add3A_265 : i32 to index
        %get3A_1095 = arith.constant 736 : index
        %get3A_1096 = tpu.vector_load %arg6[%get3A_1093, %get3A_1094, %get3A_1095] {strides = array<i32>} : memref<2x32x768xf32, #tpu.memory_space<vmem>>, vector<1x1x16xf32>,
        %get3A_1097 = vector.shape_cast %get3A_1096 : vector<1x1x16xf32> to vector<16xf32>
        %get3A_1098 = arith.index_cast %add3A_265 : i32 to index
        %get3A_1099 = arith.constant 736 : index
        %get3A_1100 = tpu.vector_load %arg5[%get3A_1098, %get3A_1099] {strides = array<i32>} : memref<32x768xf32, #tpu.memory_space<vmem>>, vector<1x16xf32>,
        %get3A_1101 = vector.shape_cast %get3A_1100 : vector<1x16xf32> to vector<16xf32>
        %add3A_1102 = arith.addf %get3A_1097, %get3A_1101 : vector<16xf32>
        %swap3A_1103 = arith.constant 0 : i32
        %swap3A_1104 = arith.index_cast %swap3A_1103 : i32 to index
        %swap3A_1105 = arith.index_cast %add3A_265 : i32 to index
        %swap3A_1106 = arith.constant 736 : index
        %swap3A_1107 = tpu.vector_load %arg7[%swap3A_1104, %swap3A_1105, %swap3A_1106] {strides = array<i32>} : memref<2x32x768xf32, #tpu.memory_space<vmem>>, vector<1x1x16xf32>,
        %swap3A_1108 = vector.shape_cast %swap3A_1107 : vector<1x1x16xf32> to vector<16xf32>
        %swap3A_1109 = vector.shape_cast %add3A_1102 : vector<16xf32> to vector<1x1x16xf32>
        tpu.vector_store %arg7[%swap3A_1104, %swap3A_1105, %swap3A_1106], %swap3A_1109 {strides = array<i32>} : memref<2x32x768xf32, #tpu.memory_space<vmem>>, vector<1x1x16xf32>,
        %get3A_1110 = arith.constant 0 : i32
        %get3A_1111 = arith.index_cast %get3A_1110 : i32 to index
        %get3A_1112 = arith.index_cast %add3A_265 : i32 to index
        %get3A_1113 = arith.constant 752 : index
        %get3A_1114 = tpu.vector_load %arg6[%get3A_1111, %get3A_1112, %get3A_1113] {strides = array<i32>} : memref<2x32x768xf32, #tpu.memory_space<vmem>>, vector<1x1x16xf32>,
        %get3A_1115 = vector.shape_cast %get3A_1114 : vector<1x1x16xf32> to vector<16xf32>
        %get3A_1116 = arith.index_cast %add3A_265 : i32 to index
        %get3A_1117 = arith.constant 752 : index
        %get3A_1118 = tpu.vector_load %arg5[%get3A_1116, %get3A_1117] {strides = array<i32>} : memref<32x768xf32, #tpu.memory_space<vmem>>, vector<1x16xf32>,
        %get3A_1119 = vector.shape_cast %get3A_1118 : vector<1x16xf32> to vector<16xf32>
        %add3A_1120 = arith.addf %get3A_1115, %get3A_1119 : vector<16xf32>
        %swap3A_1121 = arith.constant 0 : i32
        %swap3A_1122 = arith.index_cast %swap3A_1121 : i32 to index
        %swap3A_1123 = arith.index_cast %add3A_265 : i32 to index
        %swap3A_1124 = arith.constant 752 : index
        %swap3A_1125 = tpu.vector_load %arg7[%swap3A_1122, %swap3A_1123, %swap3A_1124] {strides = array<i32>} : memref<2x32x768xf32, #tpu.memory_space<vmem>>, vector<1x1x16xf32>,
        %swap3A_1126 = vector.shape_cast %swap3A_1125 : vector<1x1x16xf32> to vector<16xf32>
        %swap3A_1127 = vector.shape_cast %add3A_1120 : vector<16xf32> to vector<1x1x16xf32>
        tpu.vector_store %arg7[%swap3A_1122, %swap3A_1123, %swap3A_1124], %swap3A_1127 {strides = array<i32>} : memref<2x32x768xf32, #tpu.memory_space<vmem>>, vector<1x1x16xf32>,
      }
      %scan3A_155 = arith.constant 32 : i32
      %eq3A_156 = arith.constant 3 : i32
      %eq3A_157 = arith.cmpi eq, %and3A_121, %eq3A_156 : i32
      %add3A_158 = arith.constant 1 : i32
      %add3A_159 = arith.addi %shift_right_logical3A_119, %add3A_158 : i32
      %lt3A = arith.constant 8 : i32
      %lt3A_160 = arith.cmpi slt, %add3A_159, %lt3A : i32
      %and3A_161 = arith.andi %eq3A_157, %lt3A_160 : i1
      %convert_element_type3A_162 = arith.extui %and3A_161 : i1 to i32
      %cond3A_163 = arith.constant 0 : i32
      %cond3A_164 = arith.cmpi ne, %convert_element_type3A_162, %cond3A_163 : i32
      scf.if %cond3A_164 {
        %add3A_261 = arith.constant 1 : i32
        %add3A_262 = arith.addi %shift_right_logical3A_119, %add3A_261 : i32
        %mul3A_263 = arith.constant 32 : i32
        %mul3A_264 = arith.muli %add3A_262, %mul3A_263 : i32
        %add3A_265 = arith.addi %mul3A_2, %mul3A_264 : i32
        %dma_start3A_266 = arith.constant 0 : i32
        %dma_start3A_267 = tpu.memref_slice %arg3[%add3A_265, %dma_start3A_266] : memref<8192x768xf32, #tpu.memory_space<hbm>> -> memref<32x768xf32, #tpu.memory_space<hbm>>
        %dma_start3A_268 = arith.constant 0 : i32
        %dma_start3A_269 = tpu.memref_slice %arg3[%add3A_265, %dma_start3A_268] : memref<8192x768xf32, #tpu.memory_space<hbm>> -> memref<32x768xf32, #tpu.memory_space<hbm>>
        tpu.enqueue_dma source(%dma_start3A_269 : memref<32x768xf32, #tpu.memory_space<hbm>>) target(%arg5 : memref<32x768xf32, #tpu.memory_space<vmem>>) target_semaphore(%arg10 : memref<!tpu.dma_semaphore, #tpu.memory_space<semaphore_mem>>)
      } else {
      }
      %dma_start3A_165 = arith.constant 0 : i32
      %dma_start3A_166 = arith.constant 0 : i32
      %dma_start3A_167 = arith.constant 0 : i32
      %dma_start3A_168 = tpu.memref_slice %arg7[%dma_start3A_165, %dma_start3A_166, %dma_start3A_167] : memref<2x32x768xf32, #tpu.memory_space<vmem>> -> memref<1x32x768xf32, #tpu.memory_space<vmem>>
      %dma_start3A_169 = tpu.memref_squeeze %dma_start3A_168 : memref<1x32x768xf32, #tpu.memory_space<vmem>> -> memref<32x768xf32, #tpu.memory_space<vmem>>
      %dma_start3A_170 = arith.constant 0 : i32
      %dma_start3A_171 = tpu.memref_slice %arg4[%add3A_131, %dma_start3A_170] : memref<32768x768xf32, #tpu.memory_space<hbm>> -> memref<32x768xf32, #tpu.memory_space<hbm>>
      %dma_start3A_172 = arith.constant 0 : i32
      %dma_start3A_173 = tpu.memref_slice %arg4[%add3A_131, %dma_start3A_172] : memref<32768x768xf32, #tpu.memory_space<hbm>> -> memref<32x768xf32, #tpu.memory_space<hbm>>
      %dma_start3A_174 = arith.constant 0 : i32
      %dma_start3A_175 = arith.constant 0 : i32
      %dma_start3A_176 = tpu.memref_slice %arg7[%dma_start3A_165, %dma_start3A_174, %dma_start3A_175] : memref<2x32x768xf32, #tpu.memory_space<vmem>> -> memref<1x32x768xf32, #tpu.memory_space<vmem>>
      %dma_start3A_177 = tpu.memref_squeeze %dma_start3A_176 : memref<1x32x768xf32, #tpu.memory_space<vmem>> -> memref<32x768xf32, #tpu.memory_space<vmem>>
      tpu.enqueue_dma source(%dma_start3A_177 : memref<32x768xf32, #tpu.memory_space<vmem>>) target(%dma_start3A_173 : memref<32x768xf32, #tpu.memory_space<hbm>>) target_semaphore(%arg11 : memref<!tpu.dma_semaphore, #tpu.memory_space<semaphore_mem>>)
      %add3A_178 = arith.constant 2 : i32
      %add3A_179 = arith.addi %add3A_117, %add3A_178 : i32
      %lt3A_180 = arith.constant 32 : i32
      %lt3A_181 = arith.cmpi slt, %add3A_179, %lt3A_180 : i32
      %convert_element_type3A_182 = arith.extui %lt3A_181 : i1 to i32
      %cond3A_183 = arith.constant 0 : i32
      %cond3A_184 = arith.cmpi ne, %convert_element_type3A_182, %cond3A_183 : i32
      scf.if %cond3A_184 {
        %add3A_261 = arith.constant 2 : i32
        %add3A_262 = arith.addi %add3A_117, %add3A_261 : i32
        %shift_right_logical3A_263 = arith.constant 2 : i32
        %shift_right_logical3A_264 = arith.shrui %add3A_262, %shift_right_logical3A_263 : i32
        %and3A_265 = arith.constant 3 : i32
        %and3A_266 = arith.andi %add3A_262, %and3A_265 : i32
        %mul3A_267 = arith.constant 8192 : i32
        %mul3A_268 = arith.muli %and3A_266, %mul3A_267 : i32
        %add3A_269 = arith.addi %mul3A_268, %mul3A_2 : i32
        %mul3A_270 = arith.constant 32 : i32
        %mul3A_271 = arith.muli %shift_right_logical3A_264, %mul3A_270 : i32
        %add3A_272 = arith.addi %add3A_269, %mul3A_271 : i32
        %dma_start3A_273 = arith.constant 0 : i32
        %dma_start3A_274 = arith.constant 0 : i32
        %dma_start3A_275 = arith.constant 0 : i32
        %dma_start3A_276 = tpu.memref_slice %arg6[%dma_start3A_273, %dma_start3A_274, %dma_start3A_275] : memref<2x32x768xf32, #tpu.memory_space<vmem>> -> memref<1x32x768xf32, #tpu.memory_space<vmem>>
        %dma_start3A_277 = tpu.memref_squeeze %dma_start3A_276 : memref<1x32x768xf32, #tpu.memory_space<vmem>> -> memref<32x768xf32, #tpu.memory_space<vmem>>
        %dma_start3A_278 = arith.constant 0 : i32
        %dma_start3A_279 = tpu.memref_slice %arg2[%add3A_272, %dma_start3A_278] : memref<32768x768xf32, #tpu.memory_space<hbm>> -> memref<32x768xf32, #tpu.memory_space<hbm>>
        %dma_start3A_280 = arith.constant 0 : i32
        %dma_start3A_281 = arith.constant 0 : i32
        %dma_start3A_282 = tpu.memref_slice %arg6[%dma_start3A_273, %dma_start3A_280, %dma_start3A_281] : memref<2x32x768xf32, #tpu.memory_space<vmem>> -> memref<1x32x768xf32, #tpu.memory_space<vmem>>
        %dma_start3A_283 = tpu.memref_squeeze %dma_start3A_282 : memref<1x32x768xf32, #tpu.memory_space<vmem>> -> memref<32x768xf32, #tpu.memory_space<vmem>>
        %dma_start3A_284 = arith.constant 0 : i32
        %dma_start3A_285 = tpu.memref_slice %arg2[%add3A_272, %dma_start3A_284] : memref<32768x768xf32, #tpu.memory_space<hbm>> -> memref<32x768xf32, #tpu.memory_space<hbm>>
        tpu.enqueue_dma source(%dma_start3A_285 : memref<32x768xf32, #tpu.memory_space<hbm>>) target(%dma_start3A_283 : memref<32x768xf32, #tpu.memory_space<vmem>>) target_semaphore(%arg8 : memref<!tpu.dma_semaphore, #tpu.memory_space<semaphore_mem>>)
      } else {
      }
      %mul3A_185 = arith.constant 2 : i32
      %mul3A_186 = arith.muli %add3A_113, %mul3A_185 : i32
      %add3A_187 = arith.constant 1 : i32
      %add3A_188 = arith.addi %mul3A_186, %add3A_187 : i32
      %shift_right_logical3A_189 = arith.constant 2 : i32
      %shift_right_logical3A_190 = arith.shrui %add3A_188, %shift_right_logical3A_189 : i32
      %and3A_191 = arith.constant 3 : i32
      %and3A_192 = arith.andi %add3A_188, %and3A_191 : i32
      %shift_right_logical3A_193 = arith.constant 2 : i32
      %shift_right_logical3A_194 = arith.shrui %add3A_188, %shift_right_logical3A_193 : i32
      %and3A_195 = arith.constant 3 : i32
      %and3A_196 = arith.andi %add3A_188, %and3A_195 : i32
      %mul3A_197 = arith.constant 8192 : i32
      %mul3A_198 = arith.muli %and3A_196, %mul3A_197 : i32
      %add3A_199 = arith.addi %mul3A_198, %mul3A_2 : i32
      %mul3A_200 = arith.constant 32 : i32
      %mul3A_201 = arith.muli %shift_right_logical3A_194, %mul3A_200 : i32
      %add3A_202 = arith.addi %add3A_199, %mul3A_201 : i32
      %dma_wait3A_203 = arith.constant 1 : i32
      %dma_wait3A_204 = arith.constant 0 : i32
      %dma_wait3A_205 = arith.constant 0 : i32
      %dma_wait3A_206 = tpu.memref_slice %arg6[%dma_wait3A_203, %dma_wait3A_204, %dma_wait3A_205] : memref<2x32x768xf32, #tpu.memory_space<vmem>> -> memref<1x32x768xf32, #tpu.memory_space<vmem>>
      %dma_wait3A_207 = tpu.memref_squeeze %dma_wait3A_206 : memref<1x32x768xf32, #tpu.memory_space<vmem>> -> memref<32x768xf32, #tpu.memory_space<vmem>>
      %dma_wait3A_208 = arith.constant 0 : i32
      %dma_wait3A_209 = tpu.memref_slice %arg2[%add3A_202, %dma_wait3A_208] : memref<32768x768xf32, #tpu.memory_space<hbm>> -> memref<32x768xf32, #tpu.memory_space<hbm>>
      %dma_wait3A_210 = arith.constant 0 : i32
      %dma_wait3A_211 = arith.constant 0 : i32
      %dma_wait3A_212 = tpu.memref_slice %arg6[%dma_wait3A_203, %dma_wait3A_210, %dma_wait3A_211] : memref<2x32x768xf32, #tpu.memory_space<vmem>> -> memref<1x32x768xf32, #tpu.memory_space<vmem>>
      %dma_wait3A_213 = tpu.memref_squeeze %dma_wait3A_212 : memref<1x32x768xf32, #tpu.memory_space<vmem>> -> memref<32x768xf32, #tpu.memory_space<vmem>>
      %dma_wait3A_214 = arith.constant 0 : i32
      %dma_wait3A_215 = tpu.memref_slice %arg2[%add3A_202, %dma_wait3A_214] : memref<32768x768xf32, #tpu.memory_space<hbm>> -> memref<32x768xf32, #tpu.memory_space<hbm>>
      tpu.wait_dma2 semaphore(%arg9 : memref<!tpu.dma_semaphore, #tpu.memory_space<semaphore_mem>>) src(%dma_wait3A_215 : memref<32x768xf32, #tpu.memory_space<hbm>>) dst(%dma_wait3A_213 : memref<32x768xf32, #tpu.memory_space<vmem>>)
      %eq3A_216 = arith.constant 0 : i32
      %eq3A_217 = arith.cmpi eq, %and3A_192, %eq3A_216 : i32
      %convert_element_type3A_218 = arith.extui %eq3A_217 : i1 to i32
      %cond3A_219 = arith.constant 0 : i32
      %cond3A_220 = arith.cmpi ne, %convert_element_type3A_218, %cond3A_219 : i32
      scf.if %cond3A_220 {
        %mul3A_261 = arith.constant 32 : i32
        %mul3A_262 = arith.muli %shift_right_logical3A_190, %mul3A_261 : i32
        %add3A_263 = arith.addi %mul3A_2, %mul3A_262 : i32
        %dma_wait3A_264 = arith.constant 0 : i32
        %dma_wait3A_265 = tpu.memref_slice %arg3[%add3A_263, %dma_wait3A_264] : memref<8192x768xf32, #tpu.memory_space<hbm>> -> memref<32x768xf32, #tpu.memory_space<hbm>>
        %dma_wait3A_266 = arith.constant 0 : i32
        %dma_wait3A_267 = tpu.memref_slice %arg3[%add3A_263, %dma_wait3A_266] : memref<8192x768xf32, #tpu.memory_space<hbm>> -> memref<32x768xf32, #tpu.memory_space<hbm>>
        tpu.wait_dma2 semaphore(%arg10 : memref<!tpu.dma_semaphore, #tpu.memory_space<semaphore_mem>>) src(%dma_wait3A_267 : memref<32x768xf32, #tpu.memory_space<hbm>>) dst(%arg5 : memref<32x768xf32, #tpu.memory_space<vmem>>)
      } else {
      }
      %ge3A_221 = arith.constant 2 : i32
      %ge3A_222 = arith.cmpi sge, %add3A_188, %ge3A_221 : i32
      %convert_element_type3A_223 = arith.extui %ge3A_222 : i1 to i32
      %cond3A_224 = arith.constant 0 : i32
      %cond3A_225 = arith.cmpi ne, %convert_element_type3A_223, %cond3A_224 : i32
      scf.if %cond3A_225 {
        %sub3A = arith.constant 2 : i32
        %sub3A_261 = arith.subi %add3A_188, %sub3A : i32
        %shift_right_logical3A_262 = arith.constant 2 : i32
        %shift_right_logical3A_263 = arith.shrui %sub3A_261, %shift_right_logical3A_262 : i32
        %and3A_264 = arith.constant 3 : i32
        %and3A_265 = arith.andi %sub3A_261, %and3A_264 : i32
        %mul3A_266 = arith.constant 8192 : i32
        %mul3A_267 = arith.muli %and3A_265, %mul3A_266 : i32
        %add3A_268 = arith.addi %mul3A_267, %mul3A_2 : i32
        %mul3A_269 = arith.constant 32 : i32
        %mul3A_270 = arith.muli %shift_right_logical3A_263, %mul3A_269 : i32
        %add3A_271 = arith.addi %add3A_268, %mul3A_270 : i32
        %dma_wait3A_272 = arith.constant 1 : i32
        %dma_wait3A_273 = arith.constant 0 : i32
        %dma_wait3A_274 = arith.constant 0 : i32
        %dma_wait3A_275 = tpu.memref_slice %arg7[%dma_wait3A_272, %dma_wait3A_273, %dma_wait3A_274] : memref<2x32x768xf32, #tpu.memory_space<vmem>> -> memref<1x32x768xf32, #tpu.memory_space<vmem>>
        %dma_wait3A_276 = tpu.memref_squeeze %dma_wait3A_275 : memref<1x32x768xf32, #tpu.memory_space<vmem>> -> memref<32x768xf32, #tpu.memory_space<vmem>>
        %dma_wait3A_277 = arith.constant 0 : i32
        %dma_wait3A_278 = tpu.memref_slice %arg4[%add3A_271, %dma_wait3A_277] : memref<32768x768xf32, #tpu.memory_space<hbm>> -> memref<32x768xf32, #tpu.memory_space<hbm>>
        %dma_wait3A_279 = arith.constant 0 : i32
        %dma_wait3A_280 = tpu.memref_slice %arg4[%add3A_271, %dma_wait3A_279] : memref<32768x768xf32, #tpu.memory_space<hbm>> -> memref<32x768xf32, #tpu.memory_space<hbm>>
        %dma_wait3A_281 = arith.constant 0 : i32
        %dma_wait3A_282 = arith.constant 0 : i32
        %dma_wait3A_283 = tpu.memref_slice %arg7[%dma_wait3A_272, %dma_wait3A_281, %dma_wait3A_282] : memref<2x32x768xf32, #tpu.memory_space<vmem>> -> memref<1x32x768xf32, #tpu.memory_space<vmem>>
        %dma_wait3A_284 = tpu.memref_squeeze %dma_wait3A_283 : memref<1x32x768xf32, #tpu.memory_space<vmem>> -> memref<32x768xf32, #tpu.memory_space<vmem>>
        tpu.wait_dma2 semaphore(%arg12 : memref<!tpu.dma_semaphore, #tpu.memory_space<semaphore_mem>>) src(%dma_wait3A_284 : memref<32x768xf32, #tpu.memory_space<vmem>>) dst(%dma_wait3A_280 : memref<32x768xf32, #tpu.memory_space<hbm>>)
      } else {
      }
      %scan3A_226 = arith.constant 0 : i32
      %scan3A_227 = arith.constant 32 : i32
      %scan3A_228 = arith.addi %scan3A_226, %scan3A_227 : i32
      %scan3A_229 = arith.constant 1 : i32
      scf.for %scan3A_261 = %scan3A_226 to %scan3A_228 step %scan3A_229  : i32 {
        %mul3A_262 = arith.constant 1 : i32
        %mul3A_263 = arith.muli %scan3A_261, %mul3A_262 : i32
        %add3A_264 = arith.constant 0 : i32
        %add3A_265 = arith.addi %add3A_264, %mul3A_263 : i32
        %get3A = arith.constant 1 : i32
        %get3A_266 = arith.index_cast %get3A : i32 to index
        %get3A_267 = arith.index_cast %add3A_265 : i32 to index
        %get3A_268 = arith.constant 0 : index
        %get3A_269 = tpu.vector_load %arg6[%get3A_266, %get3A_267, %get3A_268] {strides = array<i32>} : memref<2x32x768xf32, #tpu.memory_space<vmem>>, vector<1x1x16xf32>,
        %get3A_270 = vector.shape_cast %get3A_269 : vector<1x1x16xf32> to vector<16xf32>
        %get3A_271 = arith.index_cast %add3A_265 : i32 to index
        %get3A_272 = arith.constant 0 : index
        %get3A_273 = tpu.vector_load %arg5[%get3A_271, %get3A_272] {strides = array<i32>} : memref<32x768xf32, #tpu.memory_space<vmem>>, vector<1x16xf32>,
        %get3A_274 = vector.shape_cast %get3A_273 : vector<1x16xf32> to vector<16xf32>
        %add3A_275 = arith.addf %get3A_270, %get3A_274 : vector<16xf32>
        %swap3A = arith.constant 1 : i32
        %swap3A_276 = arith.index_cast %swap3A : i32 to index
        %swap3A_277 = arith.index_cast %add3A_265 : i32 to index
        %swap3A_278 = arith.constant 0 : index
        %swap3A_279 = tpu.vector_load %arg7[%swap3A_276, %swap3A_277, %swap3A_278] {strides = array<i32>} : memref<2x32x768xf32, #tpu.memory_space<vmem>>, vector<1x1x16xf32>,
        %swap3A_280 = vector.shape_cast %swap3A_279 : vector<1x1x16xf32> to vector<16xf32>
        %swap3A_281 = vector.shape_cast %add3A_275 : vector<16xf32> to vector<1x1x16xf32>
        tpu.vector_store %arg7[%swap3A_276, %swap3A_277, %swap3A_278], %swap3A_281 {strides = array<i32>} : memref<2x32x768xf32, #tpu.memory_space<vmem>>, vector<1x1x16xf32>,
        %get3A_282 = arith.constant 1 : i32
        %get3A_283 = arith.index_cast %get3A_282 : i32 to index
        %get3A_284 = arith.index_cast %add3A_265 : i32 to index
        %get3A_285 = arith.constant 16 : index
        %get3A_286 = tpu.vector_load %arg6[%get3A_283, %get3A_284, %get3A_285] {strides = array<i32>} : memref<2x32x768xf32, #tpu.memory_space<vmem>>, vector<1x1x16xf32>,
        %get3A_287 = vector.shape_cast %get3A_286 : vector<1x1x16xf32> to vector<16xf32>
        %get3A_288 = arith.index_cast %add3A_265 : i32 to index
        %get3A_289 = arith.constant 16 : index
        %get3A_290 = tpu.vector_load %arg5[%get3A_288, %get3A_289] {strides = array<i32>} : memref<32x768xf32, #tpu.memory_space<vmem>>, vector<1x16xf32>,
        %get3A_291 = vector.shape_cast %get3A_290 : vector<1x16xf32> to vector<16xf32>
        %add3A_292 = arith.addf %get3A_287, %get3A_291 : vector<16xf32>
        %swap3A_293 = arith.constant 1 : i32
        %swap3A_294 = arith.index_cast %swap3A_293 : i32 to index
        %swap3A_295 = arith.index_cast %add3A_265 : i32 to index
        %swap3A_296 = arith.constant 16 : index
        %swap3A_297 = tpu.vector_load %arg7[%swap3A_294, %swap3A_295, %swap3A_296] {strides = array<i32>} : memref<2x32x768xf32, #tpu.memory_space<vmem>>, vector<1x1x16xf32>,
        %swap3A_298 = vector.shape_cast %swap3A_297 : vector<1x1x16xf32> to vector<16xf32>
        %swap3A_299 = vector.shape_cast %add3A_292 : vector<16xf32> to vector<1x1x16xf32>
        tpu.vector_store %arg7[%swap3A_294, %swap3A_295, %swap3A_296], %swap3A_299 {strides = array<i32>} : memref<2x32x768xf32, #tpu.memory_space<vmem>>, vector<1x1x16xf32>,
        %get3A_300 = arith.constant 1 : i32
        %get3A_301 = arith.index_cast %get3A_300 : i32 to index
        %get3A_302 = arith.index_cast %add3A_265 : i32 to index
        %get3A_303 = arith.constant 32 : index
        %get3A_304 = tpu.vector_load %arg6[%get3A_301, %get3A_302, %get3A_303] {strides = array<i32>} : memref<2x32x768xf32, #tpu.memory_space<vmem>>, vector<1x1x16xf32>,
        %get3A_305 = vector.shape_cast %get3A_304 : vector<1x1x16xf32> to vector<16xf32>
        %get3A_306 = arith.index_cast %add3A_265 : i32 to index
        %get3A_307 = arith.constant 32 : index
        %get3A_308 = tpu.vector_load %arg5[%get3A_306, %get3A_307] {strides = array<i32>} : memref<32x768xf32, #tpu.memory_space<vmem>>, vector<1x16xf32>,
        %get3A_309 = vector.shape_cast %get3A_308 : vector<1x16xf32> to vector<16xf32>
        %add3A_310 = arith.addf %get3A_305, %get3A_309 : vector<16xf32>
        %swap3A_311 = arith.constant 1 : i32
        %swap3A_312 = arith.index_cast %swap3A_311 : i32 to index
        %swap3A_313 = arith.index_cast %add3A_265 : i32 to index
        %swap3A_314 = arith.constant 32 : index
        %swap3A_315 = tpu.vector_load %arg7[%swap3A_312, %swap3A_313, %swap3A_314] {strides = array<i32>} : memref<2x32x768xf32, #tpu.memory_space<vmem>>, vector<1x1x16xf32>,
        %swap3A_316 = vector.shape_cast %swap3A_315 : vector<1x1x16xf32> to vector<16xf32>
        %swap3A_317 = vector.shape_cast %add3A_310 : vector<16xf32> to vector<1x1x16xf32>
        tpu.vector_store %arg7[%swap3A_312, %swap3A_313, %swap3A_314], %swap3A_317 {strides = array<i32>} : memref<2x32x768xf32, #tpu.memory_space<vmem>>, vector<1x1x16xf32>,
        %get3A_318 = arith.constant 1 : i32
        %get3A_319 = arith.index_cast %get3A_318 : i32 to index
        %get3A_320 = arith.index_cast %add3A_265 : i32 to index
        %get3A_321 = arith.constant 48 : index
        %get3A_322 = tpu.vector_load %arg6[%get3A_319, %get3A_320, %get3A_321] {strides = array<i32>} : memref<2x32x768xf32, #tpu.memory_space<vmem>>, vector<1x1x16xf32>,
        %get3A_323 = vector.shape_cast %get3A_322 : vector<1x1x16xf32> to vector<16xf32>
        %get3A_324 = arith.index_cast %add3A_265 : i32 to index
        %get3A_325 = arith.constant 48 : index
        %get3A_326 = tpu.vector_load %arg5[%get3A_324, %get3A_325] {strides = array<i32>} : memref<32x768xf32, #tpu.memory_space<vmem>>, vector<1x16xf32>,
        %get3A_327 = vector.shape_cast %get3A_326 : vector<1x16xf32> to vector<16xf32>
        %add3A_328 = arith.addf %get3A_323, %get3A_327 : vector<16xf32>
        %swap3A_329 = arith.constant 1 : i32
        %swap3A_330 = arith.index_cast %swap3A_329 : i32 to index
        %swap3A_331 = arith.index_cast %add3A_265 : i32 to index
        %swap3A_332 = arith.constant 48 : index
        %swap3A_333 = tpu.vector_load %arg7[%swap3A_330, %swap3A_331, %swap3A_332] {strides = array<i32>} : memref<2x32x768xf32, #tpu.memory_space<vmem>>, vector<1x1x16xf32>,
        %swap3A_334 = vector.shape_cast %swap3A_333 : vector<1x1x16xf32> to vector<16xf32>
        %swap3A_335 = vector.shape_cast %add3A_328 : vector<16xf32> to vector<1x1x16xf32>
        tpu.vector_store %arg7[%swap3A_330, %swap3A_331, %swap3A_332], %swap3A_335 {strides = array<i32>} : memref<2x32x768xf32, #tpu.memory_space<vmem>>, vector<1x1x16xf32>,
        %get3A_336 = arith.constant 1 : i32
        %get3A_337 = arith.index_cast %get3A_336 : i32 to index
        %get3A_338 = arith.index_cast %add3A_265 : i32 to index
        %get3A_339 = arith.constant 64 : index
        %get3A_340 = tpu.vector_load %arg6[%get3A_337, %get3A_338, %get3A_339] {strides = array<i32>} : memref<2x32x768xf32, #tpu.memory_space<vmem>>, vector<1x1x16xf32>,
        %get3A_341 = vector.shape_cast %get3A_340 : vector<1x1x16xf32> to vector<16xf32>
        %get3A_342 = arith.index_cast %add3A_265 : i32 to index
        %get3A_343 = arith.constant 64 : index
        %get3A_344 = tpu.vector_load %arg5[%get3A_342, %get3A_343] {strides = array<i32>} : memref<32x768xf32, #tpu.memory_space<vmem>>, vector<1x16xf32>,
        %get3A_345 = vector.shape_cast %get3A_344 : vector<1x16xf32> to vector<16xf32>
        %add3A_346 = arith.addf %get3A_341, %get3A_345 : vector<16xf32>
        %swap3A_347 = arith.constant 1 : i32
        %swap3A_348 = arith.index_cast %swap3A_347 : i32 to index
        %swap3A_349 = arith.index_cast %add3A_265 : i32 to index
        %swap3A_350 = arith.constant 64 : index
        %swap3A_351 = tpu.vector_load %arg7[%swap3A_348, %swap3A_349, %swap3A_350] {strides = array<i32>} : memref<2x32x768xf32, #tpu.memory_space<vmem>>, vector<1x1x16xf32>,
        %swap3A_352 = vector.shape_cast %swap3A_351 : vector<1x1x16xf32> to vector<16xf32>
        %swap3A_353 = vector.shape_cast %add3A_346 : vector<16xf32> to vector<1x1x16xf32>
        tpu.vector_store %arg7[%swap3A_348, %swap3A_349, %swap3A_350], %swap3A_353 {strides = array<i32>} : memref<2x32x768xf32, #tpu.memory_space<vmem>>, vector<1x1x16xf32>,
        %get3A_354 = arith.constant 1 : i32
        %get3A_355 = arith.index_cast %get3A_354 : i32 to index
        %get3A_356 = arith.index_cast %add3A_265 : i32 to index
        %get3A_357 = arith.constant 80 : index
        %get3A_358 = tpu.vector_load %arg6[%get3A_355, %get3A_356, %get3A_357] {strides = array<i32>} : memref<2x32x768xf32, #tpu.memory_space<vmem>>, vector<1x1x16xf32>,
        %get3A_359 = vector.shape_cast %get3A_358 : vector<1x1x16xf32> to vector<16xf32>
        %get3A_360 = arith.index_cast %add3A_265 : i32 to index
        %get3A_361 = arith.constant 80 : index
        %get3A_362 = tpu.vector_load %arg5[%get3A_360, %get3A_361] {strides = array<i32>} : memref<32x768xf32, #tpu.memory_space<vmem>>, vector<1x16xf32>,
        %get3A_363 = vector.shape_cast %get3A_362 : vector<1x16xf32> to vector<16xf32>
        %add3A_364 = arith.addf %get3A_359, %get3A_363 : vector<16xf32>
        %swap3A_365 = arith.constant 1 : i32
        %swap3A_366 = arith.index_cast %swap3A_365 : i32 to index
        %swap3A_367 = arith.index_cast %add3A_265 : i32 to index
        %swap3A_368 = arith.constant 80 : index
        %swap3A_369 = tpu.vector_load %arg7[%swap3A_366, %swap3A_367, %swap3A_368] {strides = array<i32>} : memref<2x32x768xf32, #tpu.memory_space<vmem>>, vector<1x1x16xf32>,
        %swap3A_370 = vector.shape_cast %swap3A_369 : vector<1x1x16xf32> to vector<16xf32>
        %swap3A_371 = vector.shape_cast %add3A_364 : vector<16xf32> to vector<1x1x16xf32>
        tpu.vector_store %arg7[%swap3A_366, %swap3A_367, %swap3A_368], %swap3A_371 {strides = array<i32>} : memref<2x32x768xf32, #tpu.memory_space<vmem>>, vector<1x1x16xf32>,
        %get3A_372 = arith.constant 1 : i32
        %get3A_373 = arith.index_cast %get3A_372 : i32 to index
        %get3A_374 = arith.index_cast %add3A_265 : i32 to index
        %get3A_375 = arith.constant 96 : index
        %get3A_376 = tpu.vector_load %arg6[%get3A_373, %get3A_374, %get3A_375] {strides = array<i32>} : memref<2x32x768xf32, #tpu.memory_space<vmem>>, vector<1x1x16xf32>,
        %get3A_377 = vector.shape_cast %get3A_376 : vector<1x1x16xf32> to vector<16xf32>
        %get3A_378 = arith.index_cast %add3A_265 : i32 to index
        %get3A_379 = arith.constant 96 : index
        %get3A_380 = tpu.vector_load %arg5[%get3A_378, %get3A_379] {strides = array<i32>} : memref<32x768xf32, #tpu.memory_space<vmem>>, vector<1x16xf32>,
        %get3A_381 = vector.shape_cast %get3A_380 : vector<1x16xf32> to vector<16xf32>
        %add3A_382 = arith.addf %get3A_377, %get3A_381 : vector<16xf32>
        %swap3A_383 = arith.constant 1 : i32
        %swap3A_384 = arith.index_cast %swap3A_383 : i32 to index
        %swap3A_385 = arith.index_cast %add3A_265 : i32 to index
        %swap3A_386 = arith.constant 96 : index
        %swap3A_387 = tpu.vector_load %arg7[%swap3A_384, %swap3A_385, %swap3A_386] {strides = array<i32>} : memref<2x32x768xf32, #tpu.memory_space<vmem>>, vector<1x1x16xf32>,
        %swap3A_388 = vector.shape_cast %swap3A_387 : vector<1x1x16xf32> to vector<16xf32>
        %swap3A_389 = vector.shape_cast %add3A_382 : vector<16xf32> to vector<1x1x16xf32>
        tpu.vector_store %arg7[%swap3A_384, %swap3A_385, %swap3A_386], %swap3A_389 {strides = array<i32>} : memref<2x32x768xf32, #tpu.memory_space<vmem>>, vector<1x1x16xf32>,
        %get3A_390 = arith.constant 1 : i32
        %get3A_391 = arith.index_cast %get3A_390 : i32 to index
        %get3A_392 = arith.index_cast %add3A_265 : i32 to index
        %get3A_393 = arith.constant 112 : index
        %get3A_394 = tpu.vector_load %arg6[%get3A_391, %get3A_392, %get3A_393] {strides = array<i32>} : memref<2x32x768xf32, #tpu.memory_space<vmem>>, vector<1x1x16xf32>,
        %get3A_395 = vector.shape_cast %get3A_394 : vector<1x1x16xf32> to vector<16xf32>
        %get3A_396 = arith.index_cast %add3A_265 : i32 to index
        %get3A_397 = arith.constant 112 : index
        %get3A_398 = tpu.vector_load %arg5[%get3A_396, %get3A_397] {strides = array<i32>} : memref<32x768xf32, #tpu.memory_space<vmem>>, vector<1x16xf32>,
        %get3A_399 = vector.shape_cast %get3A_398 : vector<1x16xf32> to vector<16xf32>
        %add3A_400 = arith.addf %get3A_395, %get3A_399 : vector<16xf32>
        %swap3A_401 = arith.constant 1 : i32
        %swap3A_402 = arith.index_cast %swap3A_401 : i32 to index
        %swap3A_403 = arith.index_cast %add3A_265 : i32 to index
        %swap3A_404 = arith.constant 112 : index
        %swap3A_405 = tpu.vector_load %arg7[%swap3A_402, %swap3A_403, %swap3A_404] {strides = array<i32>} : memref<2x32x768xf32, #tpu.memory_space<vmem>>, vector<1x1x16xf32>,
        %swap3A_406 = vector.shape_cast %swap3A_405 : vector<1x1x16xf32> to vector<16xf32>
        %swap3A_407 = vector.shape_cast %add3A_400 : vector<16xf32> to vector<1x1x16xf32>
        tpu.vector_store %arg7[%swap3A_402, %swap3A_403, %swap3A_404], %swap3A_407 {strides = array<i32>} : memref<2x32x768xf32, #tpu.memory_space<vmem>>, vector<1x1x16xf32>,
        %get3A_408 = arith.constant 1 : i32
        %get3A_409 = arith.index_cast %get3A_408 : i32 to index
        %get3A_410 = arith.index_cast %add3A_265 : i32 to index
        %get3A_411 = arith.constant 128 : index
        %get3A_412 = tpu.vector_load %arg6[%get3A_409, %get3A_410, %get3A_411] {strides = array<i32>} : memref<2x32x768xf32, #tpu.memory_space<vmem>>, vector<1x1x16xf32>,
        %get3A_413 = vector.shape_cast %get3A_412 : vector<1x1x16xf32> to vector<16xf32>
        %get3A_414 = arith.index_cast %add3A_265 : i32 to index
        %get3A_415 = arith.constant 128 : index
        %get3A_416 = tpu.vector_load %arg5[%get3A_414, %get3A_415] {strides = array<i32>} : memref<32x768xf32, #tpu.memory_space<vmem>>, vector<1x16xf32>,
        %get3A_417 = vector.shape_cast %get3A_416 : vector<1x16xf32> to vector<16xf32>
        %add3A_418 = arith.addf %get3A_413, %get3A_417 : vector<16xf32>
        %swap3A_419 = arith.constant 1 : i32
        %swap3A_420 = arith.index_cast %swap3A_419 : i32 to index
        %swap3A_421 = arith.index_cast %add3A_265 : i32 to index
        %swap3A_422 = arith.constant 128 : index
        %swap3A_423 = tpu.vector_load %arg7[%swap3A_420, %swap3A_421, %swap3A_422] {strides = array<i32>} : memref<2x32x768xf32, #tpu.memory_space<vmem>>, vector<1x1x16xf32>,
        %swap3A_424 = vector.shape_cast %swap3A_423 : vector<1x1x16xf32> to vector<16xf32>
        %swap3A_425 = vector.shape_cast %add3A_418 : vector<16xf32> to vector<1x1x16xf32>
        tpu.vector_store %arg7[%swap3A_420, %swap3A_421, %swap3A_422], %swap3A_425 {strides = array<i32>} : memref<2x32x768xf32, #tpu.memory_space<vmem>>, vector<1x1x16xf32>,
        %get3A_426 = arith.constant 1 : i32
        %get3A_427 = arith.index_cast %get3A_426 : i32 to index
        %get3A_428 = arith.index_cast %add3A_265 : i32 to index
        %get3A_429 = arith.constant 144 : index
        %get3A_430 = tpu.vector_load %arg6[%get3A_427, %get3A_428, %get3A_429] {strides = array<i32>} : memref<2x32x768xf32, #tpu.memory_space<vmem>>, vector<1x1x16xf32>,
        %get3A_431 = vector.shape_cast %get3A_430 : vector<1x1x16xf32> to vector<16xf32>
        %get3A_432 = arith.index_cast %add3A_265 : i32 to index
        %get3A_433 = arith.constant 144 : index
        %get3A_434 = tpu.vector_load %arg5[%get3A_432, %get3A_433] {strides = array<i32>} : memref<32x768xf32, #tpu.memory_space<vmem>>, vector<1x16xf32>,
        %get3A_435 = vector.shape_cast %get3A_434 : vector<1x16xf32> to vector<16xf32>
        %add3A_436 = arith.addf %get3A_431, %get3A_435 : vector<16xf32>
        %swap3A_437 = arith.constant 1 : i32
        %swap3A_438 = arith.index_cast %swap3A_437 : i32 to index
        %swap3A_439 = arith.index_cast %add3A_265 : i32 to index
        %swap3A_440 = arith.constant 144 : index
        %swap3A_441 = tpu.vector_load %arg7[%swap3A_438, %swap3A_439, %swap3A_440] {strides = array<i32>} : memref<2x32x768xf32, #tpu.memory_space<vmem>>, vector<1x1x16xf32>,
        %swap3A_442 = vector.shape_cast %swap3A_441 : vector<1x1x16xf32> to vector<16xf32>
        %swap3A_443 = vector.shape_cast %add3A_436 : vector<16xf32> to vector<1x1x16xf32>
        tpu.vector_store %arg7[%swap3A_438, %swap3A_439, %swap3A_440], %swap3A_443 {strides = array<i32>} : memref<2x32x768xf32, #tpu.memory_space<vmem>>, vector<1x1x16xf32>,
        %get3A_444 = arith.constant 1 : i32
        %get3A_445 = arith.index_cast %get3A_444 : i32 to index
        %get3A_446 = arith.index_cast %add3A_265 : i32 to index
        %get3A_447 = arith.constant 160 : index
        %get3A_448 = tpu.vector_load %arg6[%get3A_445, %get3A_446, %get3A_447] {strides = array<i32>} : memref<2x32x768xf32, #tpu.memory_space<vmem>>, vector<1x1x16xf32>,
        %get3A_449 = vector.shape_cast %get3A_448 : vector<1x1x16xf32> to vector<16xf32>
        %get3A_450 = arith.index_cast %add3A_265 : i32 to index
        %get3A_451 = arith.constant 160 : index
        %get3A_452 = tpu.vector_load %arg5[%get3A_450, %get3A_451] {strides = array<i32>} : memref<32x768xf32, #tpu.memory_space<vmem>>, vector<1x16xf32>,
        %get3A_453 = vector.shape_cast %get3A_452 : vector<1x16xf32> to vector<16xf32>
        %add3A_454 = arith.addf %get3A_449, %get3A_453 : vector<16xf32>
        %swap3A_455 = arith.constant 1 : i32
        %swap3A_456 = arith.index_cast %swap3A_455 : i32 to index
        %swap3A_457 = arith.index_cast %add3A_265 : i32 to index
        %swap3A_458 = arith.constant 160 : index
        %swap3A_459 = tpu.vector_load %arg7[%swap3A_456, %swap3A_457, %swap3A_458] {strides = array<i32>} : memref<2x32x768xf32, #tpu.memory_space<vmem>>, vector<1x1x16xf32>,
        %swap3A_460 = vector.shape_cast %swap3A_459 : vector<1x1x16xf32> to vector<16xf32>
        %swap3A_461 = vector.shape_cast %add3A_454 : vector<16xf32> to vector<1x1x16xf32>
        tpu.vector_store %arg7[%swap3A_456, %swap3A_457, %swap3A_458], %swap3A_461 {strides = array<i32>} : memref<2x32x768xf32, #tpu.memory_space<vmem>>, vector<1x1x16xf32>,
        %get3A_462 = arith.constant 1 : i32
        %get3A_463 = arith.index_cast %get3A_462 : i32 to index
        %get3A_464 = arith.index_cast %add3A_265 : i32 to index
        %get3A_465 = arith.constant 176 : index
        %get3A_466 = tpu.vector_load %arg6[%get3A_463, %get3A_464, %get3A_465] {strides = array<i32>} : memref<2x32x768xf32, #tpu.memory_space<vmem>>, vector<1x1x16xf32>,
        %get3A_467 = vector.shape_cast %get3A_466 : vector<1x1x16xf32> to vector<16xf32>
        %get3A_468 = arith.index_cast %add3A_265 : i32 to index
        %get3A_469 = arith.constant 176 : index
        %get3A_470 = tpu.vector_load %arg5[%get3A_468, %get3A_469] {strides = array<i32>} : memref<32x768xf32, #tpu.memory_space<vmem>>, vector<1x16xf32>,
        %get3A_471 = vector.shape_cast %get3A_470 : vector<1x16xf32> to vector<16xf32>
        %add3A_472 = arith.addf %get3A_467, %get3A_471 : vector<16xf32>
        %swap3A_473 = arith.constant 1 : i32
        %swap3A_474 = arith.index_cast %swap3A_473 : i32 to index
        %swap3A_475 = arith.index_cast %add3A_265 : i32 to index
        %swap3A_476 = arith.constant 176 : index
        %swap3A_477 = tpu.vector_load %arg7[%swap3A_474, %swap3A_475, %swap3A_476] {strides = array<i32>} : memref<2x32x768xf32, #tpu.memory_space<vmem>>, vector<1x1x16xf32>,
        %swap3A_478 = vector.shape_cast %swap3A_477 : vector<1x1x16xf32> to vector<16xf32>
        %swap3A_479 = vector.shape_cast %add3A_472 : vector<16xf32> to vector<1x1x16xf32>
        tpu.vector_store %arg7[%swap3A_474, %swap3A_475, %swap3A_476], %swap3A_479 {strides = array<i32>} : memref<2x32x768xf32, #tpu.memory_space<vmem>>, vector<1x1x16xf32>,
        %get3A_480 = arith.constant 1 : i32
        %get3A_481 = arith.index_cast %get3A_480 : i32 to index
        %get3A_482 = arith.index_cast %add3A_265 : i32 to index
        %get3A_483 = arith.constant 192 : index
        %get3A_484 = tpu.vector_load %arg6[%get3A_481, %get3A_482, %get3A_483] {strides = array<i32>} : memref<2x32x768xf32, #tpu.memory_space<vmem>>, vector<1x1x16xf32>,
        %get3A_485 = vector.shape_cast %get3A_484 : vector<1x1x16xf32> to vector<16xf32>
        %get3A_486 = arith.index_cast %add3A_265 : i32 to index
        %get3A_487 = arith.constant 192 : index
        %get3A_488 = tpu.vector_load %arg5[%get3A_486, %get3A_487] {strides = array<i32>} : memref<32x768xf32, #tpu.memory_space<vmem>>, vector<1x16xf32>,
        %get3A_489 = vector.shape_cast %get3A_488 : vector<1x16xf32> to vector<16xf32>
        %add3A_490 = arith.addf %get3A_485, %get3A_489 : vector<16xf32>
        %swap3A_491 = arith.constant 1 : i32
        %swap3A_492 = arith.index_cast %swap3A_491 : i32 to index
        %swap3A_493 = arith.index_cast %add3A_265 : i32 to index
        %swap3A_494 = arith.constant 192 : index
        %swap3A_495 = tpu.vector_load %arg7[%swap3A_492, %swap3A_493, %swap3A_494] {strides = array<i32>} : memref<2x32x768xf32, #tpu.memory_space<vmem>>, vector<1x1x16xf32>,
        %swap3A_496 = vector.shape_cast %swap3A_495 : vector<1x1x16xf32> to vector<16xf32>
        %swap3A_497 = vector.shape_cast %add3A_490 : vector<16xf32> to vector<1x1x16xf32>
        tpu.vector_store %arg7[%swap3A_492, %swap3A_493, %swap3A_494], %swap3A_497 {strides = array<i32>} : memref<2x32x768xf32, #tpu.memory_space<vmem>>, vector<1x1x16xf32>,
        %get3A_498 = arith.constant 1 : i32
        %get3A_499 = arith.index_cast %get3A_498 : i32 to index
        %get3A_500 = arith.index_cast %add3A_265 : i32 to index
        %get3A_501 = arith.constant 208 : index
        %get3A_502 = tpu.vector_load %arg6[%get3A_499, %get3A_500, %get3A_501] {strides = array<i32>} : memref<2x32x768xf32, #tpu.memory_space<vmem>>, vector<1x1x16xf32>,
        %get3A_503 = vector.shape_cast %get3A_502 : vector<1x1x16xf32> to vector<16xf32>
        %get3A_504 = arith.index_cast %add3A_265 : i32 to index
        %get3A_505 = arith.constant 208 : index
        %get3A_506 = tpu.vector_load %arg5[%get3A_504, %get3A_505] {strides = array<i32>} : memref<32x768xf32, #tpu.memory_space<vmem>>, vector<1x16xf32>,
        %get3A_507 = vector.shape_cast %get3A_506 : vector<1x16xf32> to vector<16xf32>
        %add3A_508 = arith.addf %get3A_503, %get3A_507 : vector<16xf32>
        %swap3A_509 = arith.constant 1 : i32
        %swap3A_510 = arith.index_cast %swap3A_509 : i32 to index
        %swap3A_511 = arith.index_cast %add3A_265 : i32 to index
        %swap3A_512 = arith.constant 208 : index
        %swap3A_513 = tpu.vector_load %arg7[%swap3A_510, %swap3A_511, %swap3A_512] {strides = array<i32>} : memref<2x32x768xf32, #tpu.memory_space<vmem>>, vector<1x1x16xf32>,
        %swap3A_514 = vector.shape_cast %swap3A_513 : vector<1x1x16xf32> to vector<16xf32>
        %swap3A_515 = vector.shape_cast %add3A_508 : vector<16xf32> to vector<1x1x16xf32>
        tpu.vector_store %arg7[%swap3A_510, %swap3A_511, %swap3A_512], %swap3A_515 {strides = array<i32>} : memref<2x32x768xf32, #tpu.memory_space<vmem>>, vector<1x1x16xf32>,
        %get3A_516 = arith.constant 1 : i32
        %get3A_517 = arith.index_cast %get3A_516 : i32 to index
        %get3A_518 = arith.index_cast %add3A_265 : i32 to index
        %get3A_519 = arith.constant 224 : index
        %get3A_520 = tpu.vector_load %arg6[%get3A_517, %get3A_518, %get3A_519] {strides = array<i32>} : memref<2x32x768xf32, #tpu.memory_space<vmem>>, vector<1x1x16xf32>,
        %get3A_521 = vector.shape_cast %get3A_520 : vector<1x1x16xf32> to vector<16xf32>
        %get3A_522 = arith.index_cast %add3A_265 : i32 to index
        %get3A_523 = arith.constant 224 : index
        %get3A_524 = tpu.vector_load %arg5[%get3A_522, %get3A_523] {strides = array<i32>} : memref<32x768xf32, #tpu.memory_space<vmem>>, vector<1x16xf32>,
        %get3A_525 = vector.shape_cast %get3A_524 : vector<1x16xf32> to vector<16xf32>
        %add3A_526 = arith.addf %get3A_521, %get3A_525 : vector<16xf32>
        %swap3A_527 = arith.constant 1 : i32
        %swap3A_528 = arith.index_cast %swap3A_527 : i32 to index
        %swap3A_529 = arith.index_cast %add3A_265 : i32 to index
        %swap3A_530 = arith.constant 224 : index
        %swap3A_531 = tpu.vector_load %arg7[%swap3A_528, %swap3A_529, %swap3A_530] {strides = array<i32>} : memref<2x32x768xf32, #tpu.memory_space<vmem>>, vector<1x1x16xf32>,
        %swap3A_532 = vector.shape_cast %swap3A_531 : vector<1x1x16xf32> to vector<16xf32>
        %swap3A_533 = vector.shape_cast %add3A_526 : vector<16xf32> to vector<1x1x16xf32>
        tpu.vector_store %arg7[%swap3A_528, %swap3A_529, %swap3A_530], %swap3A_533 {strides = array<i32>} : memref<2x32x768xf32, #tpu.memory_space<vmem>>, vector<1x1x16xf32>,
        %get3A_534 = arith.constant 1 : i32
        %get3A_535 = arith.index_cast %get3A_534 : i32 to index
        %get3A_536 = arith.index_cast %add3A_265 : i32 to index
        %get3A_537 = arith.constant 240 : index
        %get3A_538 = tpu.vector_load %arg6[%get3A_535, %get3A_536, %get3A_537] {strides = array<i32>} : memref<2x32x768xf32, #tpu.memory_space<vmem>>, vector<1x1x16xf32>,
        %get3A_539 = vector.shape_cast %get3A_538 : vector<1x1x16xf32> to vector<16xf32>
        %get3A_540 = arith.index_cast %add3A_265 : i32 to index
        %get3A_541 = arith.constant 240 : index
        %get3A_542 = tpu.vector_load %arg5[%get3A_540, %get3A_541] {strides = array<i32>} : memref<32x768xf32, #tpu.memory_space<vmem>>, vector<1x16xf32>,
        %get3A_543 = vector.shape_cast %get3A_542 : vector<1x16xf32> to vector<16xf32>
        %add3A_544 = arith.addf %get3A_539, %get3A_543 : vector<16xf32>
        %swap3A_545 = arith.constant 1 : i32
        %swap3A_546 = arith.index_cast %swap3A_545 : i32 to index
        %swap3A_547 = arith.index_cast %add3A_265 : i32 to index
        %swap3A_548 = arith.constant 240 : index
        %swap3A_549 = tpu.vector_load %arg7[%swap3A_546, %swap3A_547, %swap3A_548] {strides = array<i32>} : memref<2x32x768xf32, #tpu.memory_space<vmem>>, vector<1x1x16xf32>,
        %swap3A_550 = vector.shape_cast %swap3A_549 : vector<1x1x16xf32> to vector<16xf32>
        %swap3A_551 = vector.shape_cast %add3A_544 : vector<16xf32> to vector<1x1x16xf32>
        tpu.vector_store %arg7[%swap3A_546, %swap3A_547, %swap3A_548], %swap3A_551 {strides = array<i32>} : memref<2x32x768xf32, #tpu.memory_space<vmem>>, vector<1x1x16xf32>,
        %get3A_552 = arith.constant 1 : i32
        %get3A_553 = arith.index_cast %get3A_552 : i32 to index
        %get3A_554 = arith.index_cast %add3A_265 : i32 to index
        %get3A_555 = arith.constant 256 : index
        %get3A_556 = tpu.vector_load %arg6[%get3A_553, %get3A_554, %get3A_555] {strides = array<i32>} : memref<2x32x768xf32, #tpu.memory_space<vmem>>, vector<1x1x16xf32>,
        %get3A_557 = vector.shape_cast %get3A_556 : vector<1x1x16xf32> to vector<16xf32>
        %get3A_558 = arith.index_cast %add3A_265 : i32 to index
        %get3A_559 = arith.constant 256 : index
        %get3A_560 = tpu.vector_load %arg5[%get3A_558, %get3A_559] {strides = array<i32>} : memref<32x768xf32, #tpu.memory_space<vmem>>, vector<1x16xf32>,
        %get3A_561 = vector.shape_cast %get3A_560 : vector<1x16xf32> to vector<16xf32>
        %add3A_562 = arith.addf %get3A_557, %get3A_561 : vector<16xf32>
        %swap3A_563 = arith.constant 1 : i32
        %swap3A_564 = arith.index_cast %swap3A_563 : i32 to index
        %swap3A_565 = arith.index_cast %add3A_265 : i32 to index
        %swap3A_566 = arith.constant 256 : index
        %swap3A_567 = tpu.vector_load %arg7[%swap3A_564, %swap3A_565, %swap3A_566] {strides = array<i32>} : memref<2x32x768xf32, #tpu.memory_space<vmem>>, vector<1x1x16xf32>,
        %swap3A_568 = vector.shape_cast %swap3A_567 : vector<1x1x16xf32> to vector<16xf32>
        %swap3A_569 = vector.shape_cast %add3A_562 : vector<16xf32> to vector<1x1x16xf32>
        tpu.vector_store %arg7[%swap3A_564, %swap3A_565, %swap3A_566], %swap3A_569 {strides = array<i32>} : memref<2x32x768xf32, #tpu.memory_space<vmem>>, vector<1x1x16xf32>,
        %get3A_570 = arith.constant 1 : i32
        %get3A_571 = arith.index_cast %get3A_570 : i32 to index
        %get3A_572 = arith.index_cast %add3A_265 : i32 to index
        %get3A_573 = arith.constant 272 : index
        %get3A_574 = tpu.vector_load %arg6[%get3A_571, %get3A_572, %get3A_573] {strides = array<i32>} : memref<2x32x768xf32, #tpu.memory_space<vmem>>, vector<1x1x16xf32>,
        %get3A_575 = vector.shape_cast %get3A_574 : vector<1x1x16xf32> to vector<16xf32>
        %get3A_576 = arith.index_cast %add3A_265 : i32 to index
        %get3A_577 = arith.constant 272 : index
        %get3A_578 = tpu.vector_load %arg5[%get3A_576, %get3A_577] {strides = array<i32>} : memref<32x768xf32, #tpu.memory_space<vmem>>, vector<1x16xf32>,
        %get3A_579 = vector.shape_cast %get3A_578 : vector<1x16xf32> to vector<16xf32>
        %add3A_580 = arith.addf %get3A_575, %get3A_579 : vector<16xf32>
        %swap3A_581 = arith.constant 1 : i32
        %swap3A_582 = arith.index_cast %swap3A_581 : i32 to index
        %swap3A_583 = arith.index_cast %add3A_265 : i32 to index
        %swap3A_584 = arith.constant 272 : index
        %swap3A_585 = tpu.vector_load %arg7[%swap3A_582, %swap3A_583, %swap3A_584] {strides = array<i32>} : memref<2x32x768xf32, #tpu.memory_space<vmem>>, vector<1x1x16xf32>,
        %swap3A_586 = vector.shape_cast %swap3A_585 : vector<1x1x16xf32> to vector<16xf32>
        %swap3A_587 = vector.shape_cast %add3A_580 : vector<16xf32> to vector<1x1x16xf32>
        tpu.vector_store %arg7[%swap3A_582, %swap3A_583, %swap3A_584], %swap3A_587 {strides = array<i32>} : memref<2x32x768xf32, #tpu.memory_space<vmem>>, vector<1x1x16xf32>,
        %get3A_588 = arith.constant 1 : i32
        %get3A_589 = arith.index_cast %get3A_588 : i32 to index
        %get3A_590 = arith.index_cast %add3A_265 : i32 to index
        %get3A_591 = arith.constant 288 : index
        %get3A_592 = tpu.vector_load %arg6[%get3A_589, %get3A_590, %get3A_591] {strides = array<i32>} : memref<2x32x768xf32, #tpu.memory_space<vmem>>, vector<1x1x16xf32>,
        %get3A_593 = vector.shape_cast %get3A_592 : vector<1x1x16xf32> to vector<16xf32>
        %get3A_594 = arith.index_cast %add3A_265 : i32 to index
        %get3A_595 = arith.constant 288 : index
        %get3A_596 = tpu.vector_load %arg5[%get3A_594, %get3A_595] {strides = array<i32>} : memref<32x768xf32, #tpu.memory_space<vmem>>, vector<1x16xf32>,
        %get3A_597 = vector.shape_cast %get3A_596 : vector<1x16xf32> to vector<16xf32>
        %add3A_598 = arith.addf %get3A_593, %get3A_597 : vector<16xf32>
        %swap3A_599 = arith.constant 1 : i32
        %swap3A_600 = arith.index_cast %swap3A_599 : i32 to index
        %swap3A_601 = arith.index_cast %add3A_265 : i32 to index
        %swap3A_602 = arith.constant 288 : index
        %swap3A_603 = tpu.vector_load %arg7[%swap3A_600, %swap3A_601, %swap3A_602] {strides = array<i32>} : memref<2x32x768xf32, #tpu.memory_space<vmem>>, vector<1x1x16xf32>,
        %swap3A_604 = vector.shape_cast %swap3A_603 : vector<1x1x16xf32> to vector<16xf32>
        %swap3A_605 = vector.shape_cast %add3A_598 : vector<16xf32> to vector<1x1x16xf32>
        tpu.vector_store %arg7[%swap3A_600, %swap3A_601, %swap3A_602], %swap3A_605 {strides = array<i32>} : memref<2x32x768xf32, #tpu.memory_space<vmem>>, vector<1x1x16xf32>,
        %get3A_606 = arith.constant 1 : i32
        %get3A_607 = arith.index_cast %get3A_606 : i32 to index
        %get3A_608 = arith.index_cast %add3A_265 : i32 to index
        %get3A_609 = arith.constant 304 : index
        %get3A_610 = tpu.vector_load %arg6[%get3A_607, %get3A_608, %get3A_609] {strides = array<i32>} : memref<2x32x768xf32, #tpu.memory_space<vmem>>, vector<1x1x16xf32>,
        %get3A_611 = vector.shape_cast %get3A_610 : vector<1x1x16xf32> to vector<16xf32>
        %get3A_612 = arith.index_cast %add3A_265 : i32 to index
        %get3A_613 = arith.constant 304 : index
        %get3A_614 = tpu.vector_load %arg5[%get3A_612, %get3A_613] {strides = array<i32>} : memref<32x768xf32, #tpu.memory_space<vmem>>, vector<1x16xf32>,
        %get3A_615 = vector.shape_cast %get3A_614 : vector<1x16xf32> to vector<16xf32>
        %add3A_616 = arith.addf %get3A_611, %get3A_615 : vector<16xf32>
        %swap3A_617 = arith.constant 1 : i32
        %swap3A_618 = arith.index_cast %swap3A_617 : i32 to index
        %swap3A_619 = arith.index_cast %add3A_265 : i32 to index
        %swap3A_620 = arith.constant 304 : index
        %swap3A_621 = tpu.vector_load %arg7[%swap3A_618, %swap3A_619, %swap3A_620] {strides = array<i32>} : memref<2x32x768xf32, #tpu.memory_space<vmem>>, vector<1x1x16xf32>,
        %swap3A_622 = vector.shape_cast %swap3A_621 : vector<1x1x16xf32> to vector<16xf32>
        %swap3A_623 = vector.shape_cast %add3A_616 : vector<16xf32> to vector<1x1x16xf32>
        tpu.vector_store %arg7[%swap3A_618, %swap3A_619, %swap3A_620], %swap3A_623 {strides = array<i32>} : memref<2x32x768xf32, #tpu.memory_space<vmem>>, vector<1x1x16xf32>,
        %get3A_624 = arith.constant 1 : i32
        %get3A_625 = arith.index_cast %get3A_624 : i32 to index
        %get3A_626 = arith.index_cast %add3A_265 : i32 to index
        %get3A_627 = arith.constant 320 : index
        %get3A_628 = tpu.vector_load %arg6[%get3A_625, %get3A_626, %get3A_627] {strides = array<i32>} : memref<2x32x768xf32, #tpu.memory_space<vmem>>, vector<1x1x16xf32>,
        %get3A_629 = vector.shape_cast %get3A_628 : vector<1x1x16xf32> to vector<16xf32>
        %get3A_630 = arith.index_cast %add3A_265 : i32 to index
        %get3A_631 = arith.constant 320 : index
        %get3A_632 = tpu.vector_load %arg5[%get3A_630, %get3A_631] {strides = array<i32>} : memref<32x768xf32, #tpu.memory_space<vmem>>, vector<1x16xf32>,
        %get3A_633 = vector.shape_cast %get3A_632 : vector<1x16xf32> to vector<16xf32>
        %add3A_634 = arith.addf %get3A_629, %get3A_633 : vector<16xf32>
        %swap3A_635 = arith.constant 1 : i32
        %swap3A_636 = arith.index_cast %swap3A_635 : i32 to index
        %swap3A_637 = arith.index_cast %add3A_265 : i32 to index
        %swap3A_638 = arith.constant 320 : index
        %swap3A_639 = tpu.vector_load %arg7[%swap3A_636, %swap3A_637, %swap3A_638] {strides = array<i32>} : memref<2x32x768xf32, #tpu.memory_space<vmem>>, vector<1x1x16xf32>,
        %swap3A_640 = vector.shape_cast %swap3A_639 : vector<1x1x16xf32> to vector<16xf32>
        %swap3A_641 = vector.shape_cast %add3A_634 : vector<16xf32> to vector<1x1x16xf32>
        tpu.vector_store %arg7[%swap3A_636, %swap3A_637, %swap3A_638], %swap3A_641 {strides = array<i32>} : memref<2x32x768xf32, #tpu.memory_space<vmem>>, vector<1x1x16xf32>,
        %get3A_642 = arith.constant 1 : i32
        %get3A_643 = arith.index_cast %get3A_642 : i32 to index
        %get3A_644 = arith.index_cast %add3A_265 : i32 to index
        %get3A_645 = arith.constant 336 : index
        %get3A_646 = tpu.vector_load %arg6[%get3A_643, %get3A_644, %get3A_645] {strides = array<i32>} : memref<2x32x768xf32, #tpu.memory_space<vmem>>, vector<1x1x16xf32>,
        %get3A_647 = vector.shape_cast %get3A_646 : vector<1x1x16xf32> to vector<16xf32>
        %get3A_648 = arith.index_cast %add3A_265 : i32 to index
        %get3A_649 = arith.constant 336 : index
        %get3A_650 = tpu.vector_load %arg5[%get3A_648, %get3A_649] {strides = array<i32>} : memref<32x768xf32, #tpu.memory_space<vmem>>, vector<1x16xf32>,
        %get3A_651 = vector.shape_cast %get3A_650 : vector<1x16xf32> to vector<16xf32>
        %add3A_652 = arith.addf %get3A_647, %get3A_651 : vector<16xf32>
        %swap3A_653 = arith.constant 1 : i32
        %swap3A_654 = arith.index_cast %swap3A_653 : i32 to index
        %swap3A_655 = arith.index_cast %add3A_265 : i32 to index
        %swap3A_656 = arith.constant 336 : index
        %swap3A_657 = tpu.vector_load %arg7[%swap3A_654, %swap3A_655, %swap3A_656] {strides = array<i32>} : memref<2x32x768xf32, #tpu.memory_space<vmem>>, vector<1x1x16xf32>,
        %swap3A_658 = vector.shape_cast %swap3A_657 : vector<1x1x16xf32> to vector<16xf32>
        %swap3A_659 = vector.shape_cast %add3A_652 : vector<16xf32> to vector<1x1x16xf32>
        tpu.vector_store %arg7[%swap3A_654, %swap3A_655, %swap3A_656], %swap3A_659 {strides = array<i32>} : memref<2x32x768xf32, #tpu.memory_space<vmem>>, vector<1x1x16xf32>,
        %get3A_660 = arith.constant 1 : i32
        %get3A_661 = arith.index_cast %get3A_660 : i32 to index
        %get3A_662 = arith.index_cast %add3A_265 : i32 to index
        %get3A_663 = arith.constant 352 : index
        %get3A_664 = tpu.vector_load %arg6[%get3A_661, %get3A_662, %get3A_663] {strides = array<i32>} : memref<2x32x768xf32, #tpu.memory_space<vmem>>, vector<1x1x16xf32>,
        %get3A_665 = vector.shape_cast %get3A_664 : vector<1x1x16xf32> to vector<16xf32>
        %get3A_666 = arith.index_cast %add3A_265 : i32 to index
        %get3A_667 = arith.constant 352 : index
        %get3A_668 = tpu.vector_load %arg5[%get3A_666, %get3A_667] {strides = array<i32>} : memref<32x768xf32, #tpu.memory_space<vmem>>, vector<1x16xf32>,
        %get3A_669 = vector.shape_cast %get3A_668 : vector<1x16xf32> to vector<16xf32>
        %add3A_670 = arith.addf %get3A_665, %get3A_669 : vector<16xf32>
        %swap3A_671 = arith.constant 1 : i32
        %swap3A_672 = arith.index_cast %swap3A_671 : i32 to index
        %swap3A_673 = arith.index_cast %add3A_265 : i32 to index
        %swap3A_674 = arith.constant 352 : index
        %swap3A_675 = tpu.vector_load %arg7[%swap3A_672, %swap3A_673, %swap3A_674] {strides = array<i32>} : memref<2x32x768xf32, #tpu.memory_space<vmem>>, vector<1x1x16xf32>,
        %swap3A_676 = vector.shape_cast %swap3A_675 : vector<1x1x16xf32> to vector<16xf32>
        %swap3A_677 = vector.shape_cast %add3A_670 : vector<16xf32> to vector<1x1x16xf32>
        tpu.vector_store %arg7[%swap3A_672, %swap3A_673, %swap3A_674], %swap3A_677 {strides = array<i32>} : memref<2x32x768xf32, #tpu.memory_space<vmem>>, vector<1x1x16xf32>,
        %get3A_678 = arith.constant 1 : i32
        %get3A_679 = arith.index_cast %get3A_678 : i32 to index
        %get3A_680 = arith.index_cast %add3A_265 : i32 to index
        %get3A_681 = arith.constant 368 : index
        %get3A_682 = tpu.vector_load %arg6[%get3A_679, %get3A_680, %get3A_681] {strides = array<i32>} : memref<2x32x768xf32, #tpu.memory_space<vmem>>, vector<1x1x16xf32>,
        %get3A_683 = vector.shape_cast %get3A_682 : vector<1x1x16xf32> to vector<16xf32>
        %get3A_684 = arith.index_cast %add3A_265 : i32 to index
        %get3A_685 = arith.constant 368 : index
        %get3A_686 = tpu.vector_load %arg5[%get3A_684, %get3A_685] {strides = array<i32>} : memref<32x768xf32, #tpu.memory_space<vmem>>, vector<1x16xf32>,
        %get3A_687 = vector.shape_cast %get3A_686 : vector<1x16xf32> to vector<16xf32>
        %add3A_688 = arith.addf %get3A_683, %get3A_687 : vector<16xf32>
        %swap3A_689 = arith.constant 1 : i32
        %swap3A_690 = arith.index_cast %swap3A_689 : i32 to index
        %swap3A_691 = arith.index_cast %add3A_265 : i32 to index
        %swap3A_692 = arith.constant 368 : index
        %swap3A_693 = tpu.vector_load %arg7[%swap3A_690, %swap3A_691, %swap3A_692] {strides = array<i32>} : memref<2x32x768xf32, #tpu.memory_space<vmem>>, vector<1x1x16xf32>,
        %swap3A_694 = vector.shape_cast %swap3A_693 : vector<1x1x16xf32> to vector<16xf32>
        %swap3A_695 = vector.shape_cast %add3A_688 : vector<16xf32> to vector<1x1x16xf32>
        tpu.vector_store %arg7[%swap3A_690, %swap3A_691, %swap3A_692], %swap3A_695 {strides = array<i32>} : memref<2x32x768xf32, #tpu.memory_space<vmem>>, vector<1x1x16xf32>,
        %get3A_696 = arith.constant 1 : i32
        %get3A_697 = arith.index_cast %get3A_696 : i32 to index
        %get3A_698 = arith.index_cast %add3A_265 : i32 to index
        %get3A_699 = arith.constant 384 : index
        %get3A_700 = tpu.vector_load %arg6[%get3A_697, %get3A_698, %get3A_699] {strides = array<i32>} : memref<2x32x768xf32, #tpu.memory_space<vmem>>, vector<1x1x16xf32>,
        %get3A_701 = vector.shape_cast %get3A_700 : vector<1x1x16xf32> to vector<16xf32>
        %get3A_702 = arith.index_cast %add3A_265 : i32 to index
        %get3A_703 = arith.constant 384 : index
        %get3A_704 = tpu.vector_load %arg5[%get3A_702, %get3A_703] {strides = array<i32>} : memref<32x768xf32, #tpu.memory_space<vmem>>, vector<1x16xf32>,
        %get3A_705 = vector.shape_cast %get3A_704 : vector<1x16xf32> to vector<16xf32>
        %add3A_706 = arith.addf %get3A_701, %get3A_705 : vector<16xf32>
        %swap3A_707 = arith.constant 1 : i32
        %swap3A_708 = arith.index_cast %swap3A_707 : i32 to index
        %swap3A_709 = arith.index_cast %add3A_265 : i32 to index
        %swap3A_710 = arith.constant 384 : index
        %swap3A_711 = tpu.vector_load %arg7[%swap3A_708, %swap3A_709, %swap3A_710] {strides = array<i32>} : memref<2x32x768xf32, #tpu.memory_space<vmem>>, vector<1x1x16xf32>,
        %swap3A_712 = vector.shape_cast %swap3A_711 : vector<1x1x16xf32> to vector<16xf32>
        %swap3A_713 = vector.shape_cast %add3A_706 : vector<16xf32> to vector<1x1x16xf32>
        tpu.vector_store %arg7[%swap3A_708, %swap3A_709, %swap3A_710], %swap3A_713 {strides = array<i32>} : memref<2x32x768xf32, #tpu.memory_space<vmem>>, vector<1x1x16xf32>,
        %get3A_714 = arith.constant 1 : i32
        %get3A_715 = arith.index_cast %get3A_714 : i32 to index
        %get3A_716 = arith.index_cast %add3A_265 : i32 to index
        %get3A_717 = arith.constant 400 : index
        %get3A_718 = tpu.vector_load %arg6[%get3A_715, %get3A_716, %get3A_717] {strides = array<i32>} : memref<2x32x768xf32, #tpu.memory_space<vmem>>, vector<1x1x16xf32>,
        %get3A_719 = vector.shape_cast %get3A_718 : vector<1x1x16xf32> to vector<16xf32>
        %get3A_720 = arith.index_cast %add3A_265 : i32 to index
        %get3A_721 = arith.constant 400 : index
        %get3A_722 = tpu.vector_load %arg5[%get3A_720, %get3A_721] {strides = array<i32>} : memref<32x768xf32, #tpu.memory_space<vmem>>, vector<1x16xf32>,
        %get3A_723 = vector.shape_cast %get3A_722 : vector<1x16xf32> to vector<16xf32>
        %add3A_724 = arith.addf %get3A_719, %get3A_723 : vector<16xf32>
        %swap3A_725 = arith.constant 1 : i32
        %swap3A_726 = arith.index_cast %swap3A_725 : i32 to index
        %swap3A_727 = arith.index_cast %add3A_265 : i32 to index
        %swap3A_728 = arith.constant 400 : index
        %swap3A_729 = tpu.vector_load %arg7[%swap3A_726, %swap3A_727, %swap3A_728] {strides = array<i32>} : memref<2x32x768xf32, #tpu.memory_space<vmem>>, vector<1x1x16xf32>,
        %swap3A_730 = vector.shape_cast %swap3A_729 : vector<1x1x16xf32> to vector<16xf32>
        %swap3A_731 = vector.shape_cast %add3A_724 : vector<16xf32> to vector<1x1x16xf32>
        tpu.vector_store %arg7[%swap3A_726, %swap3A_727, %swap3A_728], %swap3A_731 {strides = array<i32>} : memref<2x32x768xf32, #tpu.memory_space<vmem>>, vector<1x1x16xf32>,
        %get3A_732 = arith.constant 1 : i32
        %get3A_733 = arith.index_cast %get3A_732 : i32 to index
        %get3A_734 = arith.index_cast %add3A_265 : i32 to index
        %get3A_735 = arith.constant 416 : index
        %get3A_736 = tpu.vector_load %arg6[%get3A_733, %get3A_734, %get3A_735] {strides = array<i32>} : memref<2x32x768xf32, #tpu.memory_space<vmem>>, vector<1x1x16xf32>,
        %get3A_737 = vector.shape_cast %get3A_736 : vector<1x1x16xf32> to vector<16xf32>
        %get3A_738 = arith.index_cast %add3A_265 : i32 to index
        %get3A_739 = arith.constant 416 : index
        %get3A_740 = tpu.vector_load %arg5[%get3A_738, %get3A_739] {strides = array<i32>} : memref<32x768xf32, #tpu.memory_space<vmem>>, vector<1x16xf32>,
        %get3A_741 = vector.shape_cast %get3A_740 : vector<1x16xf32> to vector<16xf32>
        %add3A_742 = arith.addf %get3A_737, %get3A_741 : vector<16xf32>
        %swap3A_743 = arith.constant 1 : i32
        %swap3A_744 = arith.index_cast %swap3A_743 : i32 to index
        %swap3A_745 = arith.index_cast %add3A_265 : i32 to index
        %swap3A_746 = arith.constant 416 : index
        %swap3A_747 = tpu.vector_load %arg7[%swap3A_744, %swap3A_745, %swap3A_746] {strides = array<i32>} : memref<2x32x768xf32, #tpu.memory_space<vmem>>, vector<1x1x16xf32>,
        %swap3A_748 = vector.shape_cast %swap3A_747 : vector<1x1x16xf32> to vector<16xf32>
        %swap3A_749 = vector.shape_cast %add3A_742 : vector<16xf32> to vector<1x1x16xf32>
        tpu.vector_store %arg7[%swap3A_744, %swap3A_745, %swap3A_746], %swap3A_749 {strides = array<i32>} : memref<2x32x768xf32, #tpu.memory_space<vmem>>, vector<1x1x16xf32>,
        %get3A_750 = arith.constant 1 : i32
        %get3A_751 = arith.index_cast %get3A_750 : i32 to index
        %get3A_752 = arith.index_cast %add3A_265 : i32 to index
        %get3A_753 = arith.constant 432 : index
        %get3A_754 = tpu.vector_load %arg6[%get3A_751, %get3A_752, %get3A_753] {strides = array<i32>} : memref<2x32x768xf32, #tpu.memory_space<vmem>>, vector<1x1x16xf32>,
        %get3A_755 = vector.shape_cast %get3A_754 : vector<1x1x16xf32> to vector<16xf32>
        %get3A_756 = arith.index_cast %add3A_265 : i32 to index
        %get3A_757 = arith.constant 432 : index
        %get3A_758 = tpu.vector_load %arg5[%get3A_756, %get3A_757] {strides = array<i32>} : memref<32x768xf32, #tpu.memory_space<vmem>>, vector<1x16xf32>,
        %get3A_759 = vector.shape_cast %get3A_758 : vector<1x16xf32> to vector<16xf32>
        %add3A_760 = arith.addf %get3A_755, %get3A_759 : vector<16xf32>
        %swap3A_761 = arith.constant 1 : i32
        %swap3A_762 = arith.index_cast %swap3A_761 : i32 to index
        %swap3A_763 = arith.index_cast %add3A_265 : i32 to index
        %swap3A_764 = arith.constant 432 : index
        %swap3A_765 = tpu.vector_load %arg7[%swap3A_762, %swap3A_763, %swap3A_764] {strides = array<i32>} : memref<2x32x768xf32, #tpu.memory_space<vmem>>, vector<1x1x16xf32>,
        %swap3A_766 = vector.shape_cast %swap3A_765 : vector<1x1x16xf32> to vector<16xf32>
        %swap3A_767 = vector.shape_cast %add3A_760 : vector<16xf32> to vector<1x1x16xf32>
        tpu.vector_store %arg7[%swap3A_762, %swap3A_763, %swap3A_764], %swap3A_767 {strides = array<i32>} : memref<2x32x768xf32, #tpu.memory_space<vmem>>, vector<1x1x16xf32>,
        %get3A_768 = arith.constant 1 : i32
        %get3A_769 = arith.index_cast %get3A_768 : i32 to index
        %get3A_770 = arith.index_cast %add3A_265 : i32 to index
        %get3A_771 = arith.constant 448 : index
        %get3A_772 = tpu.vector_load %arg6[%get3A_769, %get3A_770, %get3A_771] {strides = array<i32>} : memref<2x32x768xf32, #tpu.memory_space<vmem>>, vector<1x1x16xf32>,
        %get3A_773 = vector.shape_cast %get3A_772 : vector<1x1x16xf32> to vector<16xf32>
        %get3A_774 = arith.index_cast %add3A_265 : i32 to index
        %get3A_775 = arith.constant 448 : index
        %get3A_776 = tpu.vector_load %arg5[%get3A_774, %get3A_775] {strides = array<i32>} : memref<32x768xf32, #tpu.memory_space<vmem>>, vector<1x16xf32>,
        %get3A_777 = vector.shape_cast %get3A_776 : vector<1x16xf32> to vector<16xf32>
        %add3A_778 = arith.addf %get3A_773, %get3A_777 : vector<16xf32>
        %swap3A_779 = arith.constant 1 : i32
        %swap3A_780 = arith.index_cast %swap3A_779 : i32 to index
        %swap3A_781 = arith.index_cast %add3A_265 : i32 to index
        %swap3A_782 = arith.constant 448 : index
        %swap3A_783 = tpu.vector_load %arg7[%swap3A_780, %swap3A_781, %swap3A_782] {strides = array<i32>} : memref<2x32x768xf32, #tpu.memory_space<vmem>>, vector<1x1x16xf32>,
        %swap3A_784 = vector.shape_cast %swap3A_783 : vector<1x1x16xf32> to vector<16xf32>
        %swap3A_785 = vector.shape_cast %add3A_778 : vector<16xf32> to vector<1x1x16xf32>
        tpu.vector_store %arg7[%swap3A_780, %swap3A_781, %swap3A_782], %swap3A_785 {strides = array<i32>} : memref<2x32x768xf32, #tpu.memory_space<vmem>>, vector<1x1x16xf32>,
        %get3A_786 = arith.constant 1 : i32
        %get3A_787 = arith.index_cast %get3A_786 : i32 to index
        %get3A_788 = arith.index_cast %add3A_265 : i32 to index
        %get3A_789 = arith.constant 464 : index
        %get3A_790 = tpu.vector_load %arg6[%get3A_787, %get3A_788, %get3A_789] {strides = array<i32>} : memref<2x32x768xf32, #tpu.memory_space<vmem>>, vector<1x1x16xf32>,
        %get3A_791 = vector.shape_cast %get3A_790 : vector<1x1x16xf32> to vector<16xf32>
        %get3A_792 = arith.index_cast %add3A_265 : i32 to index
        %get3A_793 = arith.constant 464 : index
        %get3A_794 = tpu.vector_load %arg5[%get3A_792, %get3A_793] {strides = array<i32>} : memref<32x768xf32, #tpu.memory_space<vmem>>, vector<1x16xf32>,
        %get3A_795 = vector.shape_cast %get3A_794 : vector<1x16xf32> to vector<16xf32>
        %add3A_796 = arith.addf %get3A_791, %get3A_795 : vector<16xf32>
        %swap3A_797 = arith.constant 1 : i32
        %swap3A_798 = arith.index_cast %swap3A_797 : i32 to index
        %swap3A_799 = arith.index_cast %add3A_265 : i32 to index
        %swap3A_800 = arith.constant 464 : index
        %swap3A_801 = tpu.vector_load %arg7[%swap3A_798, %swap3A_799, %swap3A_800] {strides = array<i32>} : memref<2x32x768xf32, #tpu.memory_space<vmem>>, vector<1x1x16xf32>,
        %swap3A_802 = vector.shape_cast %swap3A_801 : vector<1x1x16xf32> to vector<16xf32>
        %swap3A_803 = vector.shape_cast %add3A_796 : vector<16xf32> to vector<1x1x16xf32>
        tpu.vector_store %arg7[%swap3A_798, %swap3A_799, %swap3A_800], %swap3A_803 {strides = array<i32>} : memref<2x32x768xf32, #tpu.memory_space<vmem>>, vector<1x1x16xf32>,
        %get3A_804 = arith.constant 1 : i32
        %get3A_805 = arith.index_cast %get3A_804 : i32 to index
        %get3A_806 = arith.index_cast %add3A_265 : i32 to index
        %get3A_807 = arith.constant 480 : index
        %get3A_808 = tpu.vector_load %arg6[%get3A_805, %get3A_806, %get3A_807] {strides = array<i32>} : memref<2x32x768xf32, #tpu.memory_space<vmem>>, vector<1x1x16xf32>,
        %get3A_809 = vector.shape_cast %get3A_808 : vector<1x1x16xf32> to vector<16xf32>
        %get3A_810 = arith.index_cast %add3A_265 : i32 to index
        %get3A_811 = arith.constant 480 : index
        %get3A_812 = tpu.vector_load %arg5[%get3A_810, %get3A_811] {strides = array<i32>} : memref<32x768xf32, #tpu.memory_space<vmem>>, vector<1x16xf32>,
        %get3A_813 = vector.shape_cast %get3A_812 : vector<1x16xf32> to vector<16xf32>
        %add3A_814 = arith.addf %get3A_809, %get3A_813 : vector<16xf32>
        %swap3A_815 = arith.constant 1 : i32
        %swap3A_816 = arith.index_cast %swap3A_815 : i32 to index
        %swap3A_817 = arith.index_cast %add3A_265 : i32 to index
        %swap3A_818 = arith.constant 480 : index
        %swap3A_819 = tpu.vector_load %arg7[%swap3A_816, %swap3A_817, %swap3A_818] {strides = array<i32>} : memref<2x32x768xf32, #tpu.memory_space<vmem>>, vector<1x1x16xf32>,
        %swap3A_820 = vector.shape_cast %swap3A_819 : vector<1x1x16xf32> to vector<16xf32>
        %swap3A_821 = vector.shape_cast %add3A_814 : vector<16xf32> to vector<1x1x16xf32>
        tpu.vector_store %arg7[%swap3A_816, %swap3A_817, %swap3A_818], %swap3A_821 {strides = array<i32>} : memref<2x32x768xf32, #tpu.memory_space<vmem>>, vector<1x1x16xf32>,
        %get3A_822 = arith.constant 1 : i32
        %get3A_823 = arith.index_cast %get3A_822 : i32 to index
        %get3A_824 = arith.index_cast %add3A_265 : i32 to index
        %get3A_825 = arith.constant 496 : index
        %get3A_826 = tpu.vector_load %arg6[%get3A_823, %get3A_824, %get3A_825] {strides = array<i32>} : memref<2x32x768xf32, #tpu.memory_space<vmem>>, vector<1x1x16xf32>,
        %get3A_827 = vector.shape_cast %get3A_826 : vector<1x1x16xf32> to vector<16xf32>
        %get3A_828 = arith.index_cast %add3A_265 : i32 to index
        %get3A_829 = arith.constant 496 : index
        %get3A_830 = tpu.vector_load %arg5[%get3A_828, %get3A_829] {strides = array<i32>} : memref<32x768xf32, #tpu.memory_space<vmem>>, vector<1x16xf32>,
        %get3A_831 = vector.shape_cast %get3A_830 : vector<1x16xf32> to vector<16xf32>
        %add3A_832 = arith.addf %get3A_827, %get3A_831 : vector<16xf32>
        %swap3A_833 = arith.constant 1 : i32
        %swap3A_834 = arith.index_cast %swap3A_833 : i32 to index
        %swap3A_835 = arith.index_cast %add3A_265 : i32 to index
        %swap3A_836 = arith.constant 496 : index
        %swap3A_837 = tpu.vector_load %arg7[%swap3A_834, %swap3A_835, %swap3A_836] {strides = array<i32>} : memref<2x32x768xf32, #tpu.memory_space<vmem>>, vector<1x1x16xf32>,
        %swap3A_838 = vector.shape_cast %swap3A_837 : vector<1x1x16xf32> to vector<16xf32>
        %swap3A_839 = vector.shape_cast %add3A_832 : vector<16xf32> to vector<1x1x16xf32>
        tpu.vector_store %arg7[%swap3A_834, %swap3A_835, %swap3A_836], %swap3A_839 {strides = array<i32>} : memref<2x32x768xf32, #tpu.memory_space<vmem>>, vector<1x1x16xf32>,
        %get3A_840 = arith.constant 1 : i32
        %get3A_841 = arith.index_cast %get3A_840 : i32 to index
        %get3A_842 = arith.index_cast %add3A_265 : i32 to index
        %get3A_843 = arith.constant 512 : index
        %get3A_844 = tpu.vector_load %arg6[%get3A_841, %get3A_842, %get3A_843] {strides = array<i32>} : memref<2x32x768xf32, #tpu.memory_space<vmem>>, vector<1x1x16xf32>,
        %get3A_845 = vector.shape_cast %get3A_844 : vector<1x1x16xf32> to vector<16xf32>
        %get3A_846 = arith.index_cast %add3A_265 : i32 to index
        %get3A_847 = arith.constant 512 : index
        %get3A_848 = tpu.vector_load %arg5[%get3A_846, %get3A_847] {strides = array<i32>} : memref<32x768xf32, #tpu.memory_space<vmem>>, vector<1x16xf32>,
        %get3A_849 = vector.shape_cast %get3A_848 : vector<1x16xf32> to vector<16xf32>
        %add3A_850 = arith.addf %get3A_845, %get3A_849 : vector<16xf32>
        %swap3A_851 = arith.constant 1 : i32
        %swap3A_852 = arith.index_cast %swap3A_851 : i32 to index
        %swap3A_853 = arith.index_cast %add3A_265 : i32 to index
        %swap3A_854 = arith.constant 512 : index
        %swap3A_855 = tpu.vector_load %arg7[%swap3A_852, %swap3A_853, %swap3A_854] {strides = array<i32>} : memref<2x32x768xf32, #tpu.memory_space<vmem>>, vector<1x1x16xf32>,
        %swap3A_856 = vector.shape_cast %swap3A_855 : vector<1x1x16xf32> to vector<16xf32>
        %swap3A_857 = vector.shape_cast %add3A_850 : vector<16xf32> to vector<1x1x16xf32>
        tpu.vector_store %arg7[%swap3A_852, %swap3A_853, %swap3A_854], %swap3A_857 {strides = array<i32>} : memref<2x32x768xf32, #tpu.memory_space<vmem>>, vector<1x1x16xf32>,
        %get3A_858 = arith.constant 1 : i32
        %get3A_859 = arith.index_cast %get3A_858 : i32 to index
        %get3A_860 = arith.index_cast %add3A_265 : i32 to index
        %get3A_861 = arith.constant 528 : index
        %get3A_862 = tpu.vector_load %arg6[%get3A_859, %get3A_860, %get3A_861] {strides = array<i32>} : memref<2x32x768xf32, #tpu.memory_space<vmem>>, vector<1x1x16xf32>,
        %get3A_863 = vector.shape_cast %get3A_862 : vector<1x1x16xf32> to vector<16xf32>
        %get3A_864 = arith.index_cast %add3A_265 : i32 to index
        %get3A_865 = arith.constant 528 : index
        %get3A_866 = tpu.vector_load %arg5[%get3A_864, %get3A_865] {strides = array<i32>} : memref<32x768xf32, #tpu.memory_space<vmem>>, vector<1x16xf32>,
        %get3A_867 = vector.shape_cast %get3A_866 : vector<1x16xf32> to vector<16xf32>
        %add3A_868 = arith.addf %get3A_863, %get3A_867 : vector<16xf32>
        %swap3A_869 = arith.constant 1 : i32
        %swap3A_870 = arith.index_cast %swap3A_869 : i32 to index
        %swap3A_871 = arith.index_cast %add3A_265 : i32 to index
        %swap3A_872 = arith.constant 528 : index
        %swap3A_873 = tpu.vector_load %arg7[%swap3A_870, %swap3A_871, %swap3A_872] {strides = array<i32>} : memref<2x32x768xf32, #tpu.memory_space<vmem>>, vector<1x1x16xf32>,
        %swap3A_874 = vector.shape_cast %swap3A_873 : vector<1x1x16xf32> to vector<16xf32>
        %swap3A_875 = vector.shape_cast %add3A_868 : vector<16xf32> to vector<1x1x16xf32>
        tpu.vector_store %arg7[%swap3A_870, %swap3A_871, %swap3A_872], %swap3A_875 {strides = array<i32>} : memref<2x32x768xf32, #tpu.memory_space<vmem>>, vector<1x1x16xf32>,
        %get3A_876 = arith.constant 1 : i32
        %get3A_877 = arith.index_cast %get3A_876 : i32 to index
        %get3A_878 = arith.index_cast %add3A_265 : i32 to index
        %get3A_879 = arith.constant 544 : index
        %get3A_880 = tpu.vector_load %arg6[%get3A_877, %get3A_878, %get3A_879] {strides = array<i32>} : memref<2x32x768xf32, #tpu.memory_space<vmem>>, vector<1x1x16xf32>,
        %get3A_881 = vector.shape_cast %get3A_880 : vector<1x1x16xf32> to vector<16xf32>
        %get3A_882 = arith.index_cast %add3A_265 : i32 to index
        %get3A_883 = arith.constant 544 : index
        %get3A_884 = tpu.vector_load %arg5[%get3A_882, %get3A_883] {strides = array<i32>} : memref<32x768xf32, #tpu.memory_space<vmem>>, vector<1x16xf32>,
        %get3A_885 = vector.shape_cast %get3A_884 : vector<1x16xf32> to vector<16xf32>
        %add3A_886 = arith.addf %get3A_881, %get3A_885 : vector<16xf32>
        %swap3A_887 = arith.constant 1 : i32
        %swap3A_888 = arith.index_cast %swap3A_887 : i32 to index
        %swap3A_889 = arith.index_cast %add3A_265 : i32 to index
        %swap3A_890 = arith.constant 544 : index
        %swap3A_891 = tpu.vector_load %arg7[%swap3A_888, %swap3A_889, %swap3A_890] {strides = array<i32>} : memref<2x32x768xf32, #tpu.memory_space<vmem>>, vector<1x1x16xf32>,
        %swap3A_892 = vector.shape_cast %swap3A_891 : vector<1x1x16xf32> to vector<16xf32>
        %swap3A_893 = vector.shape_cast %add3A_886 : vector<16xf32> to vector<1x1x16xf32>
        tpu.vector_store %arg7[%swap3A_888, %swap3A_889, %swap3A_890], %swap3A_893 {strides = array<i32>} : memref<2x32x768xf32, #tpu.memory_space<vmem>>, vector<1x1x16xf32>,
        %get3A_894 = arith.constant 1 : i32
        %get3A_895 = arith.index_cast %get3A_894 : i32 to index
        %get3A_896 = arith.index_cast %add3A_265 : i32 to index
        %get3A_897 = arith.constant 560 : index
        %get3A_898 = tpu.vector_load %arg6[%get3A_895, %get3A_896, %get3A_897] {strides = array<i32>} : memref<2x32x768xf32, #tpu.memory_space<vmem>>, vector<1x1x16xf32>,
        %get3A_899 = vector.shape_cast %get3A_898 : vector<1x1x16xf32> to vector<16xf32>
        %get3A_900 = arith.index_cast %add3A_265 : i32 to index
        %get3A_901 = arith.constant 560 : index
        %get3A_902 = tpu.vector_load %arg5[%get3A_900, %get3A_901] {strides = array<i32>} : memref<32x768xf32, #tpu.memory_space<vmem>>, vector<1x16xf32>,
        %get3A_903 = vector.shape_cast %get3A_902 : vector<1x16xf32> to vector<16xf32>
        %add3A_904 = arith.addf %get3A_899, %get3A_903 : vector<16xf32>
        %swap3A_905 = arith.constant 1 : i32
        %swap3A_906 = arith.index_cast %swap3A_905 : i32 to index
        %swap3A_907 = arith.index_cast %add3A_265 : i32 to index
        %swap3A_908 = arith.constant 560 : index
        %swap3A_909 = tpu.vector_load %arg7[%swap3A_906, %swap3A_907, %swap3A_908] {strides = array<i32>} : memref<2x32x768xf32, #tpu.memory_space<vmem>>, vector<1x1x16xf32>,
        %swap3A_910 = vector.shape_cast %swap3A_909 : vector<1x1x16xf32> to vector<16xf32>
        %swap3A_911 = vector.shape_cast %add3A_904 : vector<16xf32> to vector<1x1x16xf32>
        tpu.vector_store %arg7[%swap3A_906, %swap3A_907, %swap3A_908], %swap3A_911 {strides = array<i32>} : memref<2x32x768xf32, #tpu.memory_space<vmem>>, vector<1x1x16xf32>,
        %get3A_912 = arith.constant 1 : i32
        %get3A_913 = arith.index_cast %get3A_912 : i32 to index
        %get3A_914 = arith.index_cast %add3A_265 : i32 to index
        %get3A_915 = arith.constant 576 : index
        %get3A_916 = tpu.vector_load %arg6[%get3A_913, %get3A_914, %get3A_915] {strides = array<i32>} : memref<2x32x768xf32, #tpu.memory_space<vmem>>, vector<1x1x16xf32>,
        %get3A_917 = vector.shape_cast %get3A_916 : vector<1x1x16xf32> to vector<16xf32>
        %get3A_918 = arith.index_cast %add3A_265 : i32 to index
        %get3A_919 = arith.constant 576 : index
        %get3A_920 = tpu.vector_load %arg5[%get3A_918, %get3A_919] {strides = array<i32>} : memref<32x768xf32, #tpu.memory_space<vmem>>, vector<1x16xf32>,
        %get3A_921 = vector.shape_cast %get3A_920 : vector<1x16xf32> to vector<16xf32>
        %add3A_922 = arith.addf %get3A_917, %get3A_921 : vector<16xf32>
        %swap3A_923 = arith.constant 1 : i32
        %swap3A_924 = arith.index_cast %swap3A_923 : i32 to index
        %swap3A_925 = arith.index_cast %add3A_265 : i32 to index
        %swap3A_926 = arith.constant 576 : index
        %swap3A_927 = tpu.vector_load %arg7[%swap3A_924, %swap3A_925, %swap3A_926] {strides = array<i32>} : memref<2x32x768xf32, #tpu.memory_space<vmem>>, vector<1x1x16xf32>,
        %swap3A_928 = vector.shape_cast %swap3A_927 : vector<1x1x16xf32> to vector<16xf32>
        %swap3A_929 = vector.shape_cast %add3A_922 : vector<16xf32> to vector<1x1x16xf32>
        tpu.vector_store %arg7[%swap3A_924, %swap3A_925, %swap3A_926], %swap3A_929 {strides = array<i32>} : memref<2x32x768xf32, #tpu.memory_space<vmem>>, vector<1x1x16xf32>,
        %get3A_930 = arith.constant 1 : i32
        %get3A_931 = arith.index_cast %get3A_930 : i32 to index
        %get3A_932 = arith.index_cast %add3A_265 : i32 to index
        %get3A_933 = arith.constant 592 : index
        %get3A_934 = tpu.vector_load %arg6[%get3A_931, %get3A_932, %get3A_933] {strides = array<i32>} : memref<2x32x768xf32, #tpu.memory_space<vmem>>, vector<1x1x16xf32>,
        %get3A_935 = vector.shape_cast %get3A_934 : vector<1x1x16xf32> to vector<16xf32>
        %get3A_936 = arith.index_cast %add3A_265 : i32 to index
        %get3A_937 = arith.constant 592 : index
        %get3A_938 = tpu.vector_load %arg5[%get3A_936, %get3A_937] {strides = array<i32>} : memref<32x768xf32, #tpu.memory_space<vmem>>, vector<1x16xf32>,
        %get3A_939 = vector.shape_cast %get3A_938 : vector<1x16xf32> to vector<16xf32>
        %add3A_940 = arith.addf %get3A_935, %get3A_939 : vector<16xf32>
        %swap3A_941 = arith.constant 1 : i32
        %swap3A_942 = arith.index_cast %swap3A_941 : i32 to index
        %swap3A_943 = arith.index_cast %add3A_265 : i32 to index
        %swap3A_944 = arith.constant 592 : index
        %swap3A_945 = tpu.vector_load %arg7[%swap3A_942, %swap3A_943, %swap3A_944] {strides = array<i32>} : memref<2x32x768xf32, #tpu.memory_space<vmem>>, vector<1x1x16xf32>,
        %swap3A_946 = vector.shape_cast %swap3A_945 : vector<1x1x16xf32> to vector<16xf32>
        %swap3A_947 = vector.shape_cast %add3A_940 : vector<16xf32> to vector<1x1x16xf32>
        tpu.vector_store %arg7[%swap3A_942, %swap3A_943, %swap3A_944], %swap3A_947 {strides = array<i32>} : memref<2x32x768xf32, #tpu.memory_space<vmem>>, vector<1x1x16xf32>,
        %get3A_948 = arith.constant 1 : i32
        %get3A_949 = arith.index_cast %get3A_948 : i32 to index
        %get3A_950 = arith.index_cast %add3A_265 : i32 to index
        %get3A_951 = arith.constant 608 : index
        %get3A_952 = tpu.vector_load %arg6[%get3A_949, %get3A_950, %get3A_951] {strides = array<i32>} : memref<2x32x768xf32, #tpu.memory_space<vmem>>, vector<1x1x16xf32>,
        %get3A_953 = vector.shape_cast %get3A_952 : vector<1x1x16xf32> to vector<16xf32>
        %get3A_954 = arith.index_cast %add3A_265 : i32 to index
        %get3A_955 = arith.constant 608 : index
        %get3A_956 = tpu.vector_load %arg5[%get3A_954, %get3A_955] {strides = array<i32>} : memref<32x768xf32, #tpu.memory_space<vmem>>, vector<1x16xf32>,
        %get3A_957 = vector.shape_cast %get3A_956 : vector<1x16xf32> to vector<16xf32>
        %add3A_958 = arith.addf %get3A_953, %get3A_957 : vector<16xf32>
        %swap3A_959 = arith.constant 1 : i32
        %swap3A_960 = arith.index_cast %swap3A_959 : i32 to index
        %swap3A_961 = arith.index_cast %add3A_265 : i32 to index
        %swap3A_962 = arith.constant 608 : index
        %swap3A_963 = tpu.vector_load %arg7[%swap3A_960, %swap3A_961, %swap3A_962] {strides = array<i32>} : memref<2x32x768xf32, #tpu.memory_space<vmem>>, vector<1x1x16xf32>,
        %swap3A_964 = vector.shape_cast %swap3A_963 : vector<1x1x16xf32> to vector<16xf32>
        %swap3A_965 = vector.shape_cast %add3A_958 : vector<16xf32> to vector<1x1x16xf32>
        tpu.vector_store %arg7[%swap3A_960, %swap3A_961, %swap3A_962], %swap3A_965 {strides = array<i32>} : memref<2x32x768xf32, #tpu.memory_space<vmem>>, vector<1x1x16xf32>,
        %get3A_966 = arith.constant 1 : i32
        %get3A_967 = arith.index_cast %get3A_966 : i32 to index
        %get3A_968 = arith.index_cast %add3A_265 : i32 to index
        %get3A_969 = arith.constant 624 : index
        %get3A_970 = tpu.vector_load %arg6[%get3A_967, %get3A_968, %get3A_969] {strides = array<i32>} : memref<2x32x768xf32, #tpu.memory_space<vmem>>, vector<1x1x16xf32>,
        %get3A_971 = vector.shape_cast %get3A_970 : vector<1x1x16xf32> to vector<16xf32>
        %get3A_972 = arith.index_cast %add3A_265 : i32 to index
        %get3A_973 = arith.constant 624 : index
        %get3A_974 = tpu.vector_load %arg5[%get3A_972, %get3A_973] {strides = array<i32>} : memref<32x768xf32, #tpu.memory_space<vmem>>, vector<1x16xf32>,
        %get3A_975 = vector.shape_cast %get3A_974 : vector<1x16xf32> to vector<16xf32>
        %add3A_976 = arith.addf %get3A_971, %get3A_975 : vector<16xf32>
        %swap3A_977 = arith.constant 1 : i32
        %swap3A_978 = arith.index_cast %swap3A_977 : i32 to index
        %swap3A_979 = arith.index_cast %add3A_265 : i32 to index
        %swap3A_980 = arith.constant 624 : index
        %swap3A_981 = tpu.vector_load %arg7[%swap3A_978, %swap3A_979, %swap3A_980] {strides = array<i32>} : memref<2x32x768xf32, #tpu.memory_space<vmem>>, vector<1x1x16xf32>,
        %swap3A_982 = vector.shape_cast %swap3A_981 : vector<1x1x16xf32> to vector<16xf32>
        %swap3A_983 = vector.shape_cast %add3A_976 : vector<16xf32> to vector<1x1x16xf32>
        tpu.vector_store %arg7[%swap3A_978, %swap3A_979, %swap3A_980], %swap3A_983 {strides = array<i32>} : memref<2x32x768xf32, #tpu.memory_space<vmem>>, vector<1x1x16xf32>,
        %get3A_984 = arith.constant 1 : i32
        %get3A_985 = arith.index_cast %get3A_984 : i32 to index
        %get3A_986 = arith.index_cast %add3A_265 : i32 to index
        %get3A_987 = arith.constant 640 : index
        %get3A_988 = tpu.vector_load %arg6[%get3A_985, %get3A_986, %get3A_987] {strides = array<i32>} : memref<2x32x768xf32, #tpu.memory_space<vmem>>, vector<1x1x16xf32>,
        %get3A_989 = vector.shape_cast %get3A_988 : vector<1x1x16xf32> to vector<16xf32>
        %get3A_990 = arith.index_cast %add3A_265 : i32 to index
        %get3A_991 = arith.constant 640 : index
        %get3A_992 = tpu.vector_load %arg5[%get3A_990, %get3A_991] {strides = array<i32>} : memref<32x768xf32, #tpu.memory_space<vmem>>, vector<1x16xf32>,
        %get3A_993 = vector.shape_cast %get3A_992 : vector<1x16xf32> to vector<16xf32>
        %add3A_994 = arith.addf %get3A_989, %get3A_993 : vector<16xf32>
        %swap3A_995 = arith.constant 1 : i32
        %swap3A_996 = arith.index_cast %swap3A_995 : i32 to index
        %swap3A_997 = arith.index_cast %add3A_265 : i32 to index
        %swap3A_998 = arith.constant 640 : index
        %swap3A_999 = tpu.vector_load %arg7[%swap3A_996, %swap3A_997, %swap3A_998] {strides = array<i32>} : memref<2x32x768xf32, #tpu.memory_space<vmem>>, vector<1x1x16xf32>,
        %swap3A_1000 = vector.shape_cast %swap3A_999 : vector<1x1x16xf32> to vector<16xf32>
        %swap3A_1001 = vector.shape_cast %add3A_994 : vector<16xf32> to vector<1x1x16xf32>
        tpu.vector_store %arg7[%swap3A_996, %swap3A_997, %swap3A_998], %swap3A_1001 {strides = array<i32>} : memref<2x32x768xf32, #tpu.memory_space<vmem>>, vector<1x1x16xf32>,
        %get3A_1002 = arith.constant 1 : i32
        %get3A_1003 = arith.index_cast %get3A_1002 : i32 to index
        %get3A_1004 = arith.index_cast %add3A_265 : i32 to index
        %get3A_1005 = arith.constant 656 : index
        %get3A_1006 = tpu.vector_load %arg6[%get3A_1003, %get3A_1004, %get3A_1005] {strides = array<i32>} : memref<2x32x768xf32, #tpu.memory_space<vmem>>, vector<1x1x16xf32>,
        %get3A_1007 = vector.shape_cast %get3A_1006 : vector<1x1x16xf32> to vector<16xf32>
        %get3A_1008 = arith.index_cast %add3A_265 : i32 to index
        %get3A_1009 = arith.constant 656 : index
        %get3A_1010 = tpu.vector_load %arg5[%get3A_1008, %get3A_1009] {strides = array<i32>} : memref<32x768xf32, #tpu.memory_space<vmem>>, vector<1x16xf32>,
        %get3A_1011 = vector.shape_cast %get3A_1010 : vector<1x16xf32> to vector<16xf32>
        %add3A_1012 = arith.addf %get3A_1007, %get3A_1011 : vector<16xf32>
        %swap3A_1013 = arith.constant 1 : i32
        %swap3A_1014 = arith.index_cast %swap3A_1013 : i32 to index
        %swap3A_1015 = arith.index_cast %add3A_265 : i32 to index
        %swap3A_1016 = arith.constant 656 : index
        %swap3A_1017 = tpu.vector_load %arg7[%swap3A_1014, %swap3A_1015, %swap3A_1016] {strides = array<i32>} : memref<2x32x768xf32, #tpu.memory_space<vmem>>, vector<1x1x16xf32>,
        %swap3A_1018 = vector.shape_cast %swap3A_1017 : vector<1x1x16xf32> to vector<16xf32>
        %swap3A_1019 = vector.shape_cast %add3A_1012 : vector<16xf32> to vector<1x1x16xf32>
        tpu.vector_store %arg7[%swap3A_1014, %swap3A_1015, %swap3A_1016], %swap3A_1019 {strides = array<i32>} : memref<2x32x768xf32, #tpu.memory_space<vmem>>, vector<1x1x16xf32>,
        %get3A_1020 = arith.constant 1 : i32
        %get3A_1021 = arith.index_cast %get3A_1020 : i32 to index
        %get3A_1022 = arith.index_cast %add3A_265 : i32 to index
        %get3A_1023 = arith.constant 672 : index
        %get3A_1024 = tpu.vector_load %arg6[%get3A_1021, %get3A_1022, %get3A_1023] {strides = array<i32>} : memref<2x32x768xf32, #tpu.memory_space<vmem>>, vector<1x1x16xf32>,
        %get3A_1025 = vector.shape_cast %get3A_1024 : vector<1x1x16xf32> to vector<16xf32>
        %get3A_1026 = arith.index_cast %add3A_265 : i32 to index
        %get3A_1027 = arith.constant 672 : index
        %get3A_1028 = tpu.vector_load %arg5[%get3A_1026, %get3A_1027] {strides = array<i32>} : memref<32x768xf32, #tpu.memory_space<vmem>>, vector<1x16xf32>,
        %get3A_1029 = vector.shape_cast %get3A_1028 : vector<1x16xf32> to vector<16xf32>
        %add3A_1030 = arith.addf %get3A_1025, %get3A_1029 : vector<16xf32>
        %swap3A_1031 = arith.constant 1 : i32
        %swap3A_1032 = arith.index_cast %swap3A_1031 : i32 to index
        %swap3A_1033 = arith.index_cast %add3A_265 : i32 to index
        %swap3A_1034 = arith.constant 672 : index
        %swap3A_1035 = tpu.vector_load %arg7[%swap3A_1032, %swap3A_1033, %swap3A_1034] {strides = array<i32>} : memref<2x32x768xf32, #tpu.memory_space<vmem>>, vector<1x1x16xf32>,
        %swap3A_1036 = vector.shape_cast %swap3A_1035 : vector<1x1x16xf32> to vector<16xf32>
        %swap3A_1037 = vector.shape_cast %add3A_1030 : vector<16xf32> to vector<1x1x16xf32>
        tpu.vector_store %arg7[%swap3A_1032, %swap3A_1033, %swap3A_1034], %swap3A_1037 {strides = array<i32>} : memref<2x32x768xf32, #tpu.memory_space<vmem>>, vector<1x1x16xf32>,
        %get3A_1038 = arith.constant 1 : i32
        %get3A_1039 = arith.index_cast %get3A_1038 : i32 to index
        %get3A_1040 = arith.index_cast %add3A_265 : i32 to index
        %get3A_1041 = arith.constant 688 : index
        %get3A_1042 = tpu.vector_load %arg6[%get3A_1039, %get3A_1040, %get3A_1041] {strides = array<i32>} : memref<2x32x768xf32, #tpu.memory_space<vmem>>, vector<1x1x16xf32>,
        %get3A_1043 = vector.shape_cast %get3A_1042 : vector<1x1x16xf32> to vector<16xf32>
        %get3A_1044 = arith.index_cast %add3A_265 : i32 to index
        %get3A_1045 = arith.constant 688 : index
        %get3A_1046 = tpu.vector_load %arg5[%get3A_1044, %get3A_1045] {strides = array<i32>} : memref<32x768xf32, #tpu.memory_space<vmem>>, vector<1x16xf32>,
        %get3A_1047 = vector.shape_cast %get3A_1046 : vector<1x16xf32> to vector<16xf32>
        %add3A_1048 = arith.addf %get3A_1043, %get3A_1047 : vector<16xf32>
        %swap3A_1049 = arith.constant 1 : i32
        %swap3A_1050 = arith.index_cast %swap3A_1049 : i32 to index
        %swap3A_1051 = arith.index_cast %add3A_265 : i32 to index
        %swap3A_1052 = arith.constant 688 : index
        %swap3A_1053 = tpu.vector_load %arg7[%swap3A_1050, %swap3A_1051, %swap3A_1052] {strides = array<i32>} : memref<2x32x768xf32, #tpu.memory_space<vmem>>, vector<1x1x16xf32>,
        %swap3A_1054 = vector.shape_cast %swap3A_1053 : vector<1x1x16xf32> to vector<16xf32>
        %swap3A_1055 = vector.shape_cast %add3A_1048 : vector<16xf32> to vector<1x1x16xf32>
        tpu.vector_store %arg7[%swap3A_1050, %swap3A_1051, %swap3A_1052], %swap3A_1055 {strides = array<i32>} : memref<2x32x768xf32, #tpu.memory_space<vmem>>, vector<1x1x16xf32>,
        %get3A_1056 = arith.constant 1 : i32
        %get3A_1057 = arith.index_cast %get3A_1056 : i32 to index
        %get3A_1058 = arith.index_cast %add3A_265 : i32 to index
        %get3A_1059 = arith.constant 704 : index
        %get3A_1060 = tpu.vector_load %arg6[%get3A_1057, %get3A_1058, %get3A_1059] {strides = array<i32>} : memref<2x32x768xf32, #tpu.memory_space<vmem>>, vector<1x1x16xf32>,
        %get3A_1061 = vector.shape_cast %get3A_1060 : vector<1x1x16xf32> to vector<16xf32>
        %get3A_1062 = arith.index_cast %add3A_265 : i32 to index
        %get3A_1063 = arith.constant 704 : index
        %get3A_1064 = tpu.vector_load %arg5[%get3A_1062, %get3A_1063] {strides = array<i32>} : memref<32x768xf32, #tpu.memory_space<vmem>>, vector<1x16xf32>,
        %get3A_1065 = vector.shape_cast %get3A_1064 : vector<1x16xf32> to vector<16xf32>
        %add3A_1066 = arith.addf %get3A_1061, %get3A_1065 : vector<16xf32>
        %swap3A_1067 = arith.constant 1 : i32
        %swap3A_1068 = arith.index_cast %swap3A_1067 : i32 to index
        %swap3A_1069 = arith.index_cast %add3A_265 : i32 to index
        %swap3A_1070 = arith.constant 704 : index
        %swap3A_1071 = tpu.vector_load %arg7[%swap3A_1068, %swap3A_1069, %swap3A_1070] {strides = array<i32>} : memref<2x32x768xf32, #tpu.memory_space<vmem>>, vector<1x1x16xf32>,
        %swap3A_1072 = vector.shape_cast %swap3A_1071 : vector<1x1x16xf32> to vector<16xf32>
        %swap3A_1073 = vector.shape_cast %add3A_1066 : vector<16xf32> to vector<1x1x16xf32>
        tpu.vector_store %arg7[%swap3A_1068, %swap3A_1069, %swap3A_1070], %swap3A_1073 {strides = array<i32>} : memref<2x32x768xf32, #tpu.memory_space<vmem>>, vector<1x1x16xf32>,
        %get3A_1074 = arith.constant 1 : i32
        %get3A_1075 = arith.index_cast %get3A_1074 : i32 to index
        %get3A_1076 = arith.index_cast %add3A_265 : i32 to index
        %get3A_1077 = arith.constant 720 : index
        %get3A_1078 = tpu.vector_load %arg6[%get3A_1075, %get3A_1076, %get3A_1077] {strides = array<i32>} : memref<2x32x768xf32, #tpu.memory_space<vmem>>, vector<1x1x16xf32>,
        %get3A_1079 = vector.shape_cast %get3A_1078 : vector<1x1x16xf32> to vector<16xf32>
        %get3A_1080 = arith.index_cast %add3A_265 : i32 to index
        %get3A_1081 = arith.constant 720 : index
        %get3A_1082 = tpu.vector_load %arg5[%get3A_1080, %get3A_1081] {strides = array<i32>} : memref<32x768xf32, #tpu.memory_space<vmem>>, vector<1x16xf32>,
        %get3A_1083 = vector.shape_cast %get3A_1082 : vector<1x16xf32> to vector<16xf32>
        %add3A_1084 = arith.addf %get3A_1079, %get3A_1083 : vector<16xf32>
        %swap3A_1085 = arith.constant 1 : i32
        %swap3A_1086 = arith.index_cast %swap3A_1085 : i32 to index
        %swap3A_1087 = arith.index_cast %add3A_265 : i32 to index
        %swap3A_1088 = arith.constant 720 : index
        %swap3A_1089 = tpu.vector_load %arg7[%swap3A_1086, %swap3A_1087, %swap3A_1088] {strides = array<i32>} : memref<2x32x768xf32, #tpu.memory_space<vmem>>, vector<1x1x16xf32>,
        %swap3A_1090 = vector.shape_cast %swap3A_1089 : vector<1x1x16xf32> to vector<16xf32>
        %swap3A_1091 = vector.shape_cast %add3A_1084 : vector<16xf32> to vector<1x1x16xf32>
        tpu.vector_store %arg7[%swap3A_1086, %swap3A_1087, %swap3A_1088], %swap3A_1091 {strides = array<i32>} : memref<2x32x768xf32, #tpu.memory_space<vmem>>, vector<1x1x16xf32>,
        %get3A_1092 = arith.constant 1 : i32
        %get3A_1093 = arith.index_cast %get3A_1092 : i32 to index
        %get3A_1094 = arith.index_cast %add3A_265 : i32 to index
        %get3A_1095 = arith.constant 736 : index
        %get3A_1096 = tpu.vector_load %arg6[%get3A_1093, %get3A_1094, %get3A_1095] {strides = array<i32>} : memref<2x32x768xf32, #tpu.memory_space<vmem>>, vector<1x1x16xf32>,
        %get3A_1097 = vector.shape_cast %get3A_1096 : vector<1x1x16xf32> to vector<16xf32>
        %get3A_1098 = arith.index_cast %add3A_265 : i32 to index
        %get3A_1099 = arith.constant 736 : index
        %get3A_1100 = tpu.vector_load %arg5[%get3A_1098, %get3A_1099] {strides = array<i32>} : memref<32x768xf32, #tpu.memory_space<vmem>>, vector<1x16xf32>,
        %get3A_1101 = vector.shape_cast %get3A_1100 : vector<1x16xf32> to vector<16xf32>
        %add3A_1102 = arith.addf %get3A_1097, %get3A_1101 : vector<16xf32>
        %swap3A_1103 = arith.constant 1 : i32
        %swap3A_1104 = arith.index_cast %swap3A_1103 : i32 to index
        %swap3A_1105 = arith.index_cast %add3A_265 : i32 to index
        %swap3A_1106 = arith.constant 736 : index
        %swap3A_1107 = tpu.vector_load %arg7[%swap3A_1104, %swap3A_1105, %swap3A_1106] {strides = array<i32>} : memref<2x32x768xf32, #tpu.memory_space<vmem>>, vector<1x1x16xf32>,
        %swap3A_1108 = vector.shape_cast %swap3A_1107 : vector<1x1x16xf32> to vector<16xf32>
        %swap3A_1109 = vector.shape_cast %add3A_1102 : vector<16xf32> to vector<1x1x16xf32>
        tpu.vector_store %arg7[%swap3A_1104, %swap3A_1105, %swap3A_1106], %swap3A_1109 {strides = array<i32>} : memref<2x32x768xf32, #tpu.memory_space<vmem>>, vector<1x1x16xf32>,
        %get3A_1110 = arith.constant 1 : i32
        %get3A_1111 = arith.index_cast %get3A_1110 : i32 to index
        %get3A_1112 = arith.index_cast %add3A_265 : i32 to index
        %get3A_1113 = arith.constant 752 : index
        %get3A_1114 = tpu.vector_load %arg6[%get3A_1111, %get3A_1112, %get3A_1113] {strides = array<i32>} : memref<2x32x768xf32, #tpu.memory_space<vmem>>, vector<1x1x16xf32>,
        %get3A_1115 = vector.shape_cast %get3A_1114 : vector<1x1x16xf32> to vector<16xf32>
        %get3A_1116 = arith.index_cast %add3A_265 : i32 to index
        %get3A_1117 = arith.constant 752 : index
        %get3A_1118 = tpu.vector_load %arg5[%get3A_1116, %get3A_1117] {strides = array<i32>} : memref<32x768xf32, #tpu.memory_space<vmem>>, vector<1x16xf32>,
        %get3A_1119 = vector.shape_cast %get3A_1118 : vector<1x16xf32> to vector<16xf32>
        %add3A_1120 = arith.addf %get3A_1115, %get3A_1119 : vector<16xf32>
        %swap3A_1121 = arith.constant 1 : i32
        %swap3A_1122 = arith.index_cast %swap3A_1121 : i32 to index
        %swap3A_1123 = arith.index_cast %add3A_265 : i32 to index
        %swap3A_1124 = arith.constant 752 : index
        %swap3A_1125 = tpu.vector_load %arg7[%swap3A_1122, %swap3A_1123, %swap3A_1124] {strides = array<i32>} : memref<2x32x768xf32, #tpu.memory_space<vmem>>, vector<1x1x16xf32>,
        %swap3A_1126 = vector.shape_cast %swap3A_1125 : vector<1x1x16xf32> to vector<16xf32>
        %swap3A_1127 = vector.shape_cast %add3A_1120 : vector<16xf32> to vector<1x1x16xf32>
        tpu.vector_store %arg7[%swap3A_1122, %swap3A_1123, %swap3A_1124], %swap3A_1127 {strides = array<i32>} : memref<2x32x768xf32, #tpu.memory_space<vmem>>, vector<1x1x16xf32>,
      }
      %scan3A_230 = arith.constant 32 : i32
      %eq3A_231 = arith.constant 3 : i32
      %eq3A_232 = arith.cmpi eq, %and3A_192, %eq3A_231 : i32
      %add3A_233 = arith.constant 1 : i32
      %add3A_234 = arith.addi %shift_right_logical3A_190, %add3A_233 : i32
      %lt3A_235 = arith.constant 8 : i32
      %lt3A_236 = arith.cmpi slt, %add3A_234, %lt3A_235 : i32
      %and3A_237 = arith.andi %eq3A_232, %lt3A_236 : i1
      %convert_element_type3A_238 = arith.extui %and3A_237 : i1 to i32
      %cond3A_239 = arith.constant 0 : i32
      %cond3A_240 = arith.cmpi ne, %convert_element_type3A_238, %cond3A_239 : i32
      scf.if %cond3A_240 {
        %add3A_261 = arith.constant 1 : i32
        %add3A_262 = arith.addi %shift_right_logical3A_190, %add3A_261 : i32
        %mul3A_263 = arith.constant 32 : i32
        %mul3A_264 = arith.muli %add3A_262, %mul3A_263 : i32
        %add3A_265 = arith.addi %mul3A_2, %mul3A_264 : i32
        %dma_start3A_266 = arith.constant 0 : i32
        %dma_start3A_267 = tpu.memref_slice %arg3[%add3A_265, %dma_start3A_266] : memref<8192x768xf32, #tpu.memory_space<hbm>> -> memref<32x768xf32, #tpu.memory_space<hbm>>
        %dma_start3A_268 = arith.constant 0 : i32
        %dma_start3A_269 = tpu.memref_slice %arg3[%add3A_265, %dma_start3A_268] : memref<8192x768xf32, #tpu.memory_space<hbm>> -> memref<32x768xf32, #tpu.memory_space<hbm>>
        tpu.enqueue_dma source(%dma_start3A_269 : memref<32x768xf32, #tpu.memory_space<hbm>>) target(%arg5 : memref<32x768xf32, #tpu.memory_space<vmem>>) target_semaphore(%arg10 : memref<!tpu.dma_semaphore, #tpu.memory_space<semaphore_mem>>)
      } else {
      }
      %dma_start3A_241 = arith.constant 1 : i32
      %dma_start3A_242 = arith.constant 0 : i32
      %dma_start3A_243 = arith.constant 0 : i32
      %dma_start3A_244 = tpu.memref_slice %arg7[%dma_start3A_241, %dma_start3A_242, %dma_start3A_243] : memref<2x32x768xf32, #tpu.memory_space<vmem>> -> memref<1x32x768xf32, #tpu.memory_space<vmem>>
      %dma_start3A_245 = tpu.memref_squeeze %dma_start3A_244 : memref<1x32x768xf32, #tpu.memory_space<vmem>> -> memref<32x768xf32, #tpu.memory_space<vmem>>
      %dma_start3A_246 = arith.constant 0 : i32
      %dma_start3A_247 = tpu.memref_slice %arg4[%add3A_202, %dma_start3A_246] : memref<32768x768xf32, #tpu.memory_space<hbm>> -> memref<32x768xf32, #tpu.memory_space<hbm>>
      %dma_start3A_248 = arith.constant 0 : i32
      %dma_start3A_249 = tpu.memref_slice %arg4[%add3A_202, %dma_start3A_248] : memref<32768x768xf32, #tpu.memory_space<hbm>> -> memref<32x768xf32, #tpu.memory_space<hbm>>
      %dma_start3A_250 = arith.constant 0 : i32
      %dma_start3A_251 = arith.constant 0 : i32
      %dma_start3A_252 = tpu.memref_slice %arg7[%dma_start3A_241, %dma_start3A_250, %dma_start3A_251] : memref<2x32x768xf32, #tpu.memory_space<vmem>> -> memref<1x32x768xf32, #tpu.memory_space<vmem>>
      %dma_start3A_253 = tpu.memref_squeeze %dma_start3A_252 : memref<1x32x768xf32, #tpu.memory_space<vmem>> -> memref<32x768xf32, #tpu.memory_space<vmem>>
      tpu.enqueue_dma source(%dma_start3A_253 : memref<32x768xf32, #tpu.memory_space<vmem>>) target(%dma_start3A_249 : memref<32x768xf32, #tpu.memory_space<hbm>>) target_semaphore(%arg12 : memref<!tpu.dma_semaphore, #tpu.memory_space<semaphore_mem>>)
      %add3A_254 = arith.constant 2 : i32
      %add3A_255 = arith.addi %add3A_188, %add3A_254 : i32
      %lt3A_256 = arith.constant 32 : i32
      %lt3A_257 = arith.cmpi slt, %add3A_255, %lt3A_256 : i32
      %convert_element_type3A_258 = arith.extui %lt3A_257 : i1 to i32
      %cond3A_259 = arith.constant 0 : i32
      %cond3A_260 = arith.cmpi ne, %convert_element_type3A_258, %cond3A_259 : i32
      scf.if %cond3A_260 {
        %add3A_261 = arith.constant 2 : i32
        %add3A_262 = arith.addi %add3A_188, %add3A_261 : i32
        %shift_right_logical3A_263 = arith.constant 2 : i32
        %shift_right_logical3A_264 = arith.shrui %add3A_262, %shift_right_logical3A_263 : i32
        %and3A_265 = arith.constant 3 : i32
        %and3A_266 = arith.andi %add3A_262, %and3A_265 : i32
        %mul3A_267 = arith.constant 8192 : i32
        %mul3A_268 = arith.muli %and3A_266, %mul3A_267 : i32
        %add3A_269 = arith.addi %mul3A_268, %mul3A_2 : i32
        %mul3A_270 = arith.constant 32 : i32
        %mul3A_271 = arith.muli %shift_right_logical3A_264, %mul3A_270 : i32
        %add3A_272 = arith.addi %add3A_269, %mul3A_271 : i32
        %dma_start3A_273 = arith.constant 1 : i32
        %dma_start3A_274 = arith.constant 0 : i32
        %dma_start3A_275 = arith.constant 0 : i32
        %dma_start3A_276 = tpu.memref_slice %arg6[%dma_start3A_273, %dma_start3A_274, %dma_start3A_275] : memref<2x32x768xf32, #tpu.memory_space<vmem>> -> memref<1x32x768xf32, #tpu.memory_space<vmem>>
        %dma_start3A_277 = tpu.memref_squeeze %dma_start3A_276 : memref<1x32x768xf32, #tpu.memory_space<vmem>> -> memref<32x768xf32, #tpu.memory_space<vmem>>
        %dma_start3A_278 = arith.constant 0 : i32
        %dma_start3A_279 = tpu.memref_slice %arg2[%add3A_272, %dma_start3A_278] : memref<32768x768xf32, #tpu.memory_space<hbm>> -> memref<32x768xf32, #tpu.memory_space<hbm>>
        %dma_start3A_280 = arith.constant 0 : i32
        %dma_start3A_281 = arith.constant 0 : i32
        %dma_start3A_282 = tpu.memref_slice %arg6[%dma_start3A_273, %dma_start3A_280, %dma_start3A_281] : memref<2x32x768xf32, #tpu.memory_space<vmem>> -> memref<1x32x768xf32, #tpu.memory_space<vmem>>
        %dma_start3A_283 = tpu.memref_squeeze %dma_start3A_282 : memref<1x32x768xf32, #tpu.memory_space<vmem>> -> memref<32x768xf32, #tpu.memory_space<vmem>>
        %dma_start3A_284 = arith.constant 0 : i32
        %dma_start3A_285 = tpu.memref_slice %arg2[%add3A_272, %dma_start3A_284] : memref<32768x768xf32, #tpu.memory_space<hbm>> -> memref<32x768xf32, #tpu.memory_space<hbm>>
        tpu.enqueue_dma source(%dma_start3A_285 : memref<32x768xf32, #tpu.memory_space<hbm>>) target(%dma_start3A_283 : memref<32x768xf32, #tpu.memory_space<vmem>>) target_semaphore(%arg9 : memref<!tpu.dma_semaphore, #tpu.memory_space<semaphore_mem>>)
      } else {
      }
    }
    %scan3A_59 = arith.constant 16 : i32
    %shift_right_logical3A_60 = arith.constant 30 : i32
    %shift_right_logical3A_61 = arith.constant 2 : i32
    %shift_right_logical3A_62 = arith.shrui %shift_right_logical3A_60, %shift_right_logical3A_61 : i32
    %and3A_63 = arith.constant 30 : i32
    %and3A_64 = arith.constant 3 : i32
    %and3A_65 = arith.andi %and3A_63, %and3A_64 : i32
    %mul3A_66 = arith.constant 8192 : i32
    %mul3A_67 = arith.muli %and3A_65, %mul3A_66 : i32
    %add3A_68 = arith.addi %mul3A_67, %mul3A_2 : i32
    %mul3A_69 = arith.constant 32 : i32
    %mul3A_70 = arith.muli %shift_right_logical3A_62, %mul3A_69 : i32
    %add3A_71 = arith.addi %add3A_68, %mul3A_70 : i32
    %dma_wait3A = arith.constant 0 : i32
    %dma_wait3A_72 = arith.constant 0 : i32
    %dma_wait3A_73 = arith.constant 0 : i32
    %dma_wait3A_74 = tpu.memref_slice %arg7[%dma_wait3A, %dma_wait3A_72, %dma_wait3A_73] : memref<2x32x768xf32, #tpu.memory_space<vmem>> -> memref<1x32x768xf32, #tpu.memory_space<vmem>>
    %dma_wait3A_75 = tpu.memref_squeeze %dma_wait3A_74 : memref<1x32x768xf32, #tpu.memory_space<vmem>> -> memref<32x768xf32, #tpu.memory_space<vmem>>
    %dma_wait3A_76 = arith.constant 0 : i32
    %dma_wait3A_77 = tpu.memref_slice %arg4[%add3A_71, %dma_wait3A_76] : memref<32768x768xf32, #tpu.memory_space<hbm>> -> memref<32x768xf32, #tpu.memory_space<hbm>>
    %dma_wait3A_78 = arith.constant 0 : i32
    %dma_wait3A_79 = tpu.memref_slice %arg4[%add3A_71, %dma_wait3A_78] : memref<32768x768xf32, #tpu.memory_space<hbm>> -> memref<32x768xf32, #tpu.memory_space<hbm>>
    %dma_wait3A_80 = arith.constant 0 : i32
    %dma_wait3A_81 = arith.constant 0 : i32
    %dma_wait3A_82 = tpu.memref_slice %arg7[%dma_wait3A, %dma_wait3A_80, %dma_wait3A_81] : memref<2x32x768xf32, #tpu.memory_space<vmem>> -> memref<1x32x768xf32, #tpu.memory_space<vmem>>
    %dma_wait3A_83 = tpu.memref_squeeze %dma_wait3A_82 : memref<1x32x768xf32, #tpu.memory_space<vmem>> -> memref<32x768xf32, #tpu.memory_space<vmem>>
    tpu.wait_dma2 semaphore(%arg11 : memref<!tpu.dma_semaphore, #tpu.memory_space<semaphore_mem>>) src(%dma_wait3A_83 : memref<32x768xf32, #tpu.memory_space<vmem>>) dst(%dma_wait3A_79 : memref<32x768xf32, #tpu.memory_space<hbm>>)
    %shift_right_logical3A_84 = arith.constant 31 : i32
    %shift_right_logical3A_85 = arith.constant 2 : i32
    %shift_right_logical3A_86 = arith.shrui %shift_right_logical3A_84, %shift_right_logical3A_85 : i32
    %and3A_87 = arith.constant 31 : i32
    %and3A_88 = arith.constant 3 : i32
    %and3A_89 = arith.andi %and3A_87, %and3A_88 : i32
    %mul3A_90 = arith.constant 8192 : i32
    %mul3A_91 = arith.muli %and3A_89, %mul3A_90 : i32
    %add3A_92 = arith.addi %mul3A_91, %mul3A_2 : i32
    %mul3A_93 = arith.constant 32 : i32
    %mul3A_94 = arith.muli %shift_right_logical3A_86, %mul3A_93 : i32
    %add3A_95 = arith.addi %add3A_92, %mul3A_94 : i32
    %dma_wait3A_96 = arith.constant 1 : i32
    %dma_wait3A_97 = arith.constant 0 : i32
    %dma_wait3A_98 = arith.constant 0 : i32
    %dma_wait3A_99 = tpu.memref_slice %arg7[%dma_wait3A_96, %dma_wait3A_97, %dma_wait3A_98] : memref<2x32x768xf32, #tpu.memory_space<vmem>> -> memref<1x32x768xf32, #tpu.memory_space<vmem>>
    %dma_wait3A_100 = tpu.memref_squeeze %dma_wait3A_99 : memref<1x32x768xf32, #tpu.memory_space<vmem>> -> memref<32x768xf32, #tpu.memory_space<vmem>>
    %dma_wait3A_101 = arith.constant 0 : i32
    %dma_wait3A_102 = tpu.memref_slice %arg4[%add3A_95, %dma_wait3A_101] : memref<32768x768xf32, #tpu.memory_space<hbm>> -> memref<32x768xf32, #tpu.memory_space<hbm>>
    %dma_wait3A_103 = arith.constant 0 : i32
    %dma_wait3A_104 = tpu.memref_slice %arg4[%add3A_95, %dma_wait3A_103] : memref<32768x768xf32, #tpu.memory_space<hbm>> -> memref<32x768xf32, #tpu.memory_space<hbm>>
    %dma_wait3A_105 = arith.constant 0 : i32
    %dma_wait3A_106 = arith.constant 0 : i32
    %dma_wait3A_107 = tpu.memref_slice %arg7[%dma_wait3A_96, %dma_wait3A_105, %dma_wait3A_106] : memref<2x32x768xf32, #tpu.memory_space<vmem>> -> memref<1x32x768xf32, #tpu.memory_space<vmem>>
    %dma_wait3A_108 = tpu.memref_squeeze %dma_wait3A_107 : memref<1x32x768xf32, #tpu.memory_space<vmem>> -> memref<32x768xf32, #tpu.memory_space<vmem>>
    tpu.wait_dma2 semaphore(%arg12 : memref<!tpu.dma_semaphore, #tpu.memory_space<semaphore_mem>>) src(%dma_wait3A_108 : memref<32x768xf32, #tpu.memory_space<vmem>>) dst(%dma_wait3A_104 : memref<32x768xf32, #tpu.memory_space<hbm>>)
    return
  }
}

</mosaic_0001>

<sc_bundles>
// kernel: kernel.3.cloned.1.call-start
scs
__scs_entry_jumppad:
0x0: {  	(pc) =	sbr.rel $0x88, $3  }
0x1: {  	(tag) =	ssettag $0x0;
	lr =	simm.s32 $0x1  }
0x2: {  	[smem:$0x3F9F] =	sst lr;
	_ =	strace $0xD0000000  }
0x3: {  	_ = 	snop  }
0x4: {  	_ = 	snop  }
0x5: {  	_ = 	snop  }
0x6: {  	_ = 	snop  }
0x7: {  	_ = 	snop  }
__scs_overlays_trampoline_lowered:
0x8: {  	[smem:$0x3FAE] =	sst s0  }
0x9: {  	[smem:$0x3FAF] =	sst s1  }
0xa: {  	[smem:$0x3FB0] =	sst s2  }
0xb: {  	[smem:$0x3FB1] =	sst s3  }
0xc: {  	[smem:$0x3FB2] =	sst s4  }
0xd: {  	[smem:$0x3FB3] =	sst s5  }
0xe: {  	[smem:$0x3FB4] =	sst s6  }
0xf: {  	[smem:$0x3FB5] =	sst s7  }
0x10: {  	[smem:$0x3FB6] =	sst s8  }
0x11: {  	[smem:$0x3FB7] =	sst s9;
	s0 =	simm.s32 @!p0 $0x0  }
0x12: {  	s1 =	sld [smem:$0x3F9D];
	s0 =	simm.s32 @p0 $0x1  }
0x13: {  	[smem:$0x3FB8] =	sst s0;
	s0 =	simm.s32 @!p1 $0x0  }
0x14: {  	s2 =	sld [smem:$0x3F9C];
	s0 =	simm.s32 @p1 $0x1  }
0x15: {  	[smem:$0x3FB9] =	sst s0;
	s0 =	simm.s32 @!p2 $0x0  }
0x16: {  	s3 =	sld [smem:$0x3FDB];
	s0 =	simm.s32 @p2 $0x1  }
0x17: {  	s4 =	simm.s32 $0x1BF5;
	[smem:$0x3FBB] =	sst s0  }
0x18: {  	s0 =	sld [smem:$0x3F9E];
	_ =	swait.ge [sflag:s4], $0x0  }
0x19: {  	s7 =	sld [smem:$0x3F9F]  }
0x1a: {  	s8 =	sadd.s32 $0xFFFFE003, lr  }
0x1b: {  	s9 =	sadd.s32 $0xFFFFFEF7, lr;
	s5 =	simm.s32 $0xFFFFFFFF;
	p2 =	slt.u32 s8, $0xFFFFF086  }
0x1c: {  	p1 =	slt.u32 s9, $0xF7A;
	s5 =	simm.s32 @!p2 $0x0  }
0x1d: {  	s5 =	simm.s32 @p1 $0x1;
	p0 =	seq.s32 s7, s2  }
0x1e: {  	s7 =	smul.u32 @!p0 $0xF7A, s2;
	p2 =	seq.s32 @!p0 s5, $0x0  }
0x1f: {  	s9 =	smul.u32 $0xF7A, s1;
	s8 =	simm.s32 @!p0 $0x1BF5;
	p2 =	por !p2, p0  }
0x20: {  	[sflag:s8] =	ssyncset.s32 @!p0 $0xFFFFF086;
	s6 =	sadd.s32 @!p0 s3, s7;
	s7 =	simm.s32 @!p0 $0x108  }
0x21: {  	s3 =	sadd.s32 s3, s9;
	s6 =	sadd.s32 @!p0 $0x88, s6;
	s7 =	simm.s32 @p2 $0x1082  }
0x22: {  	[simem:s7], [sflag:s8] =	dma.local @!p0 [hbm:s6], $0xF7A  }
0x23: {  	s9 =	sor.u32 $0xD0000000, s2;
	s6 =	simm.s32 $0x108;
	_ =	swait.ge @!p0 [sflag:s8], $0x0  }
0x24: {  	s3 =	sadd.s32 $0x88, s3;
	s6 =	simm.s32 @!p1 $0x1082;
	[sflag:s4] =	ssyncset.s32 $0xFFFFF086  }
0x25: {  	[simem:s6], [sflag:s4] =	dma.local [hbm:s3], $0xF7A  }
0x26: {  	[smem:$0x3F9F] =	sst s1;
	(tag) =	ssettag s2;
	_ =	strace s9  }
0x27: {  	s1 =	sld [smem:$0x3FAF]  }
0x28: {  	s2 =	sld [smem:$0x3FB0]  }
0x29: {  	s4 =	sld [smem:$0x3FB2]  }
0x2a: {  	p0 =	seq.s32 s5, $0x0;
	s5 =	sld [smem:$0x3FB3]  }
0x2b: {  	s6 =	sld [smem:$0x3FB4]  }
0x2c: {  	s7 =	sld [smem:$0x3FB5]  }
0x2d: {  	s3 =	simm.s32 $0x108;
	s8 =	sld [smem:$0x3FB6]  }
0x2e: {  	s3 =	simm.s32 @!p0 $0x1082;
	s9 =	sld [smem:$0x3FB7]  }
0x2f: {  	lr =	sadd.s32 s0, s3;
	s0 =	sld [smem:$0x3FAE]  }
0x30: {  	s3 =	sld [smem:$0x3FB1]  }
0x31: {  	[smem:$0x3FBA] =	sst s10  }
0x32: {  	s10 =	sld [smem:$0x3FB8];
	_ =	sdelay $0x3  }
0x33: {  	p0 =	seq.s32 s10, $0x1;
	s10 =	sld [smem:$0x3FBA];
	_ =	sdelay $0x3  }
0x34: {  	[smem:$0x3FBA] =	sst s10  }
0x35: {  	s10 =	sld [smem:$0x3FB9];
	_ =	sdelay $0x3  }
0x36: {  	p1 =	seq.s32 s10, $0x1;
	s10 =	sld [smem:$0x3FBA];
	_ =	sdelay $0x3  }
0x37: {  	[smem:$0x3FBA] =	sst s10  }
0x38: {  	s10 =	sld [smem:$0x3FBB]  }
0x39: {  	_ = 	snop;
	(pc) =	sbr.ind lr, $3  }
0x3a: {  	_ = 	snop  }
0x3b: {  	_ = 	snop  }
0x3c: {  	p2 =	seq.s32 s10, $0x1;
	s10 =	sld [smem:$0x3FBA]  }
0x3d: {  	_ =	shalt  }
0x3e: {  	_ =	shalt  }
0x3f: {  	_ =	shalt  }
0x40: {  	_ =	shalt  }
0x41: {  	_ =	shalt  }
0x42: {  	_ =	shalt  }
0x43: {  	_ =	shalt  }
0x44: {  	_ =	shalt  }
0x45: {  	_ =	shalt  }
0x46: {  	_ =	shalt  }
0x47: {  	_ =	shalt  }
0x48: {  	_ =	shalt  }
0x49: {  	_ =	shalt  }
0x4a: {  	_ =	shalt  }
0x4b: {  	_ =	shalt  }
0x4c: {  	_ =	shalt  }
0x4d: {  	_ =	shalt  }
0x4e: {  	_ =	shalt  }
0x4f: {  	_ =	shalt  }
0x50: {  	_ =	shalt  }
0x51: {  	_ =	shalt  }
0x52: {  	_ =	shalt  }
0x53: {  	_ =	shalt  }
0x54: {  	_ =	shalt  }
0x55: {  	_ =	shalt  }
0x56: {  	_ =	shalt  }
0x57: {  	_ =	shalt  }
0x58: {  	_ =	shalt  }
0x59: {  	_ =	shalt  }
0x5a: {  	_ =	shalt  }
0x5b: {  	_ =	shalt  }
0x5c: {  	_ =	shalt  }
0x5d: {  	_ =	shalt  }
0x5e: {  	_ =	shalt  }
0x5f: {  	_ =	shalt  }
0x60: {  	_ =	shalt  }
0x61: {  	_ =	shalt  }
0x62: {  	_ =	shalt  }
0x63: {  	_ =	shalt  }
0x64: {  	_ =	shalt  }
0x65: {  	_ =	shalt  }
0x66: {  	_ =	shalt  }
0x67: {  	_ =	shalt  }
0x68: {  	_ =	shalt  }
0x69: {  	_ =	shalt  }
0x6a: {  	_ =	shalt  }
0x6b: {  	_ =	shalt  }
0x6c: {  	_ =	shalt  }
0x6d: {  	_ =	shalt  }
0x6e: {  	_ =	shalt  }
0x6f: {  	_ =	shalt  }
0x70: {  	_ =	shalt  }
0x71: {  	_ =	shalt  }
0x72: {  	_ =	shalt  }
0x73: {  	_ =	shalt  }
0x74: {  	_ =	shalt  }
0x75: {  	_ =	shalt  }
0x76: {  	_ =	shalt  }
0x77: {  	_ =	shalt  }
0x78: {  	_ =	shalt  }
0x79: {  	_ =	shalt  }
0x7a: {  	_ =	shalt  }
0x7b: {  	_ =	shalt  }
0x7c: {  	_ =	shalt  }
0x7d: {  	_ =	shalt  }
0x7e: {  	_ =	shalt  }
0x7f: {  	_ =	shalt  }
0x80: {  	_ =	shalt  }
0x81: {  	_ =	shalt  }
0x82: {  	_ =	shalt  }
0x83: {  	_ =	shalt  }
0x84: {  	_ =	shalt  }
0x85: {  	_ =	shalt  }
0x86: {  	_ =	shalt  }
0x87: {  	_ =	shalt  }
.Lfunc_end0:
.L_simem_size_0:
called_computation_lowered:
.L_overlay_start_0:
0x88: {  	s2 =	sld [smem:$0x3FD9]  }
0x89: {  	s3 =	sld [smem:$0x3FFE];
	_ =	sdelay $0x1  }
0x8a: {  	s1 =	srdreg.scid  }
0x8b: {  	s0 =	sand.u32 $0x1, s1  }
0x8c: {  	s18 =	sshll.u32 s0, $0xA;
	s2 =	sadd.s32 s3, s2  }
0x8d: {  	s2 =	sadd.s32 s2, s18  }
0x8e: {  	[smem:$0x3FC6] =	sst s2  }
0x8f: {  	_ = 	snop  }
0x90: {  	s2 =	sld [smem:$0x3FC9]  }
0x91: {  	s19 =	sld [smem:$0x3FC8]  }
0x92: {  	s4 =	sld [smem:$0x3FD0];
	(tm) =	ssettm $0x1  }
0x93: {  	s5 =	sld [smem:$0x3FFB];
	_ =	sdelay $0x3  }
0x94: {  	_ =	strace s5  }
0x95: {  	s5 =	sld [smem:$0x3FFC];
	_ =	sdelay $0x3  }
0x96: {  	_ =	strace s5  }
0x97: {  	s5 =	sld [smem:$0x3FFD];
	_ =	sdelay $0x3  }
0x98: {  	_ =	strace s5  }
0x99: {  	_ =	strace $0x8FFFFFFF  }
0x9a: {  	s20 =	sld [smem:$0x3FDB];
	_ =	sdelay $0x1  }
0x9b: {  	s6 =	simm.s32 $_scs_section_size  }
0x9c: {  	s7 =	simm.s32 $_size__tile_overlayer_lowered;
	s8 =	simm.s32 $_tile_overlayer_lowered  }
0x9d: {  	s23 =	simm.s32 $0x1BFF;
	s22 =	sshll.u32 s8, $0x1;
	s5 =	sadd.s32 s6, s20  }
0x9e: {  	s9 =	simm.s32 $0x0;
	s21 =	sshll.u32 s7, $0x1;
	s7 =	sadd.s32 s22, s5  }
0x9f: {  	[timem:s9], [sflag:s23] =	dma.local [hbm:s7], s21  }
0xa0: {  	_ =	swait.ge [sflag:s23], s21  }
0xa1: {  	s6 =	ssub.s32 $0x0, s21;
	[sflag:s23] =	ssyncset.done $0x0  }
0xa2: {  	[sflag:s23] =	ssyncadd.s32 s6;
	_ =	sdelay $0x1  }
0xa3: {  	s24 =	simm.s32 $0x1B8B  }
0xa4: {  	_ =	swait.ge [sflag:s24], $0x1  }
0xa5: {  	[sflag:s24] =	ssyncset.done $0x0  }
0xa6: {  	s25 =	simm.s32 $0x1B8E;
	[sflag:s24] =	ssyncadd.s32 $0xFFFFFFFF  }
0xa7: {  	s26 =	simm.s32 $execute0_lowered;
	[smem:$0x3FD2] =	sst s25  }
0xa8: {  	s6 =	sshll.u32 s26, $0x1;
	_ =	strace $0x80000046;
	[dreg:$0x1] =	wrdreg $0xFFFFFFFF  }
0xa9: {  	s28 =	simm.s32 $_size_execute0_lowered;
	s5 =	sadd.s32 s5, s6;
	[dreg:$0x0] =	wrdreg $0x0  }
0xaa: {  	s6 =	sshll.u32 s28, $0x1;
	[dreg:$0x2] =	wrdreg s5  }
0xab: {  	[dreg:$0x3] =	wrdreg s6  }
0xac: {  	[dreg:$0x4] =	wrdreg $0xC0  }
0xad: {  	_ =	task [dreg:s9], $0x5FFFF  }
0xae: {  	[dreg:$0x1] =	wrdreg $0xFFFFFFFF  }
0xaf: {  	[dreg:$0x0] =	wrdreg $0x60  }
0xb0: {  	[dreg:$0x2] =	wrdreg s2  }
0xb1: {  	[dreg:$0x3] =	wrdreg s19  }
0xb2: {  	[dreg:$0x4] =	wrdreg s4  }
0xb3: {  	[dreg:$0x5] =	wrdreg $0x9  }
0xb4: {  	_ =	task.clear_ibuf [dreg:s9], $0x6FFFF;
	_ =	strace $0x90000046  }
0xb5: {  	s29 =	simm.s32 $0x9;
	_ =	strace $0x80000048  }
0xb6: {  	_ =	swait.ge [sflag:s29], $0x1  }
0xb7: {  	[sflag:s29] =	ssyncadd.s32 $0xFFFFFFFF  }
0xb8: {  	_ =	strace $0x90000048  }
0xb9: {  	_ =	sfence  }
0xba: {  	s30 =	sld [smem:$0x0];
	_ =	sdelay $0x2  }
0xbb: {  	s31 =	sshll.u32 s1, $0xD;
	s1 =	sshrl.u32 s1, $0x2  }
0xbc: {  	s3 =	sand.u32 $0x4000, s31;
	s1 =	sadd.s32 s1, s30  }
0xbd: {  	s0 =	sor.u32 s3, s0;
	s1 =	sshll.u32 s1, $0x11  }
0xbe: {  	s0 =	sor.u32 s1, s0  }
0xbf: {  	s0 =	sadd.s32 $0x8F2B, s0  }
0xc0: {  	[sflag:s0] =	ssyncadd.remote.s32 $0x1  }
0xc1: {  	_ =	sfence.sel $0xFFFF  }
0xc2: {  	[dreg:$0x0] =	wrdreg $0xFFFFFFFF;
	(pc) =	sbr.abs _section_cstart, $3  }
0xc3: {  	[dreg:$0x1] =	wrdreg $0xFFFFFFFF  }
0xc4: {  	_ =	task.clear_ibuf [dreg:s9], $0x2FFFF;
	_ =	strace $0x9FFFFFFF  }
0xc5: {  	(tm) =	ssettm $0x7FFFFFFF  }
tec
execute0_lowered:
.L_overlay_start_1:
0x0: {  	(tag) =	ssettag $0x1  }
0x1: {  	s1 =	srdreg.scid  }
0x2: {  	s0 =	stileid.u32;
	s3 =	rddreg [dreg:$0x1]  }
0x3: {  	s5 =	rddreg [dreg:$0x2];
	s6 =	simm.s32 $0x0;
	s13 =	simm.s32 $0x6000  }
0x4: {  	s14 =	simm.s32 $0xC000;
	s15 =	simm.s32 $0x1;
	s16 =	simm.s32 $0x12000  }
0x5: {  	s17 =	simm.s32 $0x2;
	s18 =	simm.s32 $0x5;
	s7 =	sand.u32 $0x1, s1  }
0x6: {  	s19 =	simm.s32 $0x18000;
	s2 =	sshll.u32 s0, $0x9;
	s4 =	sshll.u32 s7, $0x8  }
0x7: {  	s20 =	simm.s32 $0x4;
	s21 =	simm.s32 $0x0;
	s4 =	sor.u32 s4, s2  }
.Ltmp0:
0x8: {  	s1 =	rddreg [dreg:$0x0];
	s8 =	sshrl.u32 s4, $0x3;
	(pc) =	sbr.rel .LBB2_1-.Ltmp0, $4  }
0x9: {  	[smem:$0x7FF] =	sst s6;
	s31 =	ssub.s32 $0x2, s7;
	s9 =	smul.u32 $0x300, s8  }
0xa: {  	s11 =	sadd.s32 $0xC0000, s5;
	_ =	strace $0x80000047;
	s10 =	sshrl.u32 s31, $0x1  }
0xb: {  	s12 =	ssub.s32 s31, s10;
	s10 =	sor.u32 $0x20, s4;
	s7 =	sadd.s32 s1, s9  }
0xc: {  	s12 =	smax.u32 s12, $0x1;
	s9 =	sadd.s32 s3, s9;
	s8 =	sadd.s32 $0xC0000, s7  }
.LBB2_12:
0xd: {  	s21 =	sadd.s32 $0x1, s21  }
0xe: {  	_ =	swait.ge [sflag:s20], $0x6000;
	p0 =	sne.s32 s21, s12  }
.Ltmp1:
0xf: {  	[sflag:s20] =	ssyncset.done $0x0;
	(pc) =	sbr.rel @!p0 .LBB2_13-.Ltmp1, $4  }
0x10: {  	[sflag:s20] =	ssyncadd.s32 $0xFFFFA000  }
0x11: {  	_ =	swait.ge [sflag:s18], $0x6000  }
0x12: {  	[sflag:s18] =	ssyncset.done $0x0  }
0x13: {  	[sflag:s18] =	ssyncadd.s32 $0xFFFFA000  }
.LBB2_1:
0x14: {  	[tilespmem:s13], [sflag:$0x1] =	stream.linear.gather [hbm4b:s7+s6], $0x6000, $0x38;
	[tilespmem:$0x1E000] =	vst v63  }
0x15: {  	_ = 	snop  }
0x16: {  	[tilespmem:s14], [sflag:$0x2] =	stream.linear.gather [hbm4b:s8+s6], $0x6000, $0x38;
	[tilespmem:$0x1E000] =	vst v63  }
0x17: {  	s22 =	simm.s32 $0x0  }
0x18: {  	[tilespmem:s6], [sflag:$0x3] =	stream.linear.gather [hbm4b:s9+s6], $0x6000, $0x38;
	[tilespmem:$0x1E000] =	vst v63  }
.LBB2_2:
0x19: {  	s23 =	sshll.u32 s22, $0x1  }
0x1a: {  	_ =	swait.ge [sflag:s15], $0x6000;
	s24 =	sand.u32 $0x2, s23  }
0x1b: {  	[sflag:s15] =	ssyncset.done $0x0;
	p1 =	sne.s32 s24, $0x0  }
0x1c: {  	[sflag:s15] =	ssyncadd.s32 $0xFFFFA000;
	s25 =	simm.s32 @!p1 $0x3  }
0x1d: {  	_ =	swait.ge @!p1 [sflag:s25], $0x6000  }
0x1e: {  	p0 =	seq.s32 s22, $0x0;
	[sflag:s25] =	ssyncset.done @!p1 $0x0  }
0x1f: {  	s26 =	simm.s32 $0x0;
	[sflag:s25] =	ssyncadd.s32 @!p1 $0xFFFFA000;
	s25 =	simm.s32 @!p0 $0x4  }
0x20: {  	s28 =	simm.s32 $0x0;
	s26 =	smul.u32 $0x1800, s26;
	_ =	swait.ge @!p0 [sflag:s25], $0x6000  }
0x21: {  	s28 =	sand.u32 $0x380, s28;
	[sflag:s25] =	ssyncset.done @!p0 $0x0  }
0x22: {  	s26 =	sor.u32 s28, s26;
	[sflag:s25] =	ssyncadd.s32 @!p0 $0xFFFFA000  }
0x23: {  	v0 =	vld [tilespmem:s26+$0x7470]  }
0x24: {  	v1 =	vld [tilespmem:s26+$0x1470]  }
0x25: {  	v2 =	vld [tilespmem:s26+$0x6000]  }
0x26: {  	v3 =	vld [tilespmem:s26+$0x0]  }
0x27: {  	v4 =	vld [tilespmem:s26+$0x6010]  }
0x28: {  	v5 =	vld [tilespmem:s26+$0x10]  }
0x29: {  	v6 =	vld [tilespmem:s26+$0x6020]  }
0x2a: {  	v7 =	vld [tilespmem:s26+$0x6030];
	v0 =	vadd.f32 v1, v0  }
0x2b: {  	v1 =	vld [tilespmem:s26+$0x20]  }
0x2c: {  	v2 =	vadd.f32 v3, v2;
	[tilespmem:s26+$0x13470] =	vst v0;
	v0 =	vld [tilespmem:s26+$0x30]  }
0x2d: {  	v3 =	vld [tilespmem:s26+$0x6040]  }
0x2e: {  	[tilespmem:s26+$0x12000] =	vst v2;
	v2 =	vadd.f32 v5, v4;
	v4 =	vld [tilespmem:s26+$0x40]  }
0x2f: {  	v5 =	vld [tilespmem:s26+$0x50]  }
0x30: {  	[tilespmem:s26+$0x12010] =	vst v2;
	v2 =	vld [tilespmem:s26+$0x6050];
	v1 =	vadd.f32 v1, v6  }
0x31: {  	v6 =	vld [tilespmem:s26+$0x60];
	v0 =	vadd.f32 v0, v7  }
0x32: {  	[tilespmem:s26+$0x12020] =	vst v1;
	v1 =	vld [tilespmem:s26+$0x6060]  }
0x33: {  	[tilespmem:s26+$0x12030] =	vst v0;
	v0 =	vadd.f32 v4, v3;
	v3 =	vld [tilespmem:s26+$0x6070]  }
0x34: {  	v4 =	vld [tilespmem:s26+$0x70]  }
0x35: {  	[tilespmem:s26+$0x12040] =	vst v0;
	v0 =	vadd.f32 v5, v2;
	v2 =	vld [tilespmem:s26+$0x6400]  }
0x36: {  	v5 =	vld [tilespmem:s26+$0x400]  }
0x37: {  	[tilespmem:s26+$0x12050] =	vst v0;
	v0 =	vadd.f32 v6, v1;
	v1 =	vld [tilespmem:s26+$0x6410]  }
0x38: {  	v6 =	vld [tilespmem:s26+$0x410]  }
0x39: {  	[tilespmem:s26+$0x12060] =	vst v0;
	v0 =	vadd.f32 v4, v3;
	v3 =	vld [tilespmem:s26+$0x6420]  }
0x3a: {  	v4 =	vld [tilespmem:s26+$0x420]  }
0x3b: {  	[tilespmem:s26+$0x12070] =	vst v0;
	v0 =	vadd.f32 v5, v2;
	v2 =	vld [tilespmem:s26+$0x6430]  }
0x3c: {  	v5 =	vld [tilespmem:s26+$0x430]  }
0x3d: {  	[tilespmem:s26+$0x12400] =	vst v0;
	v0 =	vadd.f32 v6, v1;
	v1 =	vld [tilespmem:s26+$0x6440]  }
0x3e: {  	v6 =	vld [tilespmem:s26+$0x440]  }
0x3f: {  	[tilespmem:s26+$0x12410] =	vst v0;
	v0 =	vadd.f32 v4, v3;
	v3 =	vld [tilespmem:s26+$0x6450]  }
0x40: {  	v4 =	vld [tilespmem:s26+$0x450]  }
0x41: {  	[tilespmem:s26+$0x12420] =	vst v0;
	v0 =	vadd.f32 v5, v2;
	v2 =	vld [tilespmem:s26+$0x6460]  }
0x42: {  	v5 =	vld [tilespmem:s26+$0x460]  }
0x43: {  	[tilespmem:s26+$0x12430] =	vst v0;
	v0 =	vadd.f32 v6, v1;
	v1 =	vld [tilespmem:s26+$0x6470]  }
0x44: {  	v6 =	vld [tilespmem:s26+$0x470]  }
0x45: {  	[tilespmem:s26+$0x12440] =	vst v0;
	v0 =	vadd.f32 v4, v3;
	v3 =	vld [tilespmem:s26+$0x6800]  }
0x46: {  	v4 =	vld [tilespmem:s26+$0x800]  }
0x47: {  	[tilespmem:s26+$0x12450] =	vst v0;
	v0 =	vadd.f32 v5, v2;
	v2 =	vld [tilespmem:s26+$0x6810]  }
0x48: {  	v5 =	vld [tilespmem:s26+$0x810]  }
0x49: {  	[tilespmem:s26+$0x12460] =	vst v0;
	v0 =	vadd.f32 v6, v1;
	v1 =	vld [tilespmem:s26+$0x6820]  }
0x4a: {  	v6 =	vld [tilespmem:s26+$0x820]  }
0x4b: {  	[tilespmem:s26+$0x12470] =	vst v0;
	v0 =	vadd.f32 v4, v3;
	v3 =	vld [tilespmem:s26+$0x6830]  }
0x4c: {  	v4 =	vld [tilespmem:s26+$0x830]  }
0x4d: {  	[tilespmem:s26+$0x12800] =	vst v0;
	v0 =	vadd.f32 v5, v2;
	v2 =	vld [tilespmem:s26+$0x6840]  }
0x4e: {  	v5 =	vld [tilespmem:s26+$0x840]  }
0x4f: {  	[tilespmem:s26+$0x12810] =	vst v0;
	v0 =	vadd.f32 v6, v1;
	v1 =	vld [tilespmem:s26+$0x6850]  }
0x50: {  	v6 =	vld [tilespmem:s26+$0x850]  }
0x51: {  	[tilespmem:s26+$0x12820] =	vst v0;
	v0 =	vadd.f32 v4, v3;
	v3 =	vld [tilespmem:s26+$0x6860]  }
0x52: {  	v4 =	vld [tilespmem:s26+$0x860]  }
0x53: {  	[tilespmem:s26+$0x12830] =	vst v0;
	v0 =	vadd.f32 v5, v2;
	v2 =	vld [tilespmem:s26+$0x6870]  }
0x54: {  	v5 =	vld [tilespmem:s26+$0x870]  }
0x55: {  	[tilespmem:s26+$0x12840] =	vst v0;
	v0 =	vadd.f32 v6, v1;
	v1 =	vld [tilespmem:s26+$0x6C00]  }
0x56: {  	v6 =	vld [tilespmem:s26+$0xC00]  }
0x57: {  	[tilespmem:s26+$0x12850] =	vst v0;
	v0 =	vadd.f32 v4, v3;
	v3 =	vld [tilespmem:s26+$0x6C10]  }
0x58: {  	v4 =	vld [tilespmem:s26+$0xC10]  }
0x59: {  	[tilespmem:s26+$0x12860] =	vst v0;
	v0 =	vadd.f32 v5, v2;
	v2 =	vld [tilespmem:s26+$0x6C20]  }
0x5a: {  	v5 =	vld [tilespmem:s26+$0xC20]  }
0x5b: {  	[tilespmem:s26+$0x12870] =	vst v0;
	v0 =	vadd.f32 v6, v1;
	v1 =	vld [tilespmem:s26+$0x6C30]  }
0x5c: {  	v6 =	vld [tilespmem:s26+$0xC30]  }
0x5d: {  	[tilespmem:s26+$0x12C00] =	vst v0;
	v0 =	vadd.f32 v4, v3;
	v3 =	vld [tilespmem:s26+$0x6C40]  }
0x5e: {  	v4 =	vld [tilespmem:s26+$0xC40]  }
0x5f: {  	[tilespmem:s26+$0x12C10] =	vst v0;
	v0 =	vadd.f32 v5, v2;
	v2 =	vld [tilespmem:s26+$0x6C50]  }
0x60: {  	v5 =	vld [tilespmem:s26+$0xC50]  }
0x61: {  	[tilespmem:s26+$0x12C20] =	vst v0;
	v0 =	vadd.f32 v6, v1;
	v1 =	vld [tilespmem:s26+$0x6C60]  }
0x62: {  	v6 =	vld [tilespmem:s26+$0xC60]  }
0x63: {  	[tilespmem:s26+$0x12C30] =	vst v0;
	v0 =	vadd.f32 v4, v3;
	v3 =	vld [tilespmem:s26+$0x6C70]  }
0x64: {  	v4 =	vld [tilespmem:s26+$0xC70]  }
0x65: {  	[tilespmem:s26+$0x12C40] =	vst v0;
	v0 =	vadd.f32 v5, v2;
	v2 =	vld [tilespmem:s26+$0x7000]  }
0x66: {  	v5 =	vld [tilespmem:s26+$0x1000]  }
0x67: {  	[tilespmem:s26+$0x12C50] =	vst v0;
	v0 =	vadd.f32 v6, v1;
	v1 =	vld [tilespmem:s26+$0x7010]  }
0x68: {  	v6 =	vld [tilespmem:s26+$0x1010]  }
0x69: {  	[tilespmem:s26+$0x12C60] =	vst v0;
	v0 =	vadd.f32 v4, v3;
	v3 =	vld [tilespmem:s26+$0x7020]  }
0x6a: {  	v4 =	vld [tilespmem:s26+$0x1020]  }
0x6b: {  	[tilespmem:s26+$0x12C70] =	vst v0;
	v0 =	vadd.f32 v5, v2;
	v2 =	vld [tilespmem:s26+$0x7030]  }
0x6c: {  	v5 =	vld [tilespmem:s26+$0x1030]  }
0x6d: {  	[tilespmem:s26+$0x13000] =	vst v0;
	v0 =	vadd.f32 v6, v1;
	v1 =	vld [tilespmem:s26+$0x7040]  }
0x6e: {  	v6 =	vld [tilespmem:s26+$0x1040]  }
0x6f: {  	[tilespmem:s26+$0x13010] =	vst v0;
	v0 =	vadd.f32 v4, v3;
	v3 =	vld [tilespmem:s26+$0x7050]  }
0x70: {  	v4 =	vld [tilespmem:s26+$0x1050]  }
0x71: {  	[tilespmem:s26+$0x13020] =	vst v0;
	v0 =	vadd.f32 v5, v2;
	v2 =	vld [tilespmem:s26+$0x7060]  }
0x72: {  	v5 =	vld [tilespmem:s26+$0x1060]  }
0x73: {  	[tilespmem:s26+$0x13030] =	vst v0;
	v0 =	vadd.f32 v6, v1;
	v1 =	vld [tilespmem:s26+$0x7070]  }
0x74: {  	v6 =	vld [tilespmem:s26+$0x1070]  }
0x75: {  	[tilespmem:s26+$0x13040] =	vst v0;
	v0 =	vadd.f32 v4, v3;
	v3 =	vld [tilespmem:s26+$0x7400]  }
0x76: {  	v4 =	vld [tilespmem:s26+$0x1400]  }
0x77: {  	[tilespmem:s26+$0x13050] =	vst v0;
	v0 =	vadd.f32 v5, v2;
	v2 =	vld [tilespmem:s26+$0x7410]  }
0x78: {  	v5 =	vld [tilespmem:s26+$0x1410]  }
0x79: {  	v7 =	vld [tilespmem:s26+$0x1420]  }
0x7a: {  	[tilespmem:s26+$0x13060] =	vst v0;
	v0 =	vadd.f32 v6, v1;
	v6 =	vld [tilespmem:s26+$0x7420]  }
0x7b: {  	v1 =	vld [tilespmem:s26+$0x7430]  }
0x7c: {  	[tilespmem:s26+$0x13070] =	vst v0;
	v0 =	vadd.f32 v4, v3;
	v3 =	vld [tilespmem:s26+$0x1430]  }
0x7d: {  	v4 =	vadd.f32 v5, v2;
	v2 =	vld [tilespmem:s26+$0x1440]  }
0x7e: {  	s2 =	sshll.u32 s22, $0x4;
	s29 =	simm.s32 $0x0;
	s28 =	sshll.u32 s24, $0xD;
	[tilespmem:s26+$0x13400] =	vst v0;
	v0 =	vld [tilespmem:s26+$0x7440]  }
0x7f: {  	s30 =	simm.s32 $0x2;
	s28 =	sor.u32 s28, s4;
	s25 =	sand.u32 $0xE0, s2;
	v5 =	vld [tilespmem:s26+$0x1450];
	v6 =	vadd.f32 v7, v6  }
0x80: {  	s31 =	smul.u32 $0x1800, s29;
	s29 =	simm.s32 $0x80;
	s28 =	sor.u32 s25, s28;
	[tilespmem:s26+$0x13410] =	vst v4;
	v4 =	vld [tilespmem:s26+$0x7450]  }
.LBB2_3:
0x81: {  	p1 =	sne.s32 s30, $0x1F;
	s2 =	sand.u32 $0x380, s29;
	[tilespmem:s26+$0x13420] =	vst v6;
	v1 =	vadd.f32 v3, v1;
	v3 =	vld [tilespmem:s26+$0x7460]  }
0x82: {  	s2 =	sor.u32 s2, s31;
	v6 =	vld [tilespmem:s26+$0x1460]  }
0x83: {  	v7 =	vld [tilespmem:s2+$0x7470];
	[tilespmem:s26+$0x13430] =	vst v1;
	v0 =	vadd.f32 v2, v0  }
0x84: {  	v1 =	vld [tilespmem:s2+$0x1470]  }
0x85: {  	v2 =	vld [tilespmem:s2+$0x6000];
	[tilespmem:s26+$0x13440] =	vst v0;
	v0 =	vadd.f32 v5, v4  }
0x86: {  	v4 =	vld [tilespmem:s2+$0x0]  }
0x87: {  	v5 =	vld [tilespmem:s2+$0x6010];
	[tilespmem:s26+$0x13450] =	vst v0;
	v0 =	vadd.f32 v6, v3  }
0x88: {  	v3 =	vld [tilespmem:s2+$0x10]  }
0x89: {  	v6 =	vld [tilespmem:s2+$0x6020];
	v1 =	vadd.f32 v1, v7;
	[tilespmem:s26+$0x13460] =	vst v0;
	s26 =	smov.u32 s2  }
0x8a: {  	v0 =	vld [tilespmem:s26+$0x20]  }
0x8b: {  	v2 =	vadd.f32 v4, v2;
	v4 =	vld [tilespmem:s26+$0x6030];
	[tilespmem:s26+$0x13470] =	vst v1  }
0x8c: {  	v1 =	vld [tilespmem:s26+$0x30]  }
0x8d: {  	[tilespmem:s26+$0x12000] =	vst v2;
	v2 =	vadd.f32 v3, v5;
	v3 =	vld [tilespmem:s26+$0x6040]  }
0x8e: {  	v5 =	vld [tilespmem:s26+$0x40]  }
0x8f: {  	[tilespmem:s26+$0x12010] =	vst v2;
	v0 =	vadd.f32 v0, v6;
	v2 =	vld [tilespmem:s26+$0x6050]  }
0x90: {  	v6 =	vld [tilespmem:s26+$0x50]  }
0x91: {  	[tilespmem:s26+$0x12020] =	vst v0;
	v0 =	vadd.f32 v1, v4;
	v1 =	vld [tilespmem:s26+$0x6060]  }
0x92: {  	v4 =	vld [tilespmem:s26+$0x60]  }
0x93: {  	[tilespmem:s26+$0x12030] =	vst v0;
	v0 =	vadd.f32 v5, v3;
	v3 =	vld [tilespmem:s26+$0x6070]  }
0x94: {  	v5 =	vld [tilespmem:s26+$0x70]  }
0x95: {  	[tilespmem:s26+$0x12040] =	vst v0;
	v0 =	vadd.f32 v6, v2;
	v2 =	vld [tilespmem:s26+$0x6400]  }
0x96: {  	v6 =	vld [tilespmem:s26+$0x400]  }
0x97: {  	[tilespmem:s26+$0x12050] =	vst v0;
	v0 =	vadd.f32 v4, v1;
	v1 =	vld [tilespmem:s26+$0x6410]  }
0x98: {  	v4 =	vld [tilespmem:s26+$0x410]  }
0x99: {  	[tilespmem:s26+$0x12060] =	vst v0;
	v0 =	vadd.f32 v5, v3;
	v3 =	vld [tilespmem:s26+$0x6420]  }
0x9a: {  	v5 =	vld [tilespmem:s26+$0x420]  }
0x9b: {  	[tilespmem:s26+$0x12070] =	vst v0;
	v0 =	vadd.f32 v6, v2;
	v2 =	vld [tilespmem:s26+$0x6430]  }
0x9c: {  	v6 =	vld [tilespmem:s26+$0x430]  }
0x9d: {  	[tilespmem:s26+$0x12400] =	vst v0;
	v0 =	vadd.f32 v4, v1;
	v1 =	vld [tilespmem:s26+$0x6440]  }
0x9e: {  	v4 =	vld [tilespmem:s26+$0x440]  }
0x9f: {  	[tilespmem:s26+$0x12410] =	vst v0;
	v0 =	vadd.f32 v5, v3;
	v3 =	vld [tilespmem:s26+$0x6450]  }
0xa0: {  	v5 =	vld [tilespmem:s26+$0x450]  }
0xa1: {  	[tilespmem:s26+$0x12420] =	vst v0;
	v0 =	vadd.f32 v6, v2;
	v2 =	vld [tilespmem:s26+$0x6460]  }
0xa2: {  	v6 =	vld [tilespmem:s26+$0x460]  }
0xa3: {  	[tilespmem:s26+$0x12430] =	vst v0;
	v0 =	vadd.f32 v4, v1;
	v1 =	vld [tilespmem:s26+$0x6470]  }
0xa4: {  	v4 =	vld [tilespmem:s26+$0x470]  }
0xa5: {  	[tilespmem:s26+$0x12440] =	vst v0;
	v0 =	vadd.f32 v5, v3;
	v3 =	vld [tilespmem:s26+$0x6800]  }
0xa6: {  	v5 =	vld [tilespmem:s26+$0x800]  }
0xa7: {  	[tilespmem:s26+$0x12450] =	vst v0;
	v0 =	vadd.f32 v6, v2;
	v2 =	vld [tilespmem:s26+$0x6810]  }
0xa8: {  	v6 =	vld [tilespmem:s26+$0x810]  }
0xa9: {  	[tilespmem:s26+$0x12460] =	vst v0;
	v0 =	vadd.f32 v4, v1;
	v1 =	vld [tilespmem:s26+$0x6820]  }
0xaa: {  	v4 =	vld [tilespmem:s26+$0x820]  }
0xab: {  	[tilespmem:s26+$0x12470] =	vst v0;
	v0 =	vadd.f32 v5, v3;
	v3 =	vld [tilespmem:s26+$0x6830]  }
0xac: {  	v5 =	vld [tilespmem:s26+$0x830]  }
0xad: {  	[tilespmem:s26+$0x12800] =	vst v0;
	v0 =	vadd.f32 v6, v2;
	v2 =	vld [tilespmem:s26+$0x6840]  }
0xae: {  	v6 =	vld [tilespmem:s26+$0x840]  }
0xaf: {  	[tilespmem:s26+$0x12810] =	vst v0;
	v0 =	vadd.f32 v4, v1;
	v1 =	vld [tilespmem:s26+$0x6850]  }
0xb0: {  	v4 =	vld [tilespmem:s26+$0x850]  }
0xb1: {  	[tilespmem:s26+$0x12820] =	vst v0;
	v0 =	vadd.f32 v5, v3;
	v3 =	vld [tilespmem:s26+$0x6860]  }
0xb2: {  	v5 =	vld [tilespmem:s26+$0x860]  }
0xb3: {  	[tilespmem:s26+$0x12830] =	vst v0;
	v0 =	vadd.f32 v6, v2;
	v2 =	vld [tilespmem:s26+$0x6870]  }
0xb4: {  	v6 =	vld [tilespmem:s26+$0x870]  }
0xb5: {  	[tilespmem:s26+$0x12840] =	vst v0;
	v0 =	vadd.f32 v4, v1;
	v1 =	vld [tilespmem:s26+$0x6C00]  }
0xb6: {  	v4 =	vld [tilespmem:s26+$0xC00]  }
0xb7: {  	[tilespmem:s26+$0x12850] =	vst v0;
	v0 =	vadd.f32 v5, v3;
	v3 =	vld [tilespmem:s26+$0x6C10]  }
0xb8: {  	v5 =	vld [tilespmem:s26+$0xC10]  }
0xb9: {  	[tilespmem:s26+$0x12860] =	vst v0;
	v0 =	vadd.f32 v6, v2;
	v2 =	vld [tilespmem:s26+$0x6C20]  }
0xba: {  	v6 =	vld [tilespmem:s26+$0xC20]  }
0xbb: {  	[tilespmem:s26+$0x12870] =	vst v0;
	v0 =	vadd.f32 v4, v1;
	v1 =	vld [tilespmem:s26+$0x6C30]  }
0xbc: {  	v4 =	vld [tilespmem:s26+$0xC30]  }
0xbd: {  	[tilespmem:s26+$0x12C00] =	vst v0;
	v0 =	vadd.f32 v5, v3;
	v3 =	vld [tilespmem:s26+$0x6C40]  }
0xbe: {  	v5 =	vld [tilespmem:s26+$0xC40]  }
0xbf: {  	[tilespmem:s26+$0x12C10] =	vst v0;
	v0 =	vadd.f32 v6, v2;
	v2 =	vld [tilespmem:s26+$0x6C50]  }
0xc0: {  	v6 =	vld [tilespmem:s26+$0xC50]  }
0xc1: {  	[tilespmem:s26+$0x12C20] =	vst v0;
	v0 =	vadd.f32 v4, v1;
	v1 =	vld [tilespmem:s26+$0x6C60]  }
0xc2: {  	v4 =	vld [tilespmem:s26+$0xC60]  }
0xc3: {  	[tilespmem:s26+$0x12C30] =	vst v0;
	v0 =	vadd.f32 v5, v3;
	v3 =	vld [tilespmem:s26+$0x6C70]  }
0xc4: {  	v5 =	vld [tilespmem:s26+$0xC70]  }
0xc5: {  	[tilespmem:s26+$0x12C40] =	vst v0;
	v0 =	vadd.f32 v6, v2;
	v2 =	vld [tilespmem:s26+$0x7000]  }
0xc6: {  	v6 =	vld [tilespmem:s26+$0x1000]  }
0xc7: {  	[tilespmem:s26+$0x12C50] =	vst v0;
	v0 =	vadd.f32 v4, v1;
	v1 =	vld [tilespmem:s26+$0x7010]  }
0xc8: {  	v4 =	vld [tilespmem:s26+$0x1010]  }
0xc9: {  	[tilespmem:s26+$0x12C60] =	vst v0;
	v0 =	vadd.f32 v5, v3;
	v3 =	vld [tilespmem:s26+$0x7020]  }
0xca: {  	v5 =	vld [tilespmem:s26+$0x1020]  }
0xcb: {  	[tilespmem:s26+$0x12C70] =	vst v0;
	v0 =	vadd.f32 v6, v2;
	v2 =	vld [tilespmem:s26+$0x7030]  }
0xcc: {  	v6 =	vld [tilespmem:s26+$0x1030]  }
0xcd: {  	[tilespmem:s26+$0x13000] =	vst v0;
	v0 =	vadd.f32 v4, v1;
	v1 =	vld [tilespmem:s26+$0x7040]  }
0xce: {  	v4 =	vld [tilespmem:s26+$0x1040]  }
0xcf: {  	[tilespmem:s26+$0x13010] =	vst v0;
	v0 =	vadd.f32 v5, v3;
	v3 =	vld [tilespmem:s26+$0x7050]  }
0xd0: {  	v5 =	vld [tilespmem:s26+$0x1050]  }
0xd1: {  	[tilespmem:s26+$0x13020] =	vst v0;
	v0 =	vadd.f32 v6, v2;
	v2 =	vld [tilespmem:s26+$0x7060]  }
0xd2: {  	v6 =	vld [tilespmem:s26+$0x1060]  }
0xd3: {  	[tilespmem:s26+$0x13030] =	vst v0;
	v0 =	vadd.f32 v4, v1;
	v1 =	vld [tilespmem:s26+$0x7070]  }
0xd4: {  	v4 =	vld [tilespmem:s26+$0x1070]  }
0xd5: {  	[tilespmem:s26+$0x13040] =	vst v0;
	v0 =	vadd.f32 v5, v3;
	v3 =	vld [tilespmem:s26+$0x7400]  }
0xd6: {  	v5 =	vld [tilespmem:s26+$0x1400]  }
0xd7: {  	[tilespmem:s26+$0x13050] =	vst v0;
	v0 =	vadd.f32 v6, v2;
	v2 =	vld [tilespmem:s26+$0x7410]  }
0xd8: {  	v6 =	vld [tilespmem:s26+$0x1410]  }
0xd9: {  	[tilespmem:s26+$0x13060] =	vst v0;
	v0 =	vadd.f32 v4, v1;
	v4 =	vld [tilespmem:s26+$0x7420]  }
0xda: {  	v7 =	vld [tilespmem:s26+$0x1420]  }
0xdb: {  	[tilespmem:s26+$0x13070] =	vst v0;
	v0 =	vadd.f32 v5, v3;
	v1 =	vld [tilespmem:s26+$0x7430]  }
.Ltmp2:
0xdc: {  	v3 =	vld [tilespmem:s26+$0x1430];
	(pc) =	sbr.rel @p1 .LBB2_3-.Ltmp2, $4  }
0xdd: {  	[tilespmem:s26+$0x13400] =	vst v0;
	v5 =	vadd.f32 v6, v2;
	v0 =	vld [tilespmem:s26+$0x7440]  }
0xde: {  	v2 =	vld [tilespmem:s26+$0x1440]  }
0xdf: {  	s2 =	sshrl.u32 s30, $0x3;
	[tilespmem:s26+$0x13410] =	vst v5;
	v6 =	vadd.f32 v7, v4;
	v4 =	vld [tilespmem:s26+$0x7450]  }
0xe0: {  	s29 =	sadd.s32 $0x80, s29;
	s30 =	sadd.s32 $0x1, s30;
	s31 =	smul.u32 $0x1800, s2;
	v5 =	vld [tilespmem:s26+$0x1450]  }
0xe1: {  	s2 =	sand.u32 $0x380, s29;
	v61 =	vld [tilespmem:s26+$0x7460];
	v1 =	vadd.f32 v3, v1  }
0xe2: {  	[tilespmem:s26+$0x13420] =	vst v6;
	v62 =	vld [tilespmem:s26+$0x1460];
	s29 =	sor.u32 s2, s31  }
0xe3: {  	v7 =	vld [tilespmem:s29+$0x7470];
	[tilespmem:s26+$0x13430] =	vst v1;
	v0 =	vadd.f32 v2, v0  }
0xe4: {  	v1 =	vld [tilespmem:s29+$0x1470]  }
0xe5: {  	v63 =	vld [tilespmem:s29+$0x6000];
	[tilespmem:s26+$0x13440] =	vst v0;
	v55 =	vadd.f32 v5, v4  }
0xe6: {  	v56 =	vld [tilespmem:s29+$0x0]  }
0xe7: {  	v57 =	vld [tilespmem:s29+$0x6010];
	v58 =	vadd.f32 v62, v61;
	[tilespmem:s26+$0x13450] =	vst v55  }
0xe8: {  	v59 =	vld [tilespmem:s29+$0x10]  }
0xe9: {  	v60 =	vld [tilespmem:s29+$0x6020];
	[tilespmem:s26+$0x13460] =	vst v58  }
0xea: {  	v0 =	vld [tilespmem:s29+$0x20]  }
0xeb: {  	v8 =	vld [tilespmem:s29+$0x6030]  }
0xec: {  	v9 =	vld [tilespmem:s29+$0x30]  }
0xed: {  	v10 =	vld [tilespmem:s29+$0x6040]  }
0xee: {  	v11 =	vld [tilespmem:s29+$0x40]  }
0xef: {  	v12 =	vld [tilespmem:s29+$0x6050]  }
0xf0: {  	v13 =	vld [tilespmem:s29+$0x50]  }
0xf1: {  	v14 =	vld [tilespmem:s29+$0x6060]  }
0xf2: {  	v15 =	vld [tilespmem:s29+$0x60]  }
0xf3: {  	v16 =	vld [tilespmem:s29+$0x6070]  }
0xf4: {  	v17 =	vld [tilespmem:s29+$0x70]  }
0xf5: {  	v18 =	vld [tilespmem:s29+$0x6400]  }
0xf6: {  	v19 =	vld [tilespmem:s29+$0x400]  }
0xf7: {  	v20 =	vld [tilespmem:s29+$0x6410]  }
0xf8: {  	v21 =	vld [tilespmem:s29+$0x410]  }
0xf9: {  	v22 =	vld [tilespmem:s29+$0x6420]  }
0xfa: {  	v23 =	vld [tilespmem:s29+$0x420]  }
0xfb: {  	v24 =	vld [tilespmem:s29+$0x6430]  }
0xfc: {  	v25 =	vld [tilespmem:s29+$0x430]  }
0xfd: {  	v26 =	vld [tilespmem:s29+$0x6440]  }
0xfe: {  	v27 =	vld [tilespmem:s29+$0x440]  }
0xff: {  	v28 =	vld [tilespmem:s29+$0x6450]  }
0x100: {  	v29 =	vld [tilespmem:s29+$0x450]  }
0x101: {  	v30 =	vld [tilespmem:s29+$0x6460]  }
0x102: {  	v31 =	vld [tilespmem:s29+$0x460]  }
0x103: {  	v32 =	vld [tilespmem:s29+$0x6470]  }
0x104: {  	v33 =	vld [tilespmem:s29+$0x470]  }
0x105: {  	v34 =	vld [tilespmem:s29+$0x6800]  }
0x106: {  	v35 =	vld [tilespmem:s29+$0x800]  }
0x107: {  	v36 =	vld [tilespmem:s29+$0x6810]  }
0x108: {  	v37 =	vld [tilespmem:s29+$0x810]  }
0x109: {  	v38 =	vld [tilespmem:s29+$0x6820]  }
0x10a: {  	v39 =	vld [tilespmem:s29+$0x820]  }
0x10b: {  	v40 =	vld [tilespmem:s29+$0x6830]  }
0x10c: {  	v41 =	vld [tilespmem:s29+$0x830]  }
0x10d: {  	v42 =	vld [tilespmem:s29+$0x6840]  }
0x10e: {  	v43 =	vld [tilespmem:s29+$0x840]  }
0x10f: {  	v44 =	vld [tilespmem:s29+$0x6850]  }
0x110: {  	v45 =	vld [tilespmem:s29+$0x850]  }
0x111: {  	v46 =	vld [tilespmem:s29+$0x6860]  }
0x112: {  	v47 =	vld [tilespmem:s29+$0x860]  }
0x113: {  	v48 =	vld [tilespmem:s29+$0x6870]  }
0x114: {  	v49 =	vld [tilespmem:s29+$0x870]  }
0x115: {  	v50 =	vld [tilespmem:s29+$0x6C00]  }
0x116: {  	v51 =	vld [tilespmem:s29+$0xC00]  }
0x117: {  	v52 =	vld [tilespmem:s29+$0x6C10]  }
0x118: {  	v1 =	vadd.f32 v1, v7;
	v7 =	vld [tilespmem:s29+$0xC10]  }
0x119: {  	v4 =	vld [tilespmem:s29+$0x6C20];
	v2 =	vadd.f32 v56, v63  }
0x11a: {  	v3 =	vld [tilespmem:s29+$0xC20];
	[tilespmem:s29+$0x13470] =	vst v1;
	v61 =	vadd.f32 v59, v57  }
0x11b: {  	v5 =	vld [tilespmem:s29+$0xC30];
	[tilespmem:s29+$0x12000] =	vst v2;
	v0 =	vadd.f32 v0, v60  }
0x11c: {  	v6 =	vld [tilespmem:s29+$0x6C40];
	v62 =	vadd.f32 v9, v8;
	[tilespmem:s29+$0x12010] =	vst v61  }
0x11d: {  	v54 =	vld [tilespmem:s29+$0x1040];
	v63 =	vadd.f32 v11, v10;
	[tilespmem:s29+$0x12020] =	vst v0  }
0x11e: {  	v58 =	vld [tilespmem:s29+$0x1050];
	v13 =	vadd.f32 v13, v12;
	[tilespmem:s29+$0x12030] =	vst v62  }
0x11f: {  	v56 =	vld [tilespmem:s29+$0x7050];
	v15 =	vadd.f32 v15, v14;
	[tilespmem:s29+$0x12040] =	vst v63  }
0x120: {  	v2 =	vld [tilespmem:s29+$0x6C30];
	v17 =	vadd.f32 v17, v16;
	[tilespmem:s29+$0x12050] =	vst v13  }
0x121: {  	v8 =	vld [tilespmem:s29+$0xC40];
	v19 =	vadd.f32 v19, v18;
	[tilespmem:s29+$0x12060] =	vst v15  }
0x122: {  	v9 =	vld [tilespmem:s29+$0x6C50];
	v21 =	vadd.f32 v21, v20;
	[tilespmem:s29+$0x12070] =	vst v17  }
0x123: {  	v10 =	vld [tilespmem:s29+$0xC50];
	v23 =	vadd.f32 v23, v22;
	[tilespmem:s29+$0x12400] =	vst v19  }
0x124: {  	v11 =	vld [tilespmem:s29+$0x6C60];
	v25 =	vadd.f32 v25, v24;
	[tilespmem:s29+$0x12410] =	vst v21  }
0x125: {  	v12 =	vld [tilespmem:s29+$0xC60];
	v27 =	vadd.f32 v27, v26;
	[tilespmem:s29+$0x12420] =	vst v23  }
0x126: {  	v14 =	vld [tilespmem:s29+$0xC70];
	v29 =	vadd.f32 v29, v28;
	[tilespmem:s29+$0x12430] =	vst v25  }
0x127: {  	v16 =	vld [tilespmem:s29+$0x1000];
	v31 =	vadd.f32 v31, v30;
	[tilespmem:s29+$0x12440] =	vst v27  }
0x128: {  	v33 =	vadd.f32 v33, v32;
	v18 =	vld [tilespmem:s29+$0x1010];
	[tilespmem:s29+$0x12450] =	vst v29  }
0x129: {  	v35 =	vadd.f32 v35, v34;
	v20 =	vld [tilespmem:s29+$0x1020];
	[tilespmem:s29+$0x12460] =	vst v31  }
0x12a: {  	v37 =	vadd.f32 v37, v36;
	v22 =	vld [tilespmem:s29+$0x1030];
	[tilespmem:s29+$0x12470] =	vst v33  }
0x12b: {  	v39 =	vadd.f32 v39, v38;
	v60 =	vld [tilespmem:s29+$0x7060];
	[tilespmem:s29+$0x12800] =	vst v35  }
0x12c: {  	v41 =	vadd.f32 v41, v40;
	v28 =	vld [tilespmem:s29+$0x7070];
	[tilespmem:s29+$0x12810] =	vst v37  }
0x12d: {  	v43 =	vadd.f32 v43, v42;
	v30 =	vld [tilespmem:s29+$0x1070];
	[tilespmem:s29+$0x12820] =	vst v39  }
0x12e: {  	v53 =	vadd.f32 v45, v44;
	v32 =	vld [tilespmem:s29+$0x7400];
	[tilespmem:s29+$0x12830] =	vst v41  }
0x12f: {  	v55 =	vadd.f32 v47, v46;
	v34 =	vld [tilespmem:s29+$0x1400];
	[tilespmem:s29+$0x12840] =	vst v43  }
0x130: {  	v57 =	vadd.f32 v49, v48;
	v36 =	vld [tilespmem:s29+$0x7410];
	[tilespmem:s29+$0x12850] =	vst v53  }
0x131: {  	v59 =	vadd.f32 v51, v50;
	v38 =	vld [tilespmem:s29+$0x1410];
	[tilespmem:s29+$0x12860] =	vst v55  }
0x132: {  	v40 =	vld [tilespmem:s29+$0x7420];
	v61 =	vadd.f32 v7, v52;
	[tilespmem:s29+$0x12870] =	vst v57  }
0x133: {  	v42 =	vld [tilespmem:s29+$0x1420];
	[tilespmem:s29+$0x12C00] =	vst v59;
	v63 =	vadd.f32 v3, v4  }
0x134: {  	v44 =	vld [tilespmem:s29+$0x7430];
	v49 =	vadd.f32 v58, v56;
	[tilespmem:s29+$0x12C10] =	vst v61  }
0x135: {  	v46 =	vld [tilespmem:s29+$0x1430];
	v29 =	vadd.f32 v5, v2;
	[tilespmem:s29+$0x12C20] =	vst v63  }
0x136: {  	v48 =	vld [tilespmem:s29+$0x7440];
	[tilespmem:s29+$0x13050] =	vst v49;
	v31 =	vadd.f32 v8, v6  }
0x137: {  	v50 =	vld [tilespmem:s29+$0x1440];
	v33 =	vadd.f32 v10, v9;
	[tilespmem:s29+$0x12C30] =	vst v29  }
0x138: {  	v13 =	vld [tilespmem:s29+$0x6C70];
	v35 =	vadd.f32 v12, v11;
	[tilespmem:s29+$0x12C40] =	vst v31  }
0x139: {  	v15 =	vld [tilespmem:s29+$0x7000];
	v53 =	vadd.f32 v30, v28;
	[tilespmem:s29+$0x12C50] =	vst v33  }
0x13a: {  	v17 =	vld [tilespmem:s29+$0x7010];
	v55 =	vadd.f32 v34, v32;
	[tilespmem:s29+$0x12C60] =	vst v35  }
0x13b: {  	v19 =	vld [tilespmem:s29+$0x7020];
	v57 =	vadd.f32 v38, v36;
	[tilespmem:s29+$0x13070] =	vst v53  }
0x13c: {  	v21 =	vld [tilespmem:s29+$0x7030];
	v59 =	vadd.f32 v42, v40;
	[tilespmem:s29+$0x13400] =	vst v55  }
0x13d: {  	v23 =	vld [tilespmem:s29+$0x7040];
	v61 =	vadd.f32 v50, v48;
	[tilespmem:s29+$0x13410] =	vst v57  }
0x13e: {  	v52 =	vld [tilespmem:s29+$0x7450];
	v37 =	vadd.f32 v14, v13;
	[tilespmem:s29+$0x13420] =	vst v59  }
0x13f: {  	v62 =	vld [tilespmem:s29+$0x1060];
	v39 =	vadd.f32 v16, v15;
	[tilespmem:s29+$0x13440] =	vst v61  }
0x140: {  	v56 =	vld [tilespmem:s29+$0x7460];
	v41 =	vadd.f32 v18, v17;
	[tilespmem:s29+$0x12C70] =	vst v37  }
0x141: {  	v58 =	vld [tilespmem:s29+$0x1460];
	v43 =	vadd.f32 v20, v19;
	[tilespmem:s29+$0x13000] =	vst v39  }
0x142: {  	v45 =	vadd.f32 v22, v21;
	v47 =	vadd.f32 v54, v23;
	v54 =	vld [tilespmem:s29+$0x1450];
	[tilespmem:s29+$0x13010] =	vst v41  }
0x143: {  	[tilespmem:s29+$0x13020] =	vst v43  }
0x144: {  	v51 =	vadd.f32 v62, v60;
	[tilespmem:s29+$0x13030] =	vst v45  }
0x145: {  	p1 =	sne.s32 s22, $0xF;
	v60 =	vadd.f32 v46, v44;
	[tilespmem:s29+$0x13040] =	vst v47  }
.Ltmp3:
0x146: {  	s31 =	sshrl.u32 s28, $0x3;
	v63 =	vadd.f32 v58, v56;
	[tilespmem:s29+$0x13060] =	vst v51;
	(pc) =	sbr.rel @p1 .LBB2_6-.Ltmp3, $4  }
0x147: {  	s26 =	smul.u32 $0x300, s31;
	[tilespmem:s29+$0x13430] =	vst v60;
	v62 =	vadd.f32 v54, v52  }
0x148: {  	[tilespmem:s29+$0x13460] =	vst v63  }
0x149: {  	s2 =	sadd.s32 s5, s26;
	[tilespmem:s29+$0x13450] =	vst v62  }
0x14a: {  	[hbm4b:s2+s6] =	stream.linear.scatter [tilespmem:s16], [sflag:$0x4], $0x6000, $0x38;
	[tilespmem:$0x1E000] =	vst v63  }
.Ltmp4:
0x14b: {  	(pc) =	sbr.rel .LBB2_7-.Ltmp4, $4  }
0x14c: {  	_ = 	snop  }
0x14d: {  	_ =	swait.ge [sflag:s17], $0x6000  }
0x14e: {  	[sflag:s17] =	ssyncset.done $0x0  }
0x14f: {  	[sflag:s17] =	ssyncadd.s32 $0xFFFFA000  }
.LBB2_6:
0x150: {  	s2 =	sadd.s32 $0x2, s23  }
0x151: {  	s28 =	sshll.u32 s2, $0xD  }
0x152: {  	s2 =	sshll.u32 s2, $0x3;
	s28 =	sand.u32 $0x4000, s28  }
0x153: {  	s2 =	sand.u32 $0x1E0, s2;
	s28 =	sor.u32 s4, s28  }
0x154: {  	s2 =	sadd.s32 s2, s28  }
0x155: {  	s2 =	sshrl.u32 s2, $0x3  }
0x156: {  	s2 =	smul.u32 $0x300, s2;
	_ =	sdelay $0x1  }
.Ltmp5:
0x157: {  	s2 =	sadd.s32 s1, s2;
	(pc) =	sbr.rel @p0 .LBB2_8-.Ltmp5, $4  }
0x158: {  	[tilespmem:s13], [sflag:$0x1] =	stream.linear.gather [hbm4b:s2+s6], $0x6000, $0x38;
	[tilespmem:$0x1E000] =	vst v63  }
0x159: {  	_ =	swait.ge [sflag:s17], $0x6000  }
0x15a: {  	[sflag:s17] =	ssyncset.done $0x0  }
0x15b: {  	[sflag:s17] =	ssyncadd.s32 $0xFFFFA000  }
.LBB2_7:
0x15c: {  	_ =	swait.ge [sflag:s18], $0x6000  }
0x15d: {  	[sflag:s18] =	ssyncset.done $0x0  }
0x15e: {  	[sflag:s18] =	ssyncadd.s32 $0xFFFFA000  }
.LBB2_8:
0x15f: {  	s2 =	simm.s32 $0x0  }
0x160: {  	s28 =	simm.s32 $0x0;
	s2 =	smul.u32 $0x1800, s2  }
0x161: {  	s28 =	sand.u32 $0x380, s28  }
0x162: {  	s28 =	sor.u32 s28, s2  }
0x163: {  	v0 =	vld [tilespmem:s28+$0xD470]  }
0x164: {  	v1 =	vld [tilespmem:s28+$0x1470]  }
0x165: {  	v2 =	vld [tilespmem:s28+$0xC000]  }
0x166: {  	v3 =	vld [tilespmem:s28+$0x0]  }
0x167: {  	v4 =	vld [tilespmem:s28+$0xC010]  }
0x168: {  	v5 =	vld [tilespmem:s28+$0x10]  }
0x169: {  	v6 =	vld [tilespmem:s28+$0xC020]  }
0x16a: {  	v7 =	vld [tilespmem:s28+$0xC030]  }
0x16b: {  	v8 =	vld [tilespmem:s28+$0x1420];
	v0 =	vadd.f32 v1, v0  }
0x16c: {  	v1 =	vld [tilespmem:s28+$0x20]  }
0x16d: {  	v2 =	vadd.f32 v3, v2;
	[tilespmem:s28+$0x19470] =	vst v0;
	v0 =	vld [tilespmem:s28+$0x30]  }
0x16e: {  	v3 =	vld [tilespmem:s28+$0xC040]  }
0x16f: {  	[tilespmem:s28+$0x18000] =	vst v2;
	v2 =	vadd.f32 v5, v4;
	v4 =	vld [tilespmem:s28+$0x40]  }
0x170: {  	v5 =	vld [tilespmem:s28+$0x50]  }
0x171: {  	[tilespmem:s28+$0x18010] =	vst v2;
	v2 =	vld [tilespmem:s28+$0xC050];
	v1 =	vadd.f32 v1, v6  }
0x172: {  	v6 =	vld [tilespmem:s28+$0x60];
	v0 =	vadd.f32 v0, v7  }
0x173: {  	[tilespmem:s28+$0x18020] =	vst v1;
	v1 =	vld [tilespmem:s28+$0xC060]  }
0x174: {  	[tilespmem:s28+$0x18030] =	vst v0;
	v0 =	vadd.f32 v4, v3;
	v3 =	vld [tilespmem:s28+$0xC070]  }
0x175: {  	v4 =	vld [tilespmem:s28+$0x70]  }
0x176: {  	[tilespmem:s28+$0x18040] =	vst v0;
	v0 =	vadd.f32 v5, v2;
	v2 =	vld [tilespmem:s28+$0xC400]  }
0x177: {  	v5 =	vld [tilespmem:s28+$0x400]  }
0x178: {  	[tilespmem:s28+$0x18050] =	vst v0;
	v0 =	vadd.f32 v6, v1;
	v1 =	vld [tilespmem:s28+$0xC410]  }
0x179: {  	v6 =	vld [tilespmem:s28+$0x410]  }
0x17a: {  	[tilespmem:s28+$0x18060] =	vst v0;
	v0 =	vadd.f32 v4, v3;
	v3 =	vld [tilespmem:s28+$0xC420]  }
0x17b: {  	v4 =	vld [tilespmem:s28+$0x420]  }
0x17c: {  	[tilespmem:s28+$0x18070] =	vst v0;
	v0 =	vadd.f32 v5, v2;
	v2 =	vld [tilespmem:s28+$0xC430]  }
0x17d: {  	v5 =	vld [tilespmem:s28+$0x430]  }
0x17e: {  	[tilespmem:s28+$0x18400] =	vst v0;
	v0 =	vadd.f32 v6, v1;
	v1 =	vld [tilespmem:s28+$0xC440]  }
0x17f: {  	v6 =	vld [tilespmem:s28+$0x440]  }
0x180: {  	[tilespmem:s28+$0x18410] =	vst v0;
	v0 =	vadd.f32 v4, v3;
	v3 =	vld [tilespmem:s28+$0xC450]  }
0x181: {  	v4 =	vld [tilespmem:s28+$0x450]  }
0x182: {  	[tilespmem:s28+$0x18420] =	vst v0;
	v0 =	vadd.f32 v5, v2;
	v2 =	vld [tilespmem:s28+$0xC460]  }
0x183: {  	v5 =	vld [tilespmem:s28+$0x460]  }
0x184: {  	[tilespmem:s28+$0x18430] =	vst v0;
	v0 =	vadd.f32 v6, v1;
	v1 =	vld [tilespmem:s28+$0xC470]  }
0x185: {  	v6 =	vld [tilespmem:s28+$0x470]  }
0x186: {  	[tilespmem:s28+$0x18440] =	vst v0;
	v0 =	vadd.f32 v4, v3;
	v3 =	vld [tilespmem:s28+$0xC800]  }
0x187: {  	v4 =	vld [tilespmem:s28+$0x800]  }
0x188: {  	[tilespmem:s28+$0x18450] =	vst v0;
	v0 =	vadd.f32 v5, v2;
	v2 =	vld [tilespmem:s28+$0xC810]  }
0x189: {  	v5 =	vld [tilespmem:s28+$0x810]  }
0x18a: {  	[tilespmem:s28+$0x18460] =	vst v0;
	v0 =	vadd.f32 v6, v1;
	v1 =	vld [tilespmem:s28+$0xC820]  }
0x18b: {  	v6 =	vld [tilespmem:s28+$0x820]  }
0x18c: {  	[tilespmem:s28+$0x18470] =	vst v0;
	v0 =	vadd.f32 v4, v3;
	v3 =	vld [tilespmem:s28+$0xC830]  }
0x18d: {  	v4 =	vld [tilespmem:s28+$0x830]  }
0x18e: {  	[tilespmem:s28+$0x18800] =	vst v0;
	v0 =	vadd.f32 v5, v2;
	v2 =	vld [tilespmem:s28+$0xC840]  }
0x18f: {  	v5 =	vld [tilespmem:s28+$0x840]  }
0x190: {  	[tilespmem:s28+$0x18810] =	vst v0;
	v0 =	vadd.f32 v6, v1;
	v1 =	vld [tilespmem:s28+$0xC850]  }
0x191: {  	v6 =	vld [tilespmem:s28+$0x850]  }
0x192: {  	[tilespmem:s28+$0x18820] =	vst v0;
	v0 =	vadd.f32 v4, v3;
	v3 =	vld [tilespmem:s28+$0xC860]  }
0x193: {  	v4 =	vld [tilespmem:s28+$0x860]  }
0x194: {  	[tilespmem:s28+$0x18830] =	vst v0;
	v0 =	vadd.f32 v5, v2;
	v2 =	vld [tilespmem:s28+$0xC870]  }
0x195: {  	v5 =	vld [tilespmem:s28+$0x870]  }
0x196: {  	[tilespmem:s28+$0x18840] =	vst v0;
	v0 =	vadd.f32 v6, v1;
	v1 =	vld [tilespmem:s28+$0xCC00]  }
0x197: {  	v6 =	vld [tilespmem:s28+$0xC00]  }
0x198: {  	[tilespmem:s28+$0x18850] =	vst v0;
	v0 =	vadd.f32 v4, v3;
	v3 =	vld [tilespmem:s28+$0xCC10]  }
0x199: {  	v4 =	vld [tilespmem:s28+$0xC10]  }
0x19a: {  	[tilespmem:s28+$0x18860] =	vst v0;
	v0 =	vadd.f32 v5, v2;
	v2 =	vld [tilespmem:s28+$0xCC20]  }
0x19b: {  	v5 =	vld [tilespmem:s28+$0xC20]  }
0x19c: {  	[tilespmem:s28+$0x18870] =	vst v0;
	v0 =	vadd.f32 v6, v1;
	v1 =	vld [tilespmem:s28+$0xCC30]  }
0x19d: {  	v6 =	vld [tilespmem:s28+$0xC30]  }
0x19e: {  	[tilespmem:s28+$0x18C00] =	vst v0;
	v0 =	vadd.f32 v4, v3;
	v3 =	vld [tilespmem:s28+$0xCC40]  }
0x19f: {  	v4 =	vld [tilespmem:s28+$0xC40]  }
0x1a0: {  	[tilespmem:s28+$0x18C10] =	vst v0;
	v0 =	vadd.f32 v5, v2;
	v2 =	vld [tilespmem:s28+$0xCC50]  }
0x1a1: {  	v5 =	vld [tilespmem:s28+$0xC50]  }
0x1a2: {  	[tilespmem:s28+$0x18C20] =	vst v0;
	v0 =	vadd.f32 v6, v1;
	v1 =	vld [tilespmem:s28+$0xCC60]  }
0x1a3: {  	v6 =	vld [tilespmem:s28+$0xC60]  }
0x1a4: {  	[tilespmem:s28+$0x18C30] =	vst v0;
	v0 =	vadd.f32 v4, v3;
	v3 =	vld [tilespmem:s28+$0xCC70]  }
0x1a5: {  	v4 =	vld [tilespmem:s28+$0xC70]  }
0x1a6: {  	[tilespmem:s28+$0x18C40] =	vst v0;
	v0 =	vadd.f32 v5, v2;
	v2 =	vld [tilespmem:s28+$0xD000]  }
0x1a7: {  	v5 =	vld [tilespmem:s28+$0x1000]  }
0x1a8: {  	[tilespmem:s28+$0x18C50] =	vst v0;
	v0 =	vadd.f32 v6, v1;
	v1 =	vld [tilespmem:s28+$0xD010]  }
0x1a9: {  	v6 =	vld [tilespmem:s28+$0x1010]  }
0x1aa: {  	[tilespmem:s28+$0x18C60] =	vst v0;
	v0 =	vadd.f32 v4, v3;
	v3 =	vld [tilespmem:s28+$0xD020]  }
0x1ab: {  	v4 =	vld [tilespmem:s28+$0x1020]  }
0x1ac: {  	[tilespmem:s28+$0x18C70] =	vst v0;
	v0 =	vadd.f32 v5, v2;
	v2 =	vld [tilespmem:s28+$0xD030]  }
0x1ad: {  	v5 =	vld [tilespmem:s28+$0x1030]  }
0x1ae: {  	[tilespmem:s28+$0x19000] =	vst v0;
	v0 =	vadd.f32 v6, v1;
	v1 =	vld [tilespmem:s28+$0xD040]  }
0x1af: {  	v6 =	vld [tilespmem:s28+$0x1040]  }
0x1b0: {  	[tilespmem:s28+$0x19010] =	vst v0;
	v0 =	vadd.f32 v4, v3;
	v3 =	vld [tilespmem:s28+$0xD050]  }
0x1b1: {  	v4 =	vld [tilespmem:s28+$0x1050]  }
0x1b2: {  	[tilespmem:s28+$0x19020] =	vst v0;
	v0 =	vadd.f32 v5, v2;
	v2 =	vld [tilespmem:s28+$0xD060]  }
0x1b3: {  	v5 =	vld [tilespmem:s28+$0x1060]  }
0x1b4: {  	[tilespmem:s28+$0x19030] =	vst v0;
	v0 =	vadd.f32 v6, v1;
	v1 =	vld [tilespmem:s28+$0xD070]  }
0x1b5: {  	v6 =	vld [tilespmem:s28+$0x1070]  }
0x1b6: {  	[tilespmem:s28+$0x19040] =	vst v0;
	v0 =	vadd.f32 v4, v3;
	v3 =	vld [tilespmem:s28+$0xD400]  }
0x1b7: {  	v4 =	vld [tilespmem:s28+$0x1400]  }
0x1b8: {  	v7 =	vld [tilespmem:s28+$0x1410];
	[tilespmem:s28+$0x19050] =	vst v0;
	v0 =	vadd.f32 v5, v2  }
0x1b9: {  	v5 =	vld [tilespmem:s28+$0xD410]  }
0x1ba: {  	[tilespmem:s28+$0x19060] =	vst v0;
	v0 =	vadd.f32 v6, v1;
	v6 =	vld [tilespmem:s28+$0xD420]  }
0x1bb: {  	v2 =	vld [tilespmem:s28+$0xD430]  }
0x1bc: {  	[tilespmem:s28+$0x19070] =	vst v0;
	v0 =	vadd.f32 v4, v3;
	v4 =	vld [tilespmem:s28+$0x1430]  }
0x1bd: {  	v3 =	vld [tilespmem:s28+$0x1440]  }
0x1be: {  	v1 =	vadd.f32 v7, v5;
	[tilespmem:s28+$0x19400] =	vst v0;
	v0 =	vld [tilespmem:s28+$0xD440]  }
0x1bf: {  	s2 =	simm.s32 $0x0;
	v5 =	vld [tilespmem:s28+$0x1450];
	v6 =	vadd.f32 v8, v6  }
0x1c0: {  	s30 =	simm.s32 $0x2;
	s29 =	simm.s32 $0x80;
	s31 =	smul.u32 $0x1800, s2;
	[tilespmem:s28+$0x19410] =	vst v1;
	v1 =	vld [tilespmem:s28+$0xD450]  }
.LBB2_9:
0x1c1: {  	p0 =	sne.s32 s30, $0x1F;
	s2 =	sand.u32 $0x380, s29;
	[tilespmem:s28+$0x19420] =	vst v6;
	v2 =	vadd.f32 v4, v2;
	v4 =	vld [tilespmem:s28+$0xD460]  }
0x1c2: {  	s2 =	sor.u32 s2, s31;
	v6 =	vld [tilespmem:s28+$0x1460]  }
0x1c3: {  	v7 =	vld [tilespmem:s2+$0xD470];
	[tilespmem:s28+$0x19430] =	vst v2;
	v0 =	vadd.f32 v3, v0  }
0x1c4: {  	v2 =	vld [tilespmem:s2+$0x1470]  }
0x1c5: {  	v3 =	vld [tilespmem:s2+$0xC000];
	[tilespmem:s28+$0x19440] =	vst v0;
	v0 =	vadd.f32 v5, v1  }
0x1c6: {  	v1 =	vld [tilespmem:s2+$0x0]  }
0x1c7: {  	v5 =	vld [tilespmem:s2+$0xC010];
	[tilespmem:s28+$0x19450] =	vst v0;
	v0 =	vadd.f32 v6, v4  }
0x1c8: {  	v4 =	vld [tilespmem:s2+$0x10]  }
0x1c9: {  	v6 =	vld [tilespmem:s2+$0xC020];
	v2 =	vadd.f32 v2, v7;
	[tilespmem:s28+$0x19460] =	vst v0;
	s28 =	smov.u32 s2  }
0x1ca: {  	v0 =	vld [tilespmem:s28+$0x20]  }
0x1cb: {  	v1 =	vadd.f32 v1, v3;
	v3 =	vld [tilespmem:s28+$0xC030];
	[tilespmem:s28+$0x19470] =	vst v2  }
0x1cc: {  	v2 =	vld [tilespmem:s28+$0x30]  }
0x1cd: {  	[tilespmem:s28+$0x18000] =	vst v1;
	v1 =	vadd.f32 v4, v5;
	v4 =	vld [tilespmem:s28+$0xC040]  }
0x1ce: {  	v5 =	vld [tilespmem:s28+$0x40]  }
0x1cf: {  	[tilespmem:s28+$0x18010] =	vst v1;
	v0 =	vadd.f32 v0, v6;
	v1 =	vld [tilespmem:s28+$0xC050]  }
0x1d0: {  	v6 =	vld [tilespmem:s28+$0x50]  }
0x1d1: {  	[tilespmem:s28+$0x18020] =	vst v0;
	v0 =	vadd.f32 v2, v3;
	v2 =	vld [tilespmem:s28+$0xC060]  }
0x1d2: {  	v3 =	vld [tilespmem:s28+$0x60]  }
0x1d3: {  	[tilespmem:s28+$0x18030] =	vst v0;
	v0 =	vadd.f32 v5, v4;
	v4 =	vld [tilespmem:s28+$0xC070]  }
0x1d4: {  	v5 =	vld [tilespmem:s28+$0x70]  }
0x1d5: {  	[tilespmem:s28+$0x18040] =	vst v0;
	v0 =	vadd.f32 v6, v1;
	v1 =	vld [tilespmem:s28+$0xC400]  }
0x1d6: {  	v6 =	vld [tilespmem:s28+$0x400]  }
0x1d7: {  	[tilespmem:s28+$0x18050] =	vst v0;
	v0 =	vadd.f32 v3, v2;
	v2 =	vld [tilespmem:s28+$0xC410]  }
0x1d8: {  	v3 =	vld [tilespmem:s28+$0x410]  }
0x1d9: {  	[tilespmem:s28+$0x18060] =	vst v0;
	v0 =	vadd.f32 v5, v4;
	v4 =	vld [tilespmem:s28+$0xC420]  }
0x1da: {  	v5 =	vld [tilespmem:s28+$0x420]  }
0x1db: {  	[tilespmem:s28+$0x18070] =	vst v0;
	v0 =	vadd.f32 v6, v1;
	v1 =	vld [tilespmem:s28+$0xC430]  }
0x1dc: {  	v6 =	vld [tilespmem:s28+$0x430]  }
0x1dd: {  	[tilespmem:s28+$0x18400] =	vst v0;
	v0 =	vadd.f32 v3, v2;
	v2 =	vld [tilespmem:s28+$0xC440]  }
0x1de: {  	v3 =	vld [tilespmem:s28+$0x440]  }
0x1df: {  	[tilespmem:s28+$0x18410] =	vst v0;
	v0 =	vadd.f32 v5, v4;
	v4 =	vld [tilespmem:s28+$0xC450]  }
0x1e0: {  	v5 =	vld [tilespmem:s28+$0x450]  }
0x1e1: {  	[tilespmem:s28+$0x18420] =	vst v0;
	v0 =	vadd.f32 v6, v1;
	v1 =	vld [tilespmem:s28+$0xC460]  }
0x1e2: {  	v6 =	vld [tilespmem:s28+$0x460]  }
0x1e3: {  	[tilespmem:s28+$0x18430] =	vst v0;
	v0 =	vadd.f32 v3, v2;
	v2 =	vld [tilespmem:s28+$0xC470]  }
0x1e4: {  	v3 =	vld [tilespmem:s28+$0x470]  }
0x1e5: {  	[tilespmem:s28+$0x18440] =	vst v0;
	v0 =	vadd.f32 v5, v4;
	v4 =	vld [tilespmem:s28+$0xC800]  }
0x1e6: {  	v5 =	vld [tilespmem:s28+$0x800]  }
0x1e7: {  	[tilespmem:s28+$0x18450] =	vst v0;
	v0 =	vadd.f32 v6, v1;
	v1 =	vld [tilespmem:s28+$0xC810]  }
0x1e8: {  	v6 =	vld [tilespmem:s28+$0x810]  }
0x1e9: {  	[tilespmem:s28+$0x18460] =	vst v0;
	v0 =	vadd.f32 v3, v2;
	v2 =	vld [tilespmem:s28+$0xC820]  }
0x1ea: {  	v3 =	vld [tilespmem:s28+$0x820]  }
0x1eb: {  	[tilespmem:s28+$0x18470] =	vst v0;
	v0 =	vadd.f32 v5, v4;
	v4 =	vld [tilespmem:s28+$0xC830]  }
0x1ec: {  	v5 =	vld [tilespmem:s28+$0x830]  }
0x1ed: {  	[tilespmem:s28+$0x18800] =	vst v0;
	v0 =	vadd.f32 v6, v1;
	v1 =	vld [tilespmem:s28+$0xC840]  }
0x1ee: {  	v6 =	vld [tilespmem:s28+$0x840]  }
0x1ef: {  	[tilespmem:s28+$0x18810] =	vst v0;
	v0 =	vadd.f32 v3, v2;
	v2 =	vld [tilespmem:s28+$0xC850]  }
0x1f0: {  	v3 =	vld [tilespmem:s28+$0x850]  }
0x1f1: {  	[tilespmem:s28+$0x18820] =	vst v0;
	v0 =	vadd.f32 v5, v4;
	v4 =	vld [tilespmem:s28+$0xC860]  }
0x1f2: {  	v5 =	vld [tilespmem:s28+$0x860]  }
0x1f3: {  	[tilespmem:s28+$0x18830] =	vst v0;
	v0 =	vadd.f32 v6, v1;
	v1 =	vld [tilespmem:s28+$0xC870]  }
0x1f4: {  	v6 =	vld [tilespmem:s28+$0x870]  }
0x1f5: {  	[tilespmem:s28+$0x18840] =	vst v0;
	v0 =	vadd.f32 v3, v2;
	v2 =	vld [tilespmem:s28+$0xCC00]  }
0x1f6: {  	v3 =	vld [tilespmem:s28+$0xC00]  }
0x1f7: {  	[tilespmem:s28+$0x18850] =	vst v0;
	v0 =	vadd.f32 v5, v4;
	v4 =	vld [tilespmem:s28+$0xCC10]  }
0x1f8: {  	v5 =	vld [tilespmem:s28+$0xC10]  }
0x1f9: {  	[tilespmem:s28+$0x18860] =	vst v0;
	v0 =	vadd.f32 v6, v1;
	v1 =	vld [tilespmem:s28+$0xCC20]  }
0x1fa: {  	v6 =	vld [tilespmem:s28+$0xC20]  }
0x1fb: {  	[tilespmem:s28+$0x18870] =	vst v0;
	v0 =	vadd.f32 v3, v2;
	v2 =	vld [tilespmem:s28+$0xCC30]  }
0x1fc: {  	v3 =	vld [tilespmem:s28+$0xC30]  }
0x1fd: {  	[tilespmem:s28+$0x18C00] =	vst v0;
	v0 =	vadd.f32 v5, v4;
	v4 =	vld [tilespmem:s28+$0xCC40]  }
0x1fe: {  	v5 =	vld [tilespmem:s28+$0xC40]  }
0x1ff: {  	[tilespmem:s28+$0x18C10] =	vst v0;
	v0 =	vadd.f32 v6, v1;
	v1 =	vld [tilespmem:s28+$0xCC50]  }
0x200: {  	v6 =	vld [tilespmem:s28+$0xC50]  }
0x201: {  	[tilespmem:s28+$0x18C20] =	vst v0;
	v0 =	vadd.f32 v3, v2;
	v2 =	vld [tilespmem:s28+$0xCC60]  }
0x202: {  	v3 =	vld [tilespmem:s28+$0xC60]  }
0x203: {  	[tilespmem:s28+$0x18C30] =	vst v0;
	v0 =	vadd.f32 v5, v4;
	v4 =	vld [tilespmem:s28+$0xCC70]  }
0x204: {  	v5 =	vld [tilespmem:s28+$0xC70]  }
0x205: {  	[tilespmem:s28+$0x18C40] =	vst v0;
	v0 =	vadd.f32 v6, v1;
	v1 =	vld [tilespmem:s28+$0xD000]  }
0x206: {  	v6 =	vld [tilespmem:s28+$0x1000]  }
0x207: {  	[tilespmem:s28+$0x18C50] =	vst v0;
	v0 =	vadd.f32 v3, v2;
	v2 =	vld [tilespmem:s28+$0xD010]  }
0x208: {  	v3 =	vld [tilespmem:s28+$0x1010]  }
0x209: {  	[tilespmem:s28+$0x18C60] =	vst v0;
	v0 =	vadd.f32 v5, v4;
	v4 =	vld [tilespmem:s28+$0xD020]  }
0x20a: {  	v5 =	vld [tilespmem:s28+$0x1020]  }
0x20b: {  	[tilespmem:s28+$0x18C70] =	vst v0;
	v0 =	vadd.f32 v6, v1;
	v1 =	vld [tilespmem:s28+$0xD030]  }
0x20c: {  	v6 =	vld [tilespmem:s28+$0x1030]  }
0x20d: {  	[tilespmem:s28+$0x19000] =	vst v0;
	v0 =	vadd.f32 v3, v2;
	v2 =	vld [tilespmem:s28+$0xD040]  }
0x20e: {  	v3 =	vld [tilespmem:s28+$0x1040]  }
0x20f: {  	[tilespmem:s28+$0x19010] =	vst v0;
	v0 =	vadd.f32 v5, v4;
	v4 =	vld [tilespmem:s28+$0xD050]  }
0x210: {  	v5 =	vld [tilespmem:s28+$0x1050]  }
0x211: {  	[tilespmem:s28+$0x19020] =	vst v0;
	v0 =	vadd.f32 v6, v1;
	v1 =	vld [tilespmem:s28+$0xD060]  }
0x212: {  	v6 =	vld [tilespmem:s28+$0x1060]  }
0x213: {  	[tilespmem:s28+$0x19030] =	vst v0;
	v0 =	vadd.f32 v3, v2;
	v2 =	vld [tilespmem:s28+$0xD070]  }
0x214: {  	v3 =	vld [tilespmem:s28+$0x1070]  }
0x215: {  	[tilespmem:s28+$0x19040] =	vst v0;
	v0 =	vadd.f32 v5, v4;
	v4 =	vld [tilespmem:s28+$0xD400]  }
0x216: {  	v5 =	vld [tilespmem:s28+$0x1400]  }
0x217: {  	[tilespmem:s28+$0x19050] =	vst v0;
	v0 =	vadd.f32 v6, v1;
	v1 =	vld [tilespmem:s28+$0xD410]  }
0x218: {  	v6 =	vld [tilespmem:s28+$0x1410]  }
0x219: {  	[tilespmem:s28+$0x19060] =	vst v0;
	v0 =	vadd.f32 v3, v2;
	v7 =	vld [tilespmem:s28+$0xD420]  }
0x21a: {  	v8 =	vld [tilespmem:s28+$0x1420]  }
0x21b: {  	[tilespmem:s28+$0x19070] =	vst v0;
	v0 =	vadd.f32 v5, v4;
	v2 =	vld [tilespmem:s28+$0xD430]  }
.Ltmp6:
0x21c: {  	v4 =	vld [tilespmem:s28+$0x1430];
	(pc) =	sbr.rel @p0 .LBB2_9-.Ltmp6, $4  }
0x21d: {  	[tilespmem:s28+$0x19400] =	vst v0;
	v1 =	vadd.f32 v6, v1;
	v0 =	vld [tilespmem:s28+$0xD440]  }
0x21e: {  	v3 =	vld [tilespmem:s28+$0x1440]  }
0x21f: {  	s2 =	sshrl.u32 s30, $0x3;
	[tilespmem:s28+$0x19410] =	vst v1;
	v6 =	vadd.f32 v8, v7;
	v1 =	vld [tilespmem:s28+$0xD450]  }
0x220: {  	s29 =	sadd.s32 $0x80, s29;
	s30 =	sadd.s32 $0x1, s30;
	s31 =	smul.u32 $0x1800, s2;
	v5 =	vld [tilespmem:s28+$0x1450]  }
0x221: {  	s2 =	sand.u32 $0x380, s29;
	v61 =	vld [tilespmem:s28+$0xD460];
	v2 =	vadd.f32 v4, v2  }
0x222: {  	[tilespmem:s28+$0x19420] =	vst v6;
	v62 =	vld [tilespmem:s28+$0x1460];
	s29 =	sor.u32 s2, s31  }
0x223: {  	v7 =	vld [tilespmem:s29+$0xD470];
	[tilespmem:s28+$0x19430] =	vst v2;
	v0 =	vadd.f32 v3, v0  }
0x224: {  	v2 =	vld [tilespmem:s29+$0x1470]  }
0x225: {  	v63 =	vld [tilespmem:s29+$0xC000];
	[tilespmem:s28+$0x19440] =	vst v0;
	v55 =	vadd.f32 v5, v1  }
0x226: {  	v56 =	vld [tilespmem:s29+$0x0]  }
0x227: {  	v57 =	vld [tilespmem:s29+$0xC010];
	v58 =	vadd.f32 v62, v61;
	[tilespmem:s28+$0x19450] =	vst v55  }
0x228: {  	v59 =	vld [tilespmem:s29+$0x10]  }
0x229: {  	v60 =	vld [tilespmem:s29+$0xC020];
	[tilespmem:s28+$0x19460] =	vst v58  }
0x22a: {  	v0 =	vld [tilespmem:s29+$0x20]  }
0x22b: {  	v8 =	vld [tilespmem:s29+$0xC030]  }
0x22c: {  	v9 =	vld [tilespmem:s29+$0x30]  }
0x22d: {  	v10 =	vld [tilespmem:s29+$0xC040]  }
0x22e: {  	v11 =	vld [tilespmem:s29+$0x40]  }
0x22f: {  	v12 =	vld [tilespmem:s29+$0xC050]  }
0x230: {  	v13 =	vld [tilespmem:s29+$0x50]  }
0x231: {  	v14 =	vld [tilespmem:s29+$0xC060]  }
0x232: {  	v15 =	vld [tilespmem:s29+$0x60]  }
0x233: {  	v16 =	vld [tilespmem:s29+$0xC070]  }
0x234: {  	v17 =	vld [tilespmem:s29+$0x70]  }
0x235: {  	v18 =	vld [tilespmem:s29+$0xC400]  }
0x236: {  	v19 =	vld [tilespmem:s29+$0x400]  }
0x237: {  	v20 =	vld [tilespmem:s29+$0xC410]  }
0x238: {  	v21 =	vld [tilespmem:s29+$0x410]  }
0x239: {  	v22 =	vld [tilespmem:s29+$0xC420]  }
0x23a: {  	v23 =	vld [tilespmem:s29+$0x420]  }
0x23b: {  	v24 =	vld [tilespmem:s29+$0xC430]  }
0x23c: {  	v25 =	vld [tilespmem:s29+$0x430]  }
0x23d: {  	v26 =	vld [tilespmem:s29+$0xC440]  }
0x23e: {  	v27 =	vld [tilespmem:s29+$0x440]  }
0x23f: {  	v28 =	vld [tilespmem:s29+$0xC450]  }
0x240: {  	v29 =	vld [tilespmem:s29+$0x450]  }
0x241: {  	v30 =	vld [tilespmem:s29+$0xC460]  }
0x242: {  	v31 =	vld [tilespmem:s29+$0x460]  }
0x243: {  	v32 =	vld [tilespmem:s29+$0xC470]  }
0x244: {  	v33 =	vld [tilespmem:s29+$0x470]  }
0x245: {  	v34 =	vld [tilespmem:s29+$0xC800]  }
0x246: {  	v35 =	vld [tilespmem:s29+$0x800]  }
0x247: {  	v36 =	vld [tilespmem:s29+$0xC810]  }
0x248: {  	v37 =	vld [tilespmem:s29+$0x810]  }
0x249: {  	v38 =	vld [tilespmem:s29+$0xC820]  }
0x24a: {  	v39 =	vld [tilespmem:s29+$0x820]  }
0x24b: {  	v40 =	vld [tilespmem:s29+$0xC830]  }
0x24c: {  	v41 =	vld [tilespmem:s29+$0x830]  }
0x24d: {  	v42 =	vld [tilespmem:s29+$0xC840]  }
0x24e: {  	v43 =	vld [tilespmem:s29+$0x840]  }
0x24f: {  	v44 =	vld [tilespmem:s29+$0xC850]  }
0x250: {  	v45 =	vld [tilespmem:s29+$0x850]  }
0x251: {  	v46 =	vld [tilespmem:s29+$0xC860]  }
0x252: {  	v47 =	vld [tilespmem:s29+$0x860]  }
0x253: {  	v48 =	vld [tilespmem:s29+$0xC870]  }
0x254: {  	v49 =	vld [tilespmem:s29+$0x870]  }
0x255: {  	v50 =	vld [tilespmem:s29+$0xCC00]  }
0x256: {  	v51 =	vld [tilespmem:s29+$0xC00]  }
0x257: {  	v52 =	vld [tilespmem:s29+$0xCC10]  }
0x258: {  	v2 =	vadd.f32 v2, v7;
	v7 =	vld [tilespmem:s29+$0xC10]  }
0x259: {  	v3 =	vld [tilespmem:s29+$0xCC20];
	v1 =	vadd.f32 v56, v63  }
0x25a: {  	v4 =	vld [tilespmem:s29+$0xC20];
	[tilespmem:s29+$0x19470] =	vst v2;
	v61 =	vadd.f32 v59, v57  }
0x25b: {  	v5 =	vld [tilespmem:s29+$0xC30];
	[tilespmem:s29+$0x18000] =	vst v1;
	v0 =	vadd.f32 v0, v60  }
0x25c: {  	v6 =	vld [tilespmem:s29+$0xCC40];
	v62 =	vadd.f32 v9, v8;
	[tilespmem:s29+$0x18010] =	vst v61  }
0x25d: {  	v53 =	vld [tilespmem:s29+$0xD040];
	v63 =	vadd.f32 v11, v10;
	[tilespmem:s29+$0x18020] =	vst v0  }
0x25e: {  	v55 =	vld [tilespmem:s29+$0x1040];
	v13 =	vadd.f32 v13, v12;
	[tilespmem:s29+$0x18030] =	vst v62  }
0x25f: {  	v1 =	vld [tilespmem:s29+$0xCC30];
	v15 =	vadd.f32 v15, v14;
	[tilespmem:s29+$0x18040] =	vst v63  }
0x260: {  	v57 =	vld [tilespmem:s29+$0xD050];
	v17 =	vadd.f32 v17, v16;
	[tilespmem:s29+$0x18050] =	vst v13  }
0x261: {  	v59 =	vld [tilespmem:s29+$0x1050];
	v19 =	vadd.f32 v19, v18;
	[tilespmem:s29+$0x18060] =	vst v15  }
0x262: {  	v8 =	vld [tilespmem:s29+$0xC40];
	v21 =	vadd.f32 v21, v20;
	[tilespmem:s29+$0x18070] =	vst v17  }
0x263: {  	v9 =	vld [tilespmem:s29+$0xCC50];
	v23 =	vadd.f32 v23, v22;
	[tilespmem:s29+$0x18400] =	vst v19  }
0x264: {  	v10 =	vld [tilespmem:s29+$0xC50];
	v25 =	vadd.f32 v25, v24;
	[tilespmem:s29+$0x18410] =	vst v21  }
0x265: {  	v11 =	vld [tilespmem:s29+$0xCC60];
	v27 =	vadd.f32 v27, v26;
	[tilespmem:s29+$0x18420] =	vst v23  }
0x266: {  	v12 =	vld [tilespmem:s29+$0xC60];
	v29 =	vadd.f32 v29, v28;
	[tilespmem:s29+$0x18430] =	vst v25  }
0x267: {  	v14 =	vld [tilespmem:s29+$0xC70];
	v31 =	vadd.f32 v31, v30;
	[tilespmem:s29+$0x18440] =	vst v27  }
0x268: {  	v16 =	vld [tilespmem:s29+$0x1000];
	v33 =	vadd.f32 v33, v32;
	[tilespmem:s29+$0x18450] =	vst v29  }
0x269: {  	v18 =	vld [tilespmem:s29+$0x1010];
	v35 =	vadd.f32 v35, v34;
	[tilespmem:s29+$0x18460] =	vst v31  }
0x26a: {  	v37 =	vadd.f32 v37, v36;
	v20 =	vld [tilespmem:s29+$0x1020];
	[tilespmem:s29+$0x18470] =	vst v33  }
0x26b: {  	v39 =	vadd.f32 v39, v38;
	v22 =	vld [tilespmem:s29+$0x1030];
	[tilespmem:s29+$0x18800] =	vst v35  }
0x26c: {  	v41 =	vadd.f32 v41, v40;
	v30 =	vld [tilespmem:s29+$0x1070];
	[tilespmem:s29+$0x18810] =	vst v37  }
0x26d: {  	v43 =	vadd.f32 v43, v42;
	v32 =	vld [tilespmem:s29+$0xD400];
	[tilespmem:s29+$0x18820] =	vst v39  }
0x26e: {  	v54 =	vadd.f32 v45, v44;
	v34 =	vld [tilespmem:s29+$0x1400];
	[tilespmem:s29+$0x18830] =	vst v41  }
0x26f: {  	v56 =	vadd.f32 v47, v46;
	v36 =	vld [tilespmem:s29+$0xD410];
	[tilespmem:s29+$0x18840] =	vst v43  }
0x270: {  	v58 =	vadd.f32 v49, v48;
	v38 =	vld [tilespmem:s29+$0x1410];
	[tilespmem:s29+$0x18850] =	vst v54  }
0x271: {  	v60 =	vadd.f32 v51, v50;
	v40 =	vld [tilespmem:s29+$0xD420];
	[tilespmem:s29+$0x18860] =	vst v56  }
0x272: {  	v28 =	vadd.f32 v4, v3;
	v42 =	vld [tilespmem:s29+$0x1420];
	[tilespmem:s29+$0x18870] =	vst v58  }
0x273: {  	v44 =	vld [tilespmem:s29+$0xD430];
	v47 =	vadd.f32 v55, v53;
	[tilespmem:s29+$0x18C00] =	vst v60  }
0x274: {  	v46 =	vld [tilespmem:s29+$0x1430];
	v62 =	vadd.f32 v7, v52;
	[tilespmem:s29+$0x18C20] =	vst v28  }
0x275: {  	v48 =	vld [tilespmem:s29+$0xD440];
	[tilespmem:s29+$0x19040] =	vst v47;
	v1 =	vadd.f32 v5, v1  }
0x276: {  	v50 =	vld [tilespmem:s29+$0x1440];
	[tilespmem:s29+$0x18C10] =	vst v62;
	v49 =	vadd.f32 v59, v57  }
0x277: {  	v61 =	vld [tilespmem:s29+$0xD060];
	v31 =	vadd.f32 v8, v6;
	[tilespmem:s29+$0x18C30] =	vst v1  }
0x278: {  	v13 =	vld [tilespmem:s29+$0xCC70];
	v33 =	vadd.f32 v10, v9;
	[tilespmem:s29+$0x19050] =	vst v49  }
0x279: {  	v15 =	vld [tilespmem:s29+$0xD000];
	v35 =	vadd.f32 v12, v11;
	[tilespmem:s29+$0x18C40] =	vst v31  }
0x27a: {  	v17 =	vld [tilespmem:s29+$0xD010];
	v55 =	vadd.f32 v34, v32;
	[tilespmem:s29+$0x18C50] =	vst v33  }
0x27b: {  	v19 =	vld [tilespmem:s29+$0xD020];
	v57 =	vadd.f32 v38, v36;
	[tilespmem:s29+$0x18C60] =	vst v35  }
0x27c: {  	v21 =	vld [tilespmem:s29+$0xD030];
	v59 =	vadd.f32 v42, v40;
	[tilespmem:s29+$0x19400] =	vst v55  }
0x27d: {  	v63 =	vld [tilespmem:s29+$0x1060];
	v60 =	vadd.f32 v46, v44;
	[tilespmem:s29+$0x19410] =	vst v57  }
0x27e: {  	v29 =	vld [tilespmem:s29+$0xD070];
	v37 =	vadd.f32 v14, v13;
	[tilespmem:s29+$0x19420] =	vst v59  }
0x27f: {  	v52 =	vld [tilespmem:s29+$0xD450];
	v39 =	vadd.f32 v16, v15;
	[tilespmem:s29+$0x19430] =	vst v60  }
0x280: {  	v54 =	vld [tilespmem:s29+$0x1450];
	v41 =	vadd.f32 v18, v17;
	[tilespmem:s29+$0x18C70] =	vst v37  }
0x281: {  	v56 =	vld [tilespmem:s29+$0xD460];
	v43 =	vadd.f32 v20, v19;
	[tilespmem:s29+$0x19000] =	vst v39  }
0x282: {  	p0 =	sgt.u32 s22, $0xD;
	v58 =	vld [tilespmem:s29+$0x1460];
	v45 =	vadd.f32 v22, v21;
	[tilespmem:s29+$0x19010] =	vst v41  }
0x283: {  	p1 =	seq.s32 @!p0 s24, $0x0;
	v51 =	vadd.f32 v63, v61;
	[tilespmem:s29+$0x19020] =	vst v43  }
0x284: {  	p0 =	por p1, p0;
	v53 =	vadd.f32 v30, v29;
	[tilespmem:s29+$0x19030] =	vst v45  }
0x285: {  	s2 =	sadd.s32 @!p0 s25, s10;
	v61 =	vadd.f32 v50, v48;
	[tilespmem:s29+$0x19060] =	vst v51  }
0x286: {  	s2 =	sshrl.u32 @!p0 s2, $0x3;
	v62 =	vadd.f32 v54, v52;
	[tilespmem:s29+$0x19070] =	vst v53  }
0x287: {  	s2 =	smul.u32 @!p0 $0x300, s2;
	v63 =	vadd.f32 v58, v56;
	[tilespmem:s29+$0x19440] =	vst v61  }
0x288: {  	[tilespmem:s29+$0x19450] =	vst v62  }
0x289: {  	s24 =	simm.s32 @!p0 $0x0;
	s2 =	sadd.s32 @!p0 s3, s2;
	[tilespmem:s29+$0x19460] =	vst v63  }
0x28a: {  	[tilespmem:s24], [sflag:$0x3] =	stream.linear.gather @!p0 [hbm4b:s2+s24], $0x6000, $0x38;
	[tilespmem:$0x1E000] =	vst v63  }
0x28b: {  	p0 =	seq.s32 s22, $0xF  }
.Ltmp7:
0x28c: {  	_ = 	snop;
	(pc) =	sbr.rel @p0 .LBB2_12-.Ltmp7, $3  }
0x28d: {  	_ =	sdelay $0x1  }
0x28e: {  	s31 =	sadd.s32 s26, s11  }
0x28f: {  	[hbm4b:s31+s6] =	stream.linear.scatter [tilespmem:s19], [sflag:$0x5], $0x6000, $0x38;
	[tilespmem:$0x1E000] =	vst v63  }
0x290: {  	s2 =	sadd.s32 $0x3, s23  }
0x291: {  	s23 =	sshll.u32 s2, $0xD  }
0x292: {  	s2 =	sshll.u32 s2, $0x3;
	s23 =	sand.u32 $0x6000, s23  }
0x293: {  	s2 =	sand.u32 $0x1E0, s2;
	s23 =	sor.u32 s4, s23  }
0x294: {  	s2 =	sadd.s32 s2, s23  }
.Ltmp8:
0x295: {  	s2 =	sshrl.u32 s2, $0x3;
	(pc) =	sbr.rel .LBB2_2-.Ltmp8, $3  }
0x296: {  	s2 =	smul.u32 $0x300, s2;
	_ =	sdelay $0x1  }
0x297: {  	s22 =	sadd.s32 $0x1, s22;
	s2 =	sadd.s32 s1, s2  }
0x298: {  	[tilespmem:s14], [sflag:$0x2] =	stream.linear.gather [hbm4b:s2+s6], $0x6000, $0x38;
	[tilespmem:$0x1E000] =	vst v63  }
.LBB2_13:
0x299: {  	_ =	sfence.sel $0x180000  }
0x29a: {  	[bflag:$0x0] =	sbarrier.arrive $0xFFFF  }
0x29b: {  	_ =	strace $0x90000047  }
0x29c: {  	[bflag:$0x2] =	sbarrier.arrive $0xFFFF  }
0x29d: {  	p0 =	sne.s32 s0, $0x0;
	s0 =	rddreg [dreg:$0x3]  }
0x29e: {  	s0 =	sadd.s32 @!p0 $0x100000, s0  }
0x29f: {  	[sflag:s0] =	ssyncadd.tile.s32 @!p0 $0x1;
	_ =	shalt  }
.Lfunc_end2:
_tile_overlayer_lowered:
.L_overlay_start_2:
0x2a0: {  	(tag) =	ssettag $0x2  }
0x2a1: {  	s0 =	rddreg [dreg:$0x0];
	s2 =	stileid.u32  }
0x2a2: {  	s1 =	rddreg [dreg:$0x1];
	p0 =	sne.s32 s2, $0x0  }
0x2a3: {  	s3 =	rddreg [dreg:$0x2];
	[bflag:$0x3] =	sbarrier.arrive $0xFFFF;
	s2 =	simm.s32 @!p0 $0x1C06  }
0x2a4: {  	[timem:s3], [sflag:s2] =	dma.local @!p0 [hbm:s0], s1  }
0x2a5: {  	s0 =	simm.s32 @!p0 $0x6  }
0x2a6: {  	_ =	swait.ge @!p0 [sflag:s0], s1  }
0x2a7: {  	s1 =	ssub.s32 @!p0 $0x0, s1;
	[sflag:s0] =	ssyncset.done @!p0 $0x0  }
0x2a8: {  	[sflag:s0] =	ssyncadd.s32 @!p0 s1  }
0x2a9: {  	[bflag:$0x3] =	sbarrier.arrive $0xFFFF  }
0x2aa: {  	_ =	shalt  }

</sc_bundles>
